<compile_context>
chip_gen: v7x
topology: tpu7x:2x2x1
jax: 0.10.2.dev20260603
libtpu: 0.0.44.dev20260713+nightly
codegen_flags: <defaults>
</compile_context>

<pallas_src>
import functools

import jax
import jax.numpy as jnp
from jax import lax
from jax.experimental import pallas as pl
from jax.experimental.pallas import tpu as pltpu
from jax.experimental.pallas import tpu_sc as plsc

_N = 10000
_D = 128
_G = 64
_C = 10
_E = 320000
_NC = 2
_NS = 16
_NW = _NC * _NS
_LANE = 128
_NCH = 80
_EPAD = _NW * _NCH * _LANE
_PADE = _EPAD - _E
_R = 10000
_SPAN = 624
_TAIL = _R - _NS * _SPAN
_RD = 10240
_SPD = _RD // _NS
_XROWS = _N + 8



@functools.lru_cache(maxsize=None)
def _build_deg_kernel():
    mesh = plsc.VectorSubcoreMesh(core_axis_name="c", subcore_axis_name="s")
    return functools.partial(
        pl.kernel,
        mesh=mesh,
        out_type=jax.ShapeDtypeStruct((_NC, _RD), jnp.float32),
        scratch_types=[
            pltpu.VMEM((_NCH, _LANE), jnp.int32),
            pltpu.VMEM((_LANE,), jnp.float32),
            pltpu.VMEM((_SPD,), jnp.float32),
            pltpu.VMEM_SHARED((_RD,), jnp.float32),
        ],
    )(_deg_body)


def _deg_body(dst_hbm, out_hbm, dstv, onesv, zv, dega):
    cid = lax.axis_index("c")
    sid = lax.axis_index("s")
    wid = sid * _NC + cid
    pltpu.sync_copy(dst_hbm.at[wid], dstv)
    for j in range(_LANE // 16):
        onesv[pl.ds(j * 16, 16)] = jnp.ones((16,), jnp.float32)

    def _zero(i, c):
        zv[pl.ds(i * 16, 16)] = jnp.zeros((16,), jnp.float32)
        return c

    lax.fori_loop(0, _SPD // 16, _zero, 0)
    pltpu.sync_copy(zv, dega.at[pl.ds(sid * _SPD, _SPD)])
    plsc.subcore_barrier()

    def _chunk(j, c):
        pltpu.sync_copy(onesv, dega.at[dstv.at[j]], add=True)
        return c

    lax.fori_loop(0, _NCH, _chunk, 0)
    plsc.subcore_barrier()
    pltpu.sync_copy(dega.at[pl.ds(sid * _SPD, _SPD)], zv)
    pltpu.sync_copy(zv, out_hbm.at[cid, pl.ds(sid * _SPD, _SPD)])


@functools.lru_cache(maxsize=None)
def _build_msg_kernel():
    mesh = plsc.VectorSubcoreMesh(core_axis_name="c", subcore_axis_name="s")
    return functools.partial(
        pl.kernel,
        mesh=mesh,
        out_type=jax.ShapeDtypeStruct((_NC, _R, _D), jnp.float32),
        scratch_types=[
            pltpu.VMEM((_NCH, _LANE), jnp.int32),
            pltpu.VMEM((_NCH, _LANE), jnp.int32),
            pltpu.VMEM((_LANE, _D), jnp.float32),
            pltpu.VMEM((_LANE, _D), jnp.float32),
            pltpu.VMEM_SHARED((_R, _D), jnp.float32),
            pltpu.SemaphoreType.DMA,
            pltpu.SemaphoreType.DMA,
        ],
    )(_msg_body)


def _msg_body(src_hbm, dst_hbm, xw_hbm, out_hbm, srcv, dstv, r0, r1,
              acc, s0, s1):
    cid = lax.axis_index("c")
    sid = lax.axis_index("s")
    wid = sid * _NC + cid
    last = sid == _NS - 1
    pltpu.sync_copy(src_hbm.at[wid], srcv)
    pltpu.sync_copy(dst_hbm.at[wid], dstv)

    def _zero(i, c):
        for j in range(_D // 16):
            r0[i, pl.ds(j * 16, 16)] = jnp.zeros((16,), jnp.float32)
        return c

    lax.fori_loop(0, _LANE, _zero, 0)
    nz = _SPAN // _LANE
    rz = _SPAN - nz * _LANE
    for t in range(nz):
        pltpu.sync_copy(r0, acc.at[pl.ds(sid * _SPAN + t * _LANE, _LANE)])
    pltpu.sync_copy(r0.at[pl.ds(0, rz)],
                    acc.at[pl.ds(sid * _SPAN + nz * _LANE, rz)])

    @pl.when(last)
    def _():
        pltpu.sync_copy(r0.at[pl.ds(0, _TAIL)],
                        acc.at[pl.ds(_NS * _SPAN, _TAIL)])

    plsc.subcore_barrier()

    def _chunk(j, c):
        pltpu.async_copy(xw_hbm.at[srcv.at[j]], r0, s0).wait()
        pltpu.sync_copy(r0, acc.at[dstv.at[j]], add=True)
        return c

    lax.fori_loop(0, _NCH, _chunk, 0)
    plsc.subcore_barrier()
    for t in range(nz):
        sl = pl.ds(sid * _SPAN + t * _LANE, _LANE)
        pltpu.sync_copy(acc.at[sl], r0)
        pltpu.sync_copy(r0, out_hbm.at[cid, sl])
    sl = pl.ds(sid * _SPAN + nz * _LANE, rz)
    pltpu.sync_copy(acc.at[sl], r0.at[pl.ds(0, rz)])
    pltpu.sync_copy(r0.at[pl.ds(0, rz)], out_hbm.at[cid, sl])

    @pl.when(last)
    def _():
        sl2 = pl.ds(_NS * _SPAN, _TAIL)
        pltpu.sync_copy(acc.at[sl2], r0.at[pl.ds(0, _TAIL)])
        pltpu.sync_copy(r0.at[pl.ds(0, _TAIL)], out_hbm.at[cid, sl2])



def _deg_dinv(degt_ref, rows):
    deg = degt_ref[:, 0:1] + degt_ref[:, 1:2] + 1.0
    iota = lax.broadcasted_iota(jnp.int32, (rows, 1), 0)
    deg = deg - jnp.where(iota < _PADE, 1.0, 0.0)
    return lax.rsqrt(deg)


def _scale_body(degt_ref, x_ref, w_ref, o_ref):
    dinv = _deg_dinv(degt_ref, _XROWS)
    xw = jnp.dot(x_ref[...], w_ref[...], preferred_element_type=jnp.float32)
    o_ref[...] = xw * dinv


def _layer_body(a0_ref, a1_ref, xws_ref, degt_ref, b_ref, w_ref, o_ref):
    dinv = _deg_dinv(degt_ref, _XROWS)
    agg = a0_ref[...] + a1_ref[...]
    aggp = jnp.concatenate(
        [agg, jnp.zeros((_XROWS - _N, _D), jnp.float32)], axis=0)
    h = (aggp + xws_ref[...]) * dinv + b_ref[...]
    iota = lax.broadcasted_iota(jnp.int32, (_XROWS, 1), 0)
    h = jnp.maximum(h, 0.0) * jnp.where(iota < _N, 1.0, 0.0)
    o_ref[...] = jnp.dot(h, w_ref[...], preferred_element_type=jnp.float32) * dinv


def _head_body(a0_ref, a1_ref, xws_ref, degt_ref, b_ref, batch_ref, wfc_ref,
               bfc_ref, o_ref):
    dinv = _deg_dinv(degt_ref, _XROWS)[:_N, :]
    h = (a0_ref[...] + a1_ref[...] + xws_ref[:_N, :]) * dinv + b_ref[...]
    h = jnp.maximum(h, 0.0)
    gids = lax.broadcasted_iota(jnp.int32, (_G, _N), 0)
    onehot = (batch_ref[...] == gids).astype(jnp.float32)
    sums = jnp.dot(onehot, h, preferred_element_type=jnp.float32)
    cnts = jnp.sum(onehot, axis=1, keepdims=True)
    g = sums / jnp.maximum(cnts, 1.0)
    logits = jnp.dot(g, wfc_ref[...], preferred_element_type=jnp.float32)
    logits = logits + bfc_ref[...]
    m = jnp.max(logits, axis=1, keepdims=True)
    s = logits - m
    o_ref[...] = s - jnp.log(jnp.sum(jnp.exp(s), axis=1, keepdims=True))


def _tc_call(body, out_shape, *args):
    return pl.pallas_call(
        body, out_shape=jax.ShapeDtypeStruct(out_shape, jnp.float32))(*args)



@jax.jit
def kernel(x, edge_index, batch, W1, b1, W2, b2, Wfc, bfc):
    src = edge_index[0].astype(jnp.int32)
    dst = edge_index[1].astype(jnp.int32)
    padi = jnp.arange(_PADE, dtype=jnp.int32)
    srcp = jnp.concatenate([src, _N + padi % (_XROWS - _N)])
    dstp = jnp.concatenate([dst, padi])
    srcp = srcp.reshape(_NW, _NCH, _LANE)
    dstp = dstp.reshape(_NW, _NCH, _LANE)
    xp = jnp.concatenate([x, jnp.zeros((_XROWS - _N, _D), x.dtype)])

    deg_parts = _build_deg_kernel()(dstp)
    degt = jnp.transpose(deg_parts[:, :_N])
    degt = jnp.concatenate([degt, jnp.zeros((_XROWS - _N, 2), jnp.float32)])

    msg = _build_msg_kernel()
    xw1s = _tc_call(_scale_body, (_XROWS, _D), degt, xp, W1)
    acc1 = msg(srcp, dstp, xw1s)
    xw2s = _tc_call(_layer_body, (_XROWS, _D),
                    acc1[0], acc1[1], xw1s, degt, b1.reshape(1, _D), W2)
    acc2 = msg(srcp, dstp, xw2s)
    out = _tc_call(_head_body, (_G, _C),
                   acc2[0], acc2[1], xw2s, degt,
                   b2.reshape(1, _D), batch.astype(jnp.int32).reshape(1, _N),
                   Wfc, bfc.reshape(1, _C))
    return out

# --- scband reference (transcript-rebuilt; emitter-appended) ---
"""Pipeline reference for scband-gcn-67551245631638 (READ-ONLY COPY).

The authoritative reference and input builder live on the scoring server;
editing this copy changes nothing except your own understanding.
"""

import jax, jax.numpy as jnp
import numpy as np

N_NODES = 10000
N_EDGES = 320000
D_FEAT = 128
HIDDEN = 128
N_CLASSES = 10
N_GRAPHS = 64


def gcn_conv(x, edge_index, W, b):
    n = x.shape[0]
    loop = jnp.arange(n, dtype=edge_index.dtype)
    src = jnp.concatenate([edge_index[0], loop])
    dst = jnp.concatenate([edge_index[1], loop])
    deg = jnp.zeros((n,), dtype=x.dtype).at[dst].add(1.0)
    dinv = jnp.where(deg > 0, deg ** -0.5, 0.0)
    norm = dinv[src] * dinv[dst]
    xw = x @ W
    msg = xw[src] * norm[:, None]
    out = jnp.zeros((n, W.shape[1]), dtype=x.dtype).at[dst].add(msg)
    return out + b


def global_mean_pool(x, batch, num_graphs):
    sums = jax.ops.segment_sum(x, batch, num_segments=num_graphs)
    cnts = jax.ops.segment_sum(jnp.ones((x.shape[0],), dtype=x.dtype), batch, num_segments=num_graphs)
    cnts = jnp.maximum(cnts, 1.0)
    return sums / cnts[:, None]


def setup_inputs(seed: int = 0) -> dict:
    key = jax.random.key(seed)
    k = jax.random.split(key, 10)
    x = jax.random.normal(k[0], (N_NODES, D_FEAT), dtype=jnp.float32)
    edge_index = jax.random.randint(k[1], (2, N_EDGES), 0, N_NODES, dtype=jnp.int64)
    batch = jnp.sort(jax.random.randint(k[2], (N_NODES,), 0, N_GRAPHS, dtype=jnp.int64))
    W1 = jax.random.normal(k[3], (D_FEAT, HIDDEN), dtype=jnp.float32) * (1.0 / np.sqrt(D_FEAT))
    b1 = jnp.zeros((HIDDEN,), dtype=jnp.float32)
    W2 = jax.random.normal(k[4], (HIDDEN, HIDDEN), dtype=jnp.float32) * (1.0 / np.sqrt(HIDDEN))
    b2 = jnp.zeros((HIDDEN,), dtype=jnp.float32)
    Wfc = jax.random.normal(k[5], (HIDDEN, N_CLASSES), dtype=jnp.float32) * (1.0 / np.sqrt(HIDDEN))
    bfc = jnp.zeros((N_CLASSES,), dtype=jnp.float32)
    return {"x": x, "edge_index": edge_index, "batch": batch,
            "W1": W1, "b1": b1, "W2": W2, "b2": b2, "Wfc": Wfc, "bfc": bfc}


def reference(x, edge_index, batch, W1, b1, W2, b2, Wfc, bfc):
    h = gcn_conv(x, edge_index, W1, b1)
    h = jax.nn.relu(h)
    # dropout p=0 -> identity
    h = gcn_conv(h, edge_index, W2, b2)
    h = jax.nn.relu(h)
    g = global_mean_pool(h, batch, N_GRAPHS)
    logits = g @ Wfc + bfc
    return jax.nn.log_softmax(logits, axis=1)

if __name__ == "__main__":
    import jax
    _d = setup_inputs()
    print(jax.jit(kernel)(*tuple(_d.values())))

</pallas_src>

<mosaic_0001>
#map = affine_map<(d0, d1) -> (0, 0, 0)>
#map1 = affine_map<(d0, d1) -> (0, 0)>
module attributes {stable_mosaic.version = 14 : i64} {
  func.func @_deg_body(%arg0: i32, %arg1: i32, %arg2: memref<32x80x128xi32, #tpu.memory_space<hbm>>, %arg3: memref<2x10240xf32, #tpu.memory_space<hbm>>, %arg4: memref<80x128xi32, #tpu.memory_space<vmem>>, %arg5: memref<128xf32, #tpu.memory_space<vmem>>, %arg6: memref<640xf32, #tpu.memory_space<vmem>>, %arg7: memref<10240xf32, #tpu.memory_space<vmem_shared>>) attributes {dimension_semantics = [#tpu.dimension_semantics<core_parallel>, #tpu.dimension_semantics<subcore_parallel>], iteration_bounds = array<i64: 2, 16>, scalar_prefetch = 0 : i64, scratch_operands = 4 : i64, tpu.core_type = #tpu.core_type<sc_vector_subcore>, window_params = [{transform_indices = #map}, {transform_indices = #map1}]} {
    %mul3A = arith.constant 2 : i32
    %mul3A_0 = arith.muli %arg1, %mul3A : i32
    %add3A = arith.addi %mul3A_0, %arg0 : i32
    "tpu.region"() ({
      %run_scoped3A = tpu.sem_alloc : memref<!tpu.dma_semaphore, #tpu.memory_space<semaphore_mem>>
      %dma_start3A = arith.constant 0 : i32
      %dma_start3A_65 = arith.constant 0 : i32
      %dma_start3A_66 = tpu.memref_slice %arg2[%add3A, %dma_start3A, %dma_start3A_65] : memref<32x80x128xi32, #tpu.memory_space<hbm>> -> memref<1x80x128xi32, #tpu.memory_space<hbm>>
      %dma_start3A_67 = tpu.memref_squeeze %dma_start3A_66 : memref<1x80x128xi32, #tpu.memory_space<hbm>> -> memref<80x128xi32, #tpu.memory_space<hbm>>
      %dma_start3A_68 = arith.constant 0 : i32
      %dma_start3A_69 = arith.constant 0 : i32
      %dma_start3A_70 = tpu.memref_slice %arg2[%add3A, %dma_start3A_68, %dma_start3A_69] : memref<32x80x128xi32, #tpu.memory_space<hbm>> -> memref<1x80x128xi32, #tpu.memory_space<hbm>>
      %dma_start3A_71 = tpu.memref_squeeze %dma_start3A_70 : memref<1x80x128xi32, #tpu.memory_space<hbm>> -> memref<80x128xi32, #tpu.memory_space<hbm>>
      tpu.enqueue_dma source(%dma_start3A_71 : memref<80x128xi32, #tpu.memory_space<hbm>>) target(%arg4 : memref<80x128xi32, #tpu.memory_space<vmem>>) target_semaphore(%run_scoped3A : memref<!tpu.dma_semaphore, #tpu.memory_space<semaphore_mem>>)
      %dma_wait3A = arith.constant 0 : i32
      %dma_wait3A_72 = arith.constant 0 : i32
      %dma_wait3A_73 = tpu.memref_slice %arg2[%add3A, %dma_wait3A, %dma_wait3A_72] : memref<32x80x128xi32, #tpu.memory_space<hbm>> -> memref<1x80x128xi32, #tpu.memory_space<hbm>>
      %dma_wait3A_74 = tpu.memref_squeeze %dma_wait3A_73 : memref<1x80x128xi32, #tpu.memory_space<hbm>> -> memref<80x128xi32, #tpu.memory_space<hbm>>
      %dma_wait3A_75 = arith.constant 0 : i32
      %dma_wait3A_76 = arith.constant 0 : i32
      %dma_wait3A_77 = tpu.memref_slice %arg2[%add3A, %dma_wait3A_75, %dma_wait3A_76] : memref<32x80x128xi32, #tpu.memory_space<hbm>> -> memref<1x80x128xi32, #tpu.memory_space<hbm>>
      %dma_wait3A_78 = tpu.memref_squeeze %dma_wait3A_77 : memref<1x80x128xi32, #tpu.memory_space<hbm>> -> memref<80x128xi32, #tpu.memory_space<hbm>>
      tpu.wait_dma2 semaphore(%run_scoped3A : memref<!tpu.dma_semaphore, #tpu.memory_space<semaphore_mem>>) src(%dma_wait3A_78 : memref<80x128xi32, #tpu.memory_space<hbm>>) dst(%arg4 : memref<80x128xi32, #tpu.memory_space<vmem>>)
      tpu.yield
    }) : () -> ()
    %broadcast_in_dim3A = arith.constant 1.000000e+00 : f32
    %broadcast_in_dim3A_1 = vector.broadcast %broadcast_in_dim3A : f32 to vector<16xf32>
    %swap3A = arith.constant 0 : index
    %swap3A_2 = tpu.vector_load %arg5[%swap3A] {strides = array<i32>} : memref<128xf32, #tpu.memory_space<vmem>>, vector<16xf32>,
    %swap3A_3 = vector.shape_cast %swap3A_2 : vector<16xf32> to vector<16xf32>
    %swap3A_4 = vector.shape_cast %broadcast_in_dim3A_1 : vector<16xf32> to vector<16xf32>
    tpu.vector_store %arg5[%swap3A], %swap3A_4 {strides = array<i32>} : memref<128xf32, #tpu.memory_space<vmem>>, vector<16xf32>,
    %broadcast_in_dim3A_5 = arith.constant 1.000000e+00 : f32
    %broadcast_in_dim3A_6 = vector.broadcast %broadcast_in_dim3A_5 : f32 to vector<16xf32>
    %swap3A_7 = arith.constant 16 : index
    %swap3A_8 = tpu.vector_load %arg5[%swap3A_7] {strides = array<i32>} : memref<128xf32, #tpu.memory_space<vmem>>, vector<16xf32>,
    %swap3A_9 = vector.shape_cast %swap3A_8 : vector<16xf32> to vector<16xf32>
    %swap3A_10 = vector.shape_cast %broadcast_in_dim3A_6 : vector<16xf32> to vector<16xf32>
    tpu.vector_store %arg5[%swap3A_7], %swap3A_10 {strides = array<i32>} : memref<128xf32, #tpu.memory_space<vmem>>, vector<16xf32>,
    %broadcast_in_dim3A_11 = arith.constant 1.000000e+00 : f32
    %broadcast_in_dim3A_12 = vector.broadcast %broadcast_in_dim3A_11 : f32 to vector<16xf32>
    %swap3A_13 = arith.constant 32 : index
    %swap3A_14 = tpu.vector_load %arg5[%swap3A_13] {strides = array<i32>} : memref<128xf32, #tpu.memory_space<vmem>>, vector<16xf32>,
    %swap3A_15 = vector.shape_cast %swap3A_14 : vector<16xf32> to vector<16xf32>
    %swap3A_16 = vector.shape_cast %broadcast_in_dim3A_12 : vector<16xf32> to vector<16xf32>
    tpu.vector_store %arg5[%swap3A_13], %swap3A_16 {strides = array<i32>} : memref<128xf32, #tpu.memory_space<vmem>>, vector<16xf32>,
    %broadcast_in_dim3A_17 = arith.constant 1.000000e+00 : f32
    %broadcast_in_dim3A_18 = vector.broadcast %broadcast_in_dim3A_17 : f32 to vector<16xf32>
    %swap3A_19 = arith.constant 48 : index
    %swap3A_20 = tpu.vector_load %arg5[%swap3A_19] {strides = array<i32>} : memref<128xf32, #tpu.memory_space<vmem>>, vector<16xf32>,
    %swap3A_21 = vector.shape_cast %swap3A_20 : vector<16xf32> to vector<16xf32>
    %swap3A_22 = vector.shape_cast %broadcast_in_dim3A_18 : vector<16xf32> to vector<16xf32>
    tpu.vector_store %arg5[%swap3A_19], %swap3A_22 {strides = array<i32>} : memref<128xf32, #tpu.memory_space<vmem>>, vector<16xf32>,
    %broadcast_in_dim3A_23 = arith.constant 1.000000e+00 : f32
    %broadcast_in_dim3A_24 = vector.broadcast %broadcast_in_dim3A_23 : f32 to vector<16xf32>
    %swap3A_25 = arith.constant 64 : index
    %swap3A_26 = tpu.vector_load %arg5[%swap3A_25] {strides = array<i32>} : memref<128xf32, #tpu.memory_space<vmem>>, vector<16xf32>,
    %swap3A_27 = vector.shape_cast %swap3A_26 : vector<16xf32> to vector<16xf32>
    %swap3A_28 = vector.shape_cast %broadcast_in_dim3A_24 : vector<16xf32> to vector<16xf32>
    tpu.vector_store %arg5[%swap3A_25], %swap3A_28 {strides = array<i32>} : memref<128xf32, #tpu.memory_space<vmem>>, vector<16xf32>,
    %broadcast_in_dim3A_29 = arith.constant 1.000000e+00 : f32
    %broadcast_in_dim3A_30 = vector.broadcast %broadcast_in_dim3A_29 : f32 to vector<16xf32>
    %swap3A_31 = arith.constant 80 : index
    %swap3A_32 = tpu.vector_load %arg5[%swap3A_31] {strides = array<i32>} : memref<128xf32, #tpu.memory_space<vmem>>, vector<16xf32>,
    %swap3A_33 = vector.shape_cast %swap3A_32 : vector<16xf32> to vector<16xf32>
    %swap3A_34 = vector.shape_cast %broadcast_in_dim3A_30 : vector<16xf32> to vector<16xf32>
    tpu.vector_store %arg5[%swap3A_31], %swap3A_34 {strides = array<i32>} : memref<128xf32, #tpu.memory_space<vmem>>, vector<16xf32>,
    %broadcast_in_dim3A_35 = arith.constant 1.000000e+00 : f32
    %broadcast_in_dim3A_36 = vector.broadcast %broadcast_in_dim3A_35 : f32 to vector<16xf32>
    %swap3A_37 = arith.constant 96 : index
    %swap3A_38 = tpu.vector_load %arg5[%swap3A_37] {strides = array<i32>} : memref<128xf32, #tpu.memory_space<vmem>>, vector<16xf32>,
    %swap3A_39 = vector.shape_cast %swap3A_38 : vector<16xf32> to vector<16xf32>
    %swap3A_40 = vector.shape_cast %broadcast_in_dim3A_36 : vector<16xf32> to vector<16xf32>
    tpu.vector_store %arg5[%swap3A_37], %swap3A_40 {strides = array<i32>} : memref<128xf32, #tpu.memory_space<vmem>>, vector<16xf32>,
    %broadcast_in_dim3A_41 = arith.constant 1.000000e+00 : f32
    %broadcast_in_dim3A_42 = vector.broadcast %broadcast_in_dim3A_41 : f32 to vector<16xf32>
    %swap3A_43 = arith.constant 112 : index
    %swap3A_44 = tpu.vector_load %arg5[%swap3A_43] {strides = array<i32>} : memref<128xf32, #tpu.memory_space<vmem>>, vector<16xf32>,
    %swap3A_45 = vector.shape_cast %swap3A_44 : vector<16xf32> to vector<16xf32>
    %swap3A_46 = vector.shape_cast %broadcast_in_dim3A_42 : vector<16xf32> to vector<16xf32>
    tpu.vector_store %arg5[%swap3A_43], %swap3A_46 {strides = array<i32>} : memref<128xf32, #tpu.memory_space<vmem>>, vector<16xf32>,
    %scan3A = arith.constant 0 : i32
    %scan3A_47 = arith.constant 0 : i32
    %scan3A_48 = arith.constant 40 : i32
    %scan3A_49 = arith.addi %scan3A_47, %scan3A_48 : i32
    %scan3A_50 = arith.constant 1 : i32
    scf.for %scan3A_65 = %scan3A_47 to %scan3A_49 step %scan3A_50  : i32 {
      %broadcast_in_dim3A_66 = arith.constant 0.000000e+00 : f32
      %broadcast_in_dim3A_67 = vector.broadcast %broadcast_in_dim3A_66 : f32 to vector<16xf32>
      %mul3A_68 = arith.constant 16 : i32
      %mul3A_69 = arith.muli %scan3A_65, %mul3A_68 : i32
      %swap3A_70 = arith.index_cast %mul3A_69 : i32 to index
      %swap3A_71 = tpu.vector_load %arg6[%swap3A_70] {strides = array<i32>} : memref<640xf32, #tpu.memory_space<vmem>>, vector<16xf32>,
      %swap3A_72 = vector.shape_cast %swap3A_71 : vector<16xf32> to vector<16xf32>
      %swap3A_73 = vector.shape_cast %broadcast_in_dim3A_67 : vector<16xf32> to vector<16xf32>
      tpu.vector_store %arg6[%swap3A_70], %swap3A_73 {strides = array<i32>} : memref<640xf32, #tpu.memory_space<vmem>>, vector<16xf32>,
    }
    %scan3A_51 = arith.constant 40 : i32
    %mul3A_52 = arith.constant 640 : i32
    %mul3A_53 = arith.muli %arg1, %mul3A_52 : i32
    "tpu.region"() ({
      %run_scoped3A = tpu.sem_alloc : memref<!tpu.dma_semaphore, #tpu.memory_space<semaphore_mem>>
      %dma_start3A = tpu.memref_slice %arg7[%mul3A_53] : memref<10240xf32, #tpu.memory_space<vmem_shared>> -> memref<640xf32, #tpu.memory_space<vmem_shared>>
      %dma_start3A_65 = tpu.memref_slice %arg7[%mul3A_53] : memref<10240xf32, #tpu.memory_space<vmem_shared>> -> memref<640xf32, #tpu.memory_space<vmem_shared>>
      tpu.enqueue_dma source(%arg6 : memref<640xf32, #tpu.memory_space<vmem>>) target(%dma_start3A_65 : memref<640xf32, #tpu.memory_space<vmem_shared>>) target_semaphore(%run_scoped3A : memref<!tpu.dma_semaphore, #tpu.memory_space<semaphore_mem>>)
      %dma_wait3A = tpu.memref_slice %arg7[%mul3A_53] : memref<10240xf32, #tpu.memory_space<vmem_shared>> -> memref<640xf32, #tpu.memory_space<vmem_shared>>
      %dma_wait3A_66 = tpu.memref_slice %arg7[%mul3A_53] : memref<10240xf32, #tpu.memory_space<vmem_shared>> -> memref<640xf32, #tpu.memory_space<vmem_shared>>
      tpu.wait_dma2 semaphore(%run_scoped3A : memref<!tpu.dma_semaphore, #tpu.memory_space<semaphore_mem>>) src(%arg6 : memref<640xf32, #tpu.memory_space<vmem>>) dst(%dma_wait3A_66 : memref<640xf32, #tpu.memory_space<vmem_shared>>)
      tpu.yield
    }) : () -> ()
    %barrier3A = arith.constant 0 : index
    tpu.barrier barrier_id(%barrier3A)
    %scan3A_54 = arith.constant 0 : i32
    %scan3A_55 = arith.constant 0 : i32
    %scan3A_56 = arith.constant 80 : i32
    %scan3A_57 = arith.addi %scan3A_55, %scan3A_56 : i32
    %scan3A_58 = arith.constant 1 : i32
    scf.for %scan3A_65 = %scan3A_55 to %scan3A_57 step %scan3A_58  : i32 {
      "tpu.region"() ({
        %run_scoped3A = tpu.sem_alloc : memref<!tpu.dma_semaphore, #tpu.memory_space<semaphore_mem>>
        %dma_start3A = arith.constant 0 : i32
        %dma_start3A_66 = tpu.memref_slice %arg4[%scan3A_65, %dma_start3A] : memref<80x128xi32, #tpu.memory_space<vmem>> -> memref<1x128xi32, #tpu.memory_space<vmem>>
        %dma_start3A_67 = tpu.memref_squeeze %dma_start3A_66 : memref<1x128xi32, #tpu.memory_space<vmem>> -> memref<128xi32, #tpu.memory_space<vmem>>
        %dma_start3A_68 = arith.constant 0 : i32
        %dma_start3A_69 = tpu.memref_slice %arg7[%dma_start3A_68] : memref<10240xf32, #tpu.memory_space<vmem_shared>> -> memref<10240xf32, #tpu.memory_space<vmem_shared>>
        tpu.enqueue_indirect_dma source(%arg5 : memref<128xf32, #tpu.memory_space<vmem>>) target(%dma_start3A_69 : memref<10240xf32, #tpu.memory_space<vmem_shared>>) offsets(%dma_start3A_67 : memref<128xi32, #tpu.memory_space<vmem>>) semaphore(%run_scoped3A : memref<!tpu.dma_semaphore, #tpu.memory_space<semaphore_mem>>) {add = true}
        %dma_wait3A = arith.constant 0 : i32
        %dma_wait3A_70 = tpu.memref_slice %arg4[%scan3A_65, %dma_wait3A] : memref<80x128xi32, #tpu.memory_space<vmem>> -> memref<1x128xi32, #tpu.memory_space<vmem>>
        %dma_wait3A_71 = tpu.memref_squeeze %dma_wait3A_70 : memref<1x128xi32, #tpu.memory_space<vmem>> -> memref<128xi32, #tpu.memory_space<vmem>>
        %dma_wait3A_72 = arith.constant 0 : i32
        %dma_wait3A_73 = tpu.memref_slice %arg7[%dma_wait3A_72] : memref<10240xf32, #tpu.memory_space<vmem_shared>> -> memref<10240xf32, #tpu.memory_space<vmem_shared>>
        tpu.wait_indirect_dma semaphore(%run_scoped3A : memref<!tpu.dma_semaphore, #tpu.memory_space<semaphore_mem>>) src(%arg5 : memref<128xf32, #tpu.memory_space<vmem>>) dst(%dma_wait3A_73 : memref<10240xf32, #tpu.memory_space<vmem_shared>>)
        tpu.yield
      }) : () -> ()
    }
    %scan3A_59 = arith.constant 80 : i32
    %barrier3A_60 = arith.constant 0 : index
    tpu.barrier barrier_id(%barrier3A_60)
    %mul3A_61 = arith.constant 640 : i32
    %mul3A_62 = arith.muli %arg1, %mul3A_61 : i32
    "tpu.region"() ({
      %run_scoped3A = tpu.sem_alloc : memref<!tpu.dma_semaphore, #tpu.memory_space<semaphore_mem>>
      %dma_start3A = tpu.memref_slice %arg7[%mul3A_62] : memref<10240xf32, #tpu.memory_space<vmem_shared>> -> memref<640xf32, #tpu.memory_space<vmem_shared>>
      %dma_start3A_65 = tpu.memref_slice %arg7[%mul3A_62] : memref<10240xf32, #tpu.memory_space<vmem_shared>> -> memref<640xf32, #tpu.memory_space<vmem_shared>>
      tpu.enqueue_dma source(%dma_start3A_65 : memref<640xf32, #tpu.memory_space<vmem_shared>>) target(%arg6 : memref<640xf32, #tpu.memory_space<vmem>>) target_semaphore(%run_scoped3A : memref<!tpu.dma_semaphore, #tpu.memory_space<semaphore_mem>>)
      %dma_wait3A = tpu.memref_slice %arg7[%mul3A_62] : memref<10240xf32, #tpu.memory_space<vmem_shared>> -> memref<640xf32, #tpu.memory_space<vmem_shared>>
      %dma_wait3A_66 = tpu.memref_slice %arg7[%mul3A_62] : memref<10240xf32, #tpu.memory_space<vmem_shared>> -> memref<640xf32, #tpu.memory_space<vmem_shared>>
      tpu.wait_dma2 semaphore(%run_scoped3A : memref<!tpu.dma_semaphore, #tpu.memory_space<semaphore_mem>>) src(%dma_wait3A_66 : memref<640xf32, #tpu.memory_space<vmem_shared>>) dst(%arg6 : memref<640xf32, #tpu.memory_space<vmem>>)
      tpu.yield
    }) : () -> ()
    %mul3A_63 = arith.constant 640 : i32
    %mul3A_64 = arith.muli %arg1, %mul3A_63 : i32
    "tpu.region"() ({
      %run_scoped3A = tpu.sem_alloc : memref<!tpu.dma_semaphore, #tpu.memory_space<semaphore_mem>>
      %dma_start3A = tpu.memref_slice %arg3[%arg0, %mul3A_64] : memref<2x10240xf32, #tpu.memory_space<hbm>> -> memref<1x640xf32, #tpu.memory_space<hbm>>
      %dma_start3A_65 = tpu.memref_squeeze %dma_start3A : memref<1x640xf32, #tpu.memory_space<hbm>> -> memref<640xf32, #tpu.memory_space<hbm>>
      %dma_start3A_66 = tpu.memref_slice %arg3[%arg0, %mul3A_64] : memref<2x10240xf32, #tpu.memory_space<hbm>> -> memref<1x640xf32, #tpu.memory_space<hbm>>
      %dma_start3A_67 = tpu.memref_squeeze %dma_start3A_66 : memref<1x640xf32, #tpu.memory_space<hbm>> -> memref<640xf32, #tpu.memory_space<hbm>>
      tpu.enqueue_dma source(%arg6 : memref<640xf32, #tpu.memory_space<vmem>>) target(%dma_start3A_67 : memref<640xf32, #tpu.memory_space<hbm>>) target_semaphore(%run_scoped3A : memref<!tpu.dma_semaphore, #tpu.memory_space<semaphore_mem>>)
      %dma_wait3A = tpu.memref_slice %arg3[%arg0, %mul3A_64] : memref<2x10240xf32, #tpu.memory_space<hbm>> -> memref<1x640xf32, #tpu.memory_space<hbm>>
      %dma_wait3A_68 = tpu.memref_squeeze %dma_wait3A : memref<1x640xf32, #tpu.memory_space<hbm>> -> memref<640xf32, #tpu.memory_space<hbm>>
      %dma_wait3A_69 = tpu.memref_slice %arg3[%arg0, %mul3A_64] : memref<2x10240xf32, #tpu.memory_space<hbm>> -> memref<1x640xf32, #tpu.memory_space<hbm>>
      %dma_wait3A_70 = tpu.memref_squeeze %dma_wait3A_69 : memref<1x640xf32, #tpu.memory_space<hbm>> -> memref<640xf32, #tpu.memory_space<hbm>>
      tpu.wait_dma2 semaphore(%run_scoped3A : memref<!tpu.dma_semaphore, #tpu.memory_space<semaphore_mem>>) src(%arg6 : memref<640xf32, #tpu.memory_space<vmem>>) dst(%dma_wait3A_70 : memref<640xf32, #tpu.memory_space<hbm>>)
      tpu.yield
    }) : () -> ()
    return
  }
}

#map = affine_map<(d0, d1) -> (0, 0, 0)>
#map1 = affine_map<(d0, d1) -> (0, 0)>
module attributes {stable_mosaic.version = 14 : i64} {
  func.func @_msg_body(%arg0: i32, %arg1: i32, %arg2: memref<32x80x128xi32, #tpu.memory_space<hbm>>, %arg3: memref<32x80x128xi32, #tpu.memory_space<hbm>>, %arg4: memref<10008x128xf32, #tpu.memory_space<hbm>>, %arg5: memref<2x10000x128xf32, #tpu.memory_space<hbm>>, %arg6: memref<80x128xi32, #tpu.memory_space<vmem>>, %arg7: memref<80x128xi32, #tpu.memory_space<vmem>>, %arg8: memref<128x128xf32, #tpu.memory_space<vmem>>, %arg9: memref<128x128xf32, #tpu.memory_space<vmem>>, %arg10: memref<10000x128xf32, #tpu.memory_space<vmem_shared>>, %arg11: memref<!tpu.dma_semaphore, #tpu.memory_space<semaphore_mem>>, %arg12: memref<!tpu.dma_semaphore, #tpu.memory_space<semaphore_mem>>) attributes {dimension_semantics = [#tpu.dimension_semantics<core_parallel>, #tpu.dimension_semantics<subcore_parallel>], iteration_bounds = array<i64: 2, 16>, scalar_prefetch = 0 : i64, scratch_operands = 7 : i64, tpu.core_type = #tpu.core_type<sc_vector_subcore>, window_params = [{transform_indices = #map}, {transform_indices = #map}, {transform_indices = #map1}, {transform_indices = #map}]} {
    %mul3A = arith.constant 2 : i32
    %mul3A_0 = arith.muli %arg1, %mul3A : i32
    %add3A = arith.addi %mul3A_0, %arg0 : i32
    %eq3A = arith.constant 15 : i32
    %eq3A_1 = arith.cmpi eq, %arg1, %eq3A : i32
    "tpu.region"() ({
      %run_scoped3A = tpu.sem_alloc : memref<!tpu.dma_semaphore, #tpu.memory_space<semaphore_mem>>
      %dma_start3A = arith.constant 0 : i32
      %dma_start3A_58 = arith.constant 0 : i32
      %dma_start3A_59 = tpu.memref_slice %arg2[%add3A, %dma_start3A, %dma_start3A_58] : memref<32x80x128xi32, #tpu.memory_space<hbm>> -> memref<1x80x128xi32, #tpu.memory_space<hbm>>
      %dma_start3A_60 = tpu.memref_squeeze %dma_start3A_59 : memref<1x80x128xi32, #tpu.memory_space<hbm>> -> memref<80x128xi32, #tpu.memory_space<hbm>>
      %dma_start3A_61 = arith.constant 0 : i32
      %dma_start3A_62 = arith.constant 0 : i32
      %dma_start3A_63 = tpu.memref_slice %arg2[%add3A, %dma_start3A_61, %dma_start3A_62] : memref<32x80x128xi32, #tpu.memory_space<hbm>> -> memref<1x80x128xi32, #tpu.memory_space<hbm>>
      %dma_start3A_64 = tpu.memref_squeeze %dma_start3A_63 : memref<1x80x128xi32, #tpu.memory_space<hbm>> -> memref<80x128xi32, #tpu.memory_space<hbm>>
      tpu.enqueue_dma source(%dma_start3A_64 : memref<80x128xi32, #tpu.memory_space<hbm>>) target(%arg6 : memref<80x128xi32, #tpu.memory_space<vmem>>) target_semaphore(%run_scoped3A : memref<!tpu.dma_semaphore, #tpu.memory_space<semaphore_mem>>)
      %dma_wait3A = arith.constant 0 : i32
      %dma_wait3A_65 = arith.constant 0 : i32
      %dma_wait3A_66 = tpu.memref_slice %arg2[%add3A, %dma_wait3A, %dma_wait3A_65] : memref<32x80x128xi32, #tpu.memory_space<hbm>> -> memref<1x80x128xi32, #tpu.memory_space<hbm>>
      %dma_wait3A_67 = tpu.memref_squeeze %dma_wait3A_66 : memref<1x80x128xi32, #tpu.memory_space<hbm>> -> memref<80x128xi32, #tpu.memory_space<hbm>>
      %dma_wait3A_68 = arith.constant 0 : i32
      %dma_wait3A_69 = arith.constant 0 : i32
      %dma_wait3A_70 = tpu.memref_slice %arg2[%add3A, %dma_wait3A_68, %dma_wait3A_69] : memref<32x80x128xi32, #tpu.memory_space<hbm>> -> memref<1x80x128xi32, #tpu.memory_space<hbm>>
      %dma_wait3A_71 = tpu.memref_squeeze %dma_wait3A_70 : memref<1x80x128xi32, #tpu.memory_space<hbm>> -> memref<80x128xi32, #tpu.memory_space<hbm>>
      tpu.wait_dma2 semaphore(%run_scoped3A : memref<!tpu.dma_semaphore, #tpu.memory_space<semaphore_mem>>) src(%dma_wait3A_71 : memref<80x128xi32, #tpu.memory_space<hbm>>) dst(%arg6 : memref<80x128xi32, #tpu.memory_space<vmem>>)
      tpu.yield
    }) : () -> ()
    "tpu.region"() ({
      %run_scoped3A = tpu.sem_alloc : memref<!tpu.dma_semaphore, #tpu.memory_space<semaphore_mem>>
      %dma_start3A = arith.constant 0 : i32
      %dma_start3A_58 = arith.constant 0 : i32
      %dma_start3A_59 = tpu.memref_slice %arg3[%add3A, %dma_start3A, %dma_start3A_58] : memref<32x80x128xi32, #tpu.memory_space<hbm>> -> memref<1x80x128xi32, #tpu.memory_space<hbm>>
      %dma_start3A_60 = tpu.memref_squeeze %dma_start3A_59 : memref<1x80x128xi32, #tpu.memory_space<hbm>> -> memref<80x128xi32, #tpu.memory_space<hbm>>
      %dma_start3A_61 = arith.constant 0 : i32
      %dma_start3A_62 = arith.constant 0 : i32
      %dma_start3A_63 = tpu.memref_slice %arg3[%add3A, %dma_start3A_61, %dma_start3A_62] : memref<32x80x128xi32, #tpu.memory_space<hbm>> -> memref<1x80x128xi32, #tpu.memory_space<hbm>>
      %dma_start3A_64 = tpu.memref_squeeze %dma_start3A_63 : memref<1x80x128xi32, #tpu.memory_space<hbm>> -> memref<80x128xi32, #tpu.memory_space<hbm>>
      tpu.enqueue_dma source(%dma_start3A_64 : memref<80x128xi32, #tpu.memory_space<hbm>>) target(%arg7 : memref<80x128xi32, #tpu.memory_space<vmem>>) target_semaphore(%run_scoped3A : memref<!tpu.dma_semaphore, #tpu.memory_space<semaphore_mem>>)
      %dma_wait3A = arith.constant 0 : i32
      %dma_wait3A_65 = arith.constant 0 : i32
      %dma_wait3A_66 = tpu.memref_slice %arg3[%add3A, %dma_wait3A, %dma_wait3A_65] : memref<32x80x128xi32, #tpu.memory_space<hbm>> -> memref<1x80x128xi32, #tpu.memory_space<hbm>>
      %dma_wait3A_67 = tpu.memref_squeeze %dma_wait3A_66 : memref<1x80x128xi32, #tpu.memory_space<hbm>> -> memref<80x128xi32, #tpu.memory_space<hbm>>
      %dma_wait3A_68 = arith.constant 0 : i32
      %dma_wait3A_69 = arith.constant 0 : i32
      %dma_wait3A_70 = tpu.memref_slice %arg3[%add3A, %dma_wait3A_68, %dma_wait3A_69] : memref<32x80x128xi32, #tpu.memory_space<hbm>> -> memref<1x80x128xi32, #tpu.memory_space<hbm>>
      %dma_wait3A_71 = tpu.memref_squeeze %dma_wait3A_70 : memref<1x80x128xi32, #tpu.memory_space<hbm>> -> memref<80x128xi32, #tpu.memory_space<hbm>>
      tpu.wait_dma2 semaphore(%run_scoped3A : memref<!tpu.dma_semaphore, #tpu.memory_space<semaphore_mem>>) src(%dma_wait3A_71 : memref<80x128xi32, #tpu.memory_space<hbm>>) dst(%arg7 : memref<80x128xi32, #tpu.memory_space<vmem>>)
      tpu.yield
    }) : () -> ()
    %scan3A = arith.constant 0 : i32
    %scan3A_2 = arith.constant 0 : i32
    %scan3A_3 = arith.constant 128 : i32
    %scan3A_4 = arith.addi %scan3A_2, %scan3A_3 : i32
    %scan3A_5 = arith.constant 1 : i32
    scf.for %scan3A_58 = %scan3A_2 to %scan3A_4 step %scan3A_5  : i32 {
      %broadcast_in_dim3A = arith.constant 0.000000e+00 : f32
      %broadcast_in_dim3A_59 = vector.broadcast %broadcast_in_dim3A : f32 to vector<16xf32>
      %swap3A = arith.index_cast %scan3A_58 : i32 to index
      %swap3A_60 = arith.constant 0 : index
      %swap3A_61 = tpu.vector_load %arg8[%swap3A, %swap3A_60] {strides = array<i32>} : memref<128x128xf32, #tpu.memory_space<vmem>>, vector<1x16xf32>,
      %swap3A_62 = vector.shape_cast %swap3A_61 : vector<1x16xf32> to vector<16xf32>
      %swap3A_63 = vector.shape_cast %broadcast_in_dim3A_59 : vector<16xf32> to vector<1x16xf32>
      tpu.vector_store %arg8[%swap3A, %swap3A_60], %swap3A_63 {strides = array<i32>} : memref<128x128xf32, #tpu.memory_space<vmem>>, vector<1x16xf32>,
      %broadcast_in_dim3A_64 = arith.constant 0.000000e+00 : f32
      %broadcast_in_dim3A_65 = vector.broadcast %broadcast_in_dim3A_64 : f32 to vector<16xf32>
      %swap3A_66 = arith.index_cast %scan3A_58 : i32 to index
      %swap3A_67 = arith.constant 16 : index
      %swap3A_68 = tpu.vector_load %arg8[%swap3A_66, %swap3A_67] {strides = array<i32>} : memref<128x128xf32, #tpu.memory_space<vmem>>, vector<1x16xf32>,
      %swap3A_69 = vector.shape_cast %swap3A_68 : vector<1x16xf32> to vector<16xf32>
      %swap3A_70 = vector.shape_cast %broadcast_in_dim3A_65 : vector<16xf32> to vector<1x16xf32>
      tpu.vector_store %arg8[%swap3A_66, %swap3A_67], %swap3A_70 {strides = array<i32>} : memref<128x128xf32, #tpu.memory_space<vmem>>, vector<1x16xf32>,
      %broadcast_in_dim3A_71 = arith.constant 0.000000e+00 : f32
      %broadcast_in_dim3A_72 = vector.broadcast %broadcast_in_dim3A_71 : f32 to vector<16xf32>
      %swap3A_73 = arith.index_cast %scan3A_58 : i32 to index
      %swap3A_74 = arith.constant 32 : index
      %swap3A_75 = tpu.vector_load %arg8[%swap3A_73, %swap3A_74] {strides = array<i32>} : memref<128x128xf32, #tpu.memory_space<vmem>>, vector<1x16xf32>,
      %swap3A_76 = vector.shape_cast %swap3A_75 : vector<1x16xf32> to vector<16xf32>
      %swap3A_77 = vector.shape_cast %broadcast_in_dim3A_72 : vector<16xf32> to vector<1x16xf32>
      tpu.vector_store %arg8[%swap3A_73, %swap3A_74], %swap3A_77 {strides = array<i32>} : memref<128x128xf32, #tpu.memory_space<vmem>>, vector<1x16xf32>,
      %broadcast_in_dim3A_78 = arith.constant 0.000000e+00 : f32
      %broadcast_in_dim3A_79 = vector.broadcast %broadcast_in_dim3A_78 : f32 to vector<16xf32>
      %swap3A_80 = arith.index_cast %scan3A_58 : i32 to index
      %swap3A_81 = arith.constant 48 : index
      %swap3A_82 = tpu.vector_load %arg8[%swap3A_80, %swap3A_81] {strides = array<i32>} : memref<128x128xf32, #tpu.memory_space<vmem>>, vector<1x16xf32>,
      %swap3A_83 = vector.shape_cast %swap3A_82 : vector<1x16xf32> to vector<16xf32>
      %swap3A_84 = vector.shape_cast %broadcast_in_dim3A_79 : vector<16xf32> to vector<1x16xf32>
      tpu.vector_store %arg8[%swap3A_80, %swap3A_81], %swap3A_84 {strides = array<i32>} : memref<128x128xf32, #tpu.memory_space<vmem>>, vector<1x16xf32>,
      %broadcast_in_dim3A_85 = arith.constant 0.000000e+00 : f32
      %broadcast_in_dim3A_86 = vector.broadcast %broadcast_in_dim3A_85 : f32 to vector<16xf32>
      %swap3A_87 = arith.index_cast %scan3A_58 : i32 to index
      %swap3A_88 = arith.constant 64 : index
      %swap3A_89 = tpu.vector_load %arg8[%swap3A_87, %swap3A_88] {strides = array<i32>} : memref<128x128xf32, #tpu.memory_space<vmem>>, vector<1x16xf32>,
      %swap3A_90 = vector.shape_cast %swap3A_89 : vector<1x16xf32> to vector<16xf32>
      %swap3A_91 = vector.shape_cast %broadcast_in_dim3A_86 : vector<16xf32> to vector<1x16xf32>
      tpu.vector_store %arg8[%swap3A_87, %swap3A_88], %swap3A_91 {strides = array<i32>} : memref<128x128xf32, #tpu.memory_space<vmem>>, vector<1x16xf32>,
      %broadcast_in_dim3A_92 = arith.constant 0.000000e+00 : f32
      %broadcast_in_dim3A_93 = vector.broadcast %broadcast_in_dim3A_92 : f32 to vector<16xf32>
      %swap3A_94 = arith.index_cast %scan3A_58 : i32 to index
      %swap3A_95 = arith.constant 80 : index
      %swap3A_96 = tpu.vector_load %arg8[%swap3A_94, %swap3A_95] {strides = array<i32>} : memref<128x128xf32, #tpu.memory_space<vmem>>, vector<1x16xf32>,
      %swap3A_97 = vector.shape_cast %swap3A_96 : vector<1x16xf32> to vector<16xf32>
      %swap3A_98 = vector.shape_cast %broadcast_in_dim3A_93 : vector<16xf32> to vector<1x16xf32>
      tpu.vector_store %arg8[%swap3A_94, %swap3A_95], %swap3A_98 {strides = array<i32>} : memref<128x128xf32, #tpu.memory_space<vmem>>, vector<1x16xf32>,
      %broadcast_in_dim3A_99 = arith.constant 0.000000e+00 : f32
      %broadcast_in_dim3A_100 = vector.broadcast %broadcast_in_dim3A_99 : f32 to vector<16xf32>
      %swap3A_101 = arith.index_cast %scan3A_58 : i32 to index
      %swap3A_102 = arith.constant 96 : index
      %swap3A_103 = tpu.vector_load %arg8[%swap3A_101, %swap3A_102] {strides = array<i32>} : memref<128x128xf32, #tpu.memory_space<vmem>>, vector<1x16xf32>,
      %swap3A_104 = vector.shape_cast %swap3A_103 : vector<1x16xf32> to vector<16xf32>
      %swap3A_105 = vector.shape_cast %broadcast_in_dim3A_100 : vector<16xf32> to vector<1x16xf32>
      tpu.vector_store %arg8[%swap3A_101, %swap3A_102], %swap3A_105 {strides = array<i32>} : memref<128x128xf32, #tpu.memory_space<vmem>>, vector<1x16xf32>,
      %broadcast_in_dim3A_106 = arith.constant 0.000000e+00 : f32
      %broadcast_in_dim3A_107 = vector.broadcast %broadcast_in_dim3A_106 : f32 to vector<16xf32>
      %swap3A_108 = arith.index_cast %scan3A_58 : i32 to index
      %swap3A_109 = arith.constant 112 : index
      %swap3A_110 = tpu.vector_load %arg8[%swap3A_108, %swap3A_109] {strides = array<i32>} : memref<128x128xf32, #tpu.memory_space<vmem>>, vector<1x16xf32>,
      %swap3A_111 = vector.shape_cast %swap3A_110 : vector<1x16xf32> to vector<16xf32>
      %swap3A_112 = vector.shape_cast %broadcast_in_dim3A_107 : vector<16xf32> to vector<1x16xf32>
      tpu.vector_store %arg8[%swap3A_108, %swap3A_109], %swap3A_112 {strides = array<i32>} : memref<128x128xf32, #tpu.memory_space<vmem>>, vector<1x16xf32>,
    }
    %scan3A_6 = arith.constant 128 : i32
    %mul3A_7 = arith.constant 624 : i32
    %mul3A_8 = arith.muli %arg1, %mul3A_7 : i32
    %add3A_9 = arith.constant 0 : i32
    %add3A_10 = arith.addi %mul3A_8, %add3A_9 : i32
    "tpu.region"() ({
      %run_scoped3A = tpu.sem_alloc : memref<!tpu.dma_semaphore, #tpu.memory_space<semaphore_mem>>
      %dma_start3A = arith.constant 0 : i32
      %dma_start3A_58 = tpu.memref_slice %arg10[%add3A_10, %dma_start3A] : memref<10000x128xf32, #tpu.memory_space<vmem_shared>> -> memref<128x128xf32, #tpu.memory_space<vmem_shared>>
      %dma_start3A_59 = arith.constant 0 : i32
      %dma_start3A_60 = tpu.memref_slice %arg10[%add3A_10, %dma_start3A_59] : memref<10000x128xf32, #tpu.memory_space<vmem_shared>> -> memref<128x128xf32, #tpu.memory_space<vmem_shared>>
      tpu.enqueue_dma source(%arg8 : memref<128x128xf32, #tpu.memory_space<vmem>>) target(%dma_start3A_60 : memref<128x128xf32, #tpu.memory_space<vmem_shared>>) target_semaphore(%run_scoped3A : memref<!tpu.dma_semaphore, #tpu.memory_space<semaphore_mem>>)
      %dma_wait3A = arith.constant 0 : i32
      %dma_wait3A_61 = tpu.memref_slice %arg10[%add3A_10, %dma_wait3A] : memref<10000x128xf32, #tpu.memory_space<vmem_shared>> -> memref<128x128xf32, #tpu.memory_space<vmem_shared>>
      %dma_wait3A_62 = arith.constant 0 : i32
      %dma_wait3A_63 = tpu.memref_slice %arg10[%add3A_10, %dma_wait3A_62] : memref<10000x128xf32, #tpu.memory_space<vmem_shared>> -> memref<128x128xf32, #tpu.memory_space<vmem_shared>>
      tpu.wait_dma2 semaphore(%run_scoped3A : memref<!tpu.dma_semaphore, #tpu.memory_space<semaphore_mem>>) src(%arg8 : memref<128x128xf32, #tpu.memory_space<vmem>>) dst(%dma_wait3A_63 : memref<128x128xf32, #tpu.memory_space<vmem_shared>>)
      tpu.yield
    }) : () -> ()
    %mul3A_11 = arith.constant 624 : i32
    %mul3A_12 = arith.muli %arg1, %mul3A_11 : i32
    %add3A_13 = arith.constant 128 : i32
    %add3A_14 = arith.addi %mul3A_12, %add3A_13 : i32
    "tpu.region"() ({
      %run_scoped3A = tpu.sem_alloc : memref<!tpu.dma_semaphore, #tpu.memory_space<semaphore_mem>>
      %dma_start3A = arith.constant 0 : i32
      %dma_start3A_58 = tpu.memref_slice %arg10[%add3A_14, %dma_start3A] : memref<10000x128xf32, #tpu.memory_space<vmem_shared>> -> memref<128x128xf32, #tpu.memory_space<vmem_shared>>
      %dma_start3A_59 = arith.constant 0 : i32
      %dma_start3A_60 = tpu.memref_slice %arg10[%add3A_14, %dma_start3A_59] : memref<10000x128xf32, #tpu.memory_space<vmem_shared>> -> memref<128x128xf32, #tpu.memory_space<vmem_shared>>
      tpu.enqueue_dma source(%arg8 : memref<128x128xf32, #tpu.memory_space<vmem>>) target(%dma_start3A_60 : memref<128x128xf32, #tpu.memory_space<vmem_shared>>) target_semaphore(%run_scoped3A : memref<!tpu.dma_semaphore, #tpu.memory_space<semaphore_mem>>)
      %dma_wait3A = arith.constant 0 : i32
      %dma_wait3A_61 = tpu.memref_slice %arg10[%add3A_14, %dma_wait3A] : memref<10000x128xf32, #tpu.memory_space<vmem_shared>> -> memref<128x128xf32, #tpu.memory_space<vmem_shared>>
      %dma_wait3A_62 = arith.constant 0 : i32
      %dma_wait3A_63 = tpu.memref_slice %arg10[%add3A_14, %dma_wait3A_62] : memref<10000x128xf32, #tpu.memory_space<vmem_shared>> -> memref<128x128xf32, #tpu.memory_space<vmem_shared>>
      tpu.wait_dma2 semaphore(%run_scoped3A : memref<!tpu.dma_semaphore, #tpu.memory_space<semaphore_mem>>) src(%arg8 : memref<128x128xf32, #tpu.memory_space<vmem>>) dst(%dma_wait3A_63 : memref<128x128xf32, #tpu.memory_space<vmem_shared>>)
      tpu.yield
    }) : () -> ()
    %mul3A_15 = arith.constant 624 : i32
    %mul3A_16 = arith.muli %arg1, %mul3A_15 : i32
    %add3A_17 = arith.constant 256 : i32
    %add3A_18 = arith.addi %mul3A_16, %add3A_17 : i32
    "tpu.region"() ({
      %run_scoped3A = tpu.sem_alloc : memref<!tpu.dma_semaphore, #tpu.memory_space<semaphore_mem>>
      %dma_start3A = arith.constant 0 : i32
      %dma_start3A_58 = tpu.memref_slice %arg10[%add3A_18, %dma_start3A] : memref<10000x128xf32, #tpu.memory_space<vmem_shared>> -> memref<128x128xf32, #tpu.memory_space<vmem_shared>>
      %dma_start3A_59 = arith.constant 0 : i32
      %dma_start3A_60 = tpu.memref_slice %arg10[%add3A_18, %dma_start3A_59] : memref<10000x128xf32, #tpu.memory_space<vmem_shared>> -> memref<128x128xf32, #tpu.memory_space<vmem_shared>>
      tpu.enqueue_dma source(%arg8 : memref<128x128xf32, #tpu.memory_space<vmem>>) target(%dma_start3A_60 : memref<128x128xf32, #tpu.memory_space<vmem_shared>>) target_semaphore(%run_scoped3A : memref<!tpu.dma_semaphore, #tpu.memory_space<semaphore_mem>>)
      %dma_wait3A = arith.constant 0 : i32
      %dma_wait3A_61 = tpu.memref_slice %arg10[%add3A_18, %dma_wait3A] : memref<10000x128xf32, #tpu.memory_space<vmem_shared>> -> memref<128x128xf32, #tpu.memory_space<vmem_shared>>
      %dma_wait3A_62 = arith.constant 0 : i32
      %dma_wait3A_63 = tpu.memref_slice %arg10[%add3A_18, %dma_wait3A_62] : memref<10000x128xf32, #tpu.memory_space<vmem_shared>> -> memref<128x128xf32, #tpu.memory_space<vmem_shared>>
      tpu.wait_dma2 semaphore(%run_scoped3A : memref<!tpu.dma_semaphore, #tpu.memory_space<semaphore_mem>>) src(%arg8 : memref<128x128xf32, #tpu.memory_space<vmem>>) dst(%dma_wait3A_63 : memref<128x128xf32, #tpu.memory_space<vmem_shared>>)
      tpu.yield
    }) : () -> ()
    %mul3A_19 = arith.constant 624 : i32
    %mul3A_20 = arith.muli %arg1, %mul3A_19 : i32
    %add3A_21 = arith.constant 384 : i32
    %add3A_22 = arith.addi %mul3A_20, %add3A_21 : i32
    "tpu.region"() ({
      %run_scoped3A = tpu.sem_alloc : memref<!tpu.dma_semaphore, #tpu.memory_space<semaphore_mem>>
      %dma_start3A = arith.constant 0 : i32
      %dma_start3A_58 = tpu.memref_slice %arg10[%add3A_22, %dma_start3A] : memref<10000x128xf32, #tpu.memory_space<vmem_shared>> -> memref<128x128xf32, #tpu.memory_space<vmem_shared>>
      %dma_start3A_59 = arith.constant 0 : i32
      %dma_start3A_60 = tpu.memref_slice %arg10[%add3A_22, %dma_start3A_59] : memref<10000x128xf32, #tpu.memory_space<vmem_shared>> -> memref<128x128xf32, #tpu.memory_space<vmem_shared>>
      tpu.enqueue_dma source(%arg8 : memref<128x128xf32, #tpu.memory_space<vmem>>) target(%dma_start3A_60 : memref<128x128xf32, #tpu.memory_space<vmem_shared>>) target_semaphore(%run_scoped3A : memref<!tpu.dma_semaphore, #tpu.memory_space<semaphore_mem>>)
      %dma_wait3A = arith.constant 0 : i32
      %dma_wait3A_61 = tpu.memref_slice %arg10[%add3A_22, %dma_wait3A] : memref<10000x128xf32, #tpu.memory_space<vmem_shared>> -> memref<128x128xf32, #tpu.memory_space<vmem_shared>>
      %dma_wait3A_62 = arith.constant 0 : i32
      %dma_wait3A_63 = tpu.memref_slice %arg10[%add3A_22, %dma_wait3A_62] : memref<10000x128xf32, #tpu.memory_space<vmem_shared>> -> memref<128x128xf32, #tpu.memory_space<vmem_shared>>
      tpu.wait_dma2 semaphore(%run_scoped3A : memref<!tpu.dma_semaphore, #tpu.memory_space<semaphore_mem>>) src(%arg8 : memref<128x128xf32, #tpu.memory_space<vmem>>) dst(%dma_wait3A_63 : memref<128x128xf32, #tpu.memory_space<vmem_shared>>)
      tpu.yield
    }) : () -> ()
    %mul3A_23 = arith.constant 624 : i32
    %mul3A_24 = arith.muli %arg1, %mul3A_23 : i32
    %add3A_25 = arith.constant 512 : i32
    %add3A_26 = arith.addi %mul3A_24, %add3A_25 : i32
    "tpu.region"() ({
      %run_scoped3A = tpu.sem_alloc : memref<!tpu.dma_semaphore, #tpu.memory_space<semaphore_mem>>
      %dma_start3A = arith.constant 0 : i32
      %dma_start3A_58 = arith.constant 0 : i32
      %dma_start3A_59 = tpu.memref_slice %arg8[%dma_start3A, %dma_start3A_58] : memref<128x128xf32, #tpu.memory_space<vmem>> -> memref<112x128xf32, #tpu.memory_space<vmem>>
      %dma_start3A_60 = arith.constant 0 : i32
      %dma_start3A_61 = tpu.memref_slice %arg10[%add3A_26, %dma_start3A_60] : memref<10000x128xf32, #tpu.memory_space<vmem_shared>> -> memref<112x128xf32, #tpu.memory_space<vmem_shared>>
      %dma_start3A_62 = arith.constant 0 : i32
      %dma_start3A_63 = tpu.memref_slice %arg10[%add3A_26, %dma_start3A_62] : memref<10000x128xf32, #tpu.memory_space<vmem_shared>> -> memref<112x128xf32, #tpu.memory_space<vmem_shared>>
      %dma_start3A_64 = arith.constant 0 : i32
      %dma_start3A_65 = arith.constant 0 : i32
      %dma_start3A_66 = tpu.memref_slice %arg8[%dma_start3A_64, %dma_start3A_65] : memref<128x128xf32, #tpu.memory_space<vmem>> -> memref<112x128xf32, #tpu.memory_space<vmem>>
      tpu.enqueue_dma source(%dma_start3A_66 : memref<112x128xf32, #tpu.memory_space<vmem>>) target(%dma_start3A_63 : memref<112x128xf32, #tpu.memory_space<vmem_shared>>) target_semaphore(%run_scoped3A : memref<!tpu.dma_semaphore, #tpu.memory_space<semaphore_mem>>)
      %dma_wait3A = arith.constant 0 : i32
      %dma_wait3A_67 = arith.constant 0 : i32
      %dma_wait3A_68 = tpu.memref_slice %arg8[%dma_wait3A, %dma_wait3A_67] : memref<128x128xf32, #tpu.memory_space<vmem>> -> memref<112x128xf32, #tpu.memory_space<vmem>>
      %dma_wait3A_69 = arith.constant 0 : i32
      %dma_wait3A_70 = tpu.memref_slice %arg10[%add3A_26, %dma_wait3A_69] : memref<10000x128xf32, #tpu.memory_space<vmem_shared>> -> memref<112x128xf32, #tpu.memory_space<vmem_shared>>
      %dma_wait3A_71 = arith.constant 0 : i32
      %dma_wait3A_72 = tpu.memref_slice %arg10[%add3A_26, %dma_wait3A_71] : memref<10000x128xf32, #tpu.memory_space<vmem_shared>> -> memref<112x128xf32, #tpu.memory_space<vmem_shared>>
      %dma_wait3A_73 = arith.constant 0 : i32
      %dma_wait3A_74 = arith.constant 0 : i32
      %dma_wait3A_75 = tpu.memref_slice %arg8[%dma_wait3A_73, %dma_wait3A_74] : memref<128x128xf32, #tpu.memory_space<vmem>> -> memref<112x128xf32, #tpu.memory_space<vmem>>
      tpu.wait_dma2 semaphore(%run_scoped3A : memref<!tpu.dma_semaphore, #tpu.memory_space<semaphore_mem>>) src(%dma_wait3A_75 : memref<112x128xf32, #tpu.memory_space<vmem>>) dst(%dma_wait3A_72 : memref<112x128xf32, #tpu.memory_space<vmem_shared>>)
      tpu.yield
    }) : () -> ()
    %convert_element_type3A = arith.extui %eq3A_1 : i1 to i32
    %cond3A = arith.constant 0 : i32
    %cond3A_27 = arith.cmpi ne, %convert_element_type3A, %cond3A : i32
    scf.if %cond3A_27 {
      "tpu.region"() ({
        %run_scoped3A = tpu.sem_alloc : memref<!tpu.dma_semaphore, #tpu.memory_space<semaphore_mem>>
        %dma_start3A = arith.constant 0 : i32
        %dma_start3A_58 = arith.constant 0 : i32
        %dma_start3A_59 = tpu.memref_slice %arg8[%dma_start3A, %dma_start3A_58] : memref<128x128xf32, #tpu.memory_space<vmem>> -> memref<16x128xf32, #tpu.memory_space<vmem>>
        %dma_start3A_60 = arith.constant 9984 : i32
        %dma_start3A_61 = arith.constant 0 : i32
        %dma_start3A_62 = tpu.memref_slice %arg10[%dma_start3A_60, %dma_start3A_61] : memref<10000x128xf32, #tpu.memory_space<vmem_shared>> -> memref<16x128xf32, #tpu.memory_space<vmem_shared>>
        %dma_start3A_63 = arith.constant 9984 : i32
        %dma_start3A_64 = arith.constant 0 : i32
        %dma_start3A_65 = tpu.memref_slice %arg10[%dma_start3A_63, %dma_start3A_64] : memref<10000x128xf32, #tpu.memory_space<vmem_shared>> -> memref<16x128xf32, #tpu.memory_space<vmem_shared>>
        %dma_start3A_66 = arith.constant 0 : i32
        %dma_start3A_67 = arith.constant 0 : i32
        %dma_start3A_68 = tpu.memref_slice %arg8[%dma_start3A_66, %dma_start3A_67] : memref<128x128xf32, #tpu.memory_space<vmem>> -> memref<16x128xf32, #tpu.memory_space<vmem>>
        tpu.enqueue_dma source(%dma_start3A_68 : memref<16x128xf32, #tpu.memory_space<vmem>>) target(%dma_start3A_65 : memref<16x128xf32, #tpu.memory_space<vmem_shared>>) target_semaphore(%run_scoped3A : memref<!tpu.dma_semaphore, #tpu.memory_space<semaphore_mem>>)
        %dma_wait3A = arith.constant 0 : i32
        %dma_wait3A_69 = arith.constant 0 : i32
        %dma_wait3A_70 = tpu.memref_slice %arg8[%dma_wait3A, %dma_wait3A_69] : memref<128x128xf32, #tpu.memory_space<vmem>> -> memref<16x128xf32, #tpu.memory_space<vmem>>
        %dma_wait3A_71 = arith.constant 9984 : i32
        %dma_wait3A_72 = arith.constant 0 : i32
        %dma_wait3A_73 = tpu.memref_slice %arg10[%dma_wait3A_71, %dma_wait3A_72] : memref<10000x128xf32, #tpu.memory_space<vmem_shared>> -> memref<16x128xf32, #tpu.memory_space<vmem_shared>>
        %dma_wait3A_74 = arith.constant 9984 : i32
        %dma_wait3A_75 = arith.constant 0 : i32
        %dma_wait3A_76 = tpu.memref_slice %arg10[%dma_wait3A_74, %dma_wait3A_75] : memref<10000x128xf32, #tpu.memory_space<vmem_shared>> -> memref<16x128xf32, #tpu.memory_space<vmem_shared>>
        %dma_wait3A_77 = arith.constant 0 : i32
        %dma_wait3A_78 = arith.constant 0 : i32
        %dma_wait3A_79 = tpu.memref_slice %arg8[%dma_wait3A_77, %dma_wait3A_78] : memref<128x128xf32, #tpu.memory_space<vmem>> -> memref<16x128xf32, #tpu.memory_space<vmem>>
        tpu.wait_dma2 semaphore(%run_scoped3A : memref<!tpu.dma_semaphore, #tpu.memory_space<semaphore_mem>>) src(%dma_wait3A_79 : memref<16x128xf32, #tpu.memory_space<vmem>>) dst(%dma_wait3A_76 : memref<16x128xf32, #tpu.memory_space<vmem_shared>>)
        tpu.yield
      }) : () -> ()
    } else {
    }
    %barrier3A = arith.constant 0 : index
    tpu.barrier barrier_id(%barrier3A)
    %scan3A_28 = arith.constant 0 : i32
    %scan3A_29 = arith.constant 0 : i32
    %scan3A_30 = arith.constant 80 : i32
    %scan3A_31 = arith.addi %scan3A_29, %scan3A_30 : i32
    %scan3A_32 = arith.constant 1 : i32
    scf.for %scan3A_58 = %scan3A_29 to %scan3A_31 step %scan3A_32  : i32 {
      %dma_start3A = arith.constant 0 : i32
      %dma_start3A_59 = tpu.memref_slice %arg6[%scan3A_58, %dma_start3A] : memref<80x128xi32, #tpu.memory_space<vmem>> -> memref<1x128xi32, #tpu.memory_space<vmem>>
      %dma_start3A_60 = tpu.memref_squeeze %dma_start3A_59 : memref<1x128xi32, #tpu.memory_space<vmem>> -> memref<128xi32, #tpu.memory_space<vmem>>
      %dma_start3A_61 = arith.constant 0 : i32
      %dma_start3A_62 = arith.constant 0 : i32
      %dma_start3A_63 = tpu.memref_slice %arg4[%dma_start3A_61, %dma_start3A_62] : memref<10008x128xf32, #tpu.memory_space<hbm>> -> memref<10008x128xf32, #tpu.memory_space<hbm>>
      tpu.enqueue_indirect_dma source(%dma_start3A_63 : memref<10008x128xf32, #tpu.memory_space<hbm>>) target(%arg8 : memref<128x128xf32, #tpu.memory_space<vmem>>) offsets(%dma_start3A_60 : memref<128xi32, #tpu.memory_space<vmem>>) semaphore(%arg11 : memref<!tpu.dma_semaphore, #tpu.memory_space<semaphore_mem>>)
      %dma_wait3A = arith.constant 0 : i32
      %dma_wait3A_64 = tpu.memref_slice %arg6[%scan3A_58, %dma_wait3A] : memref<80x128xi32, #tpu.memory_space<vmem>> -> memref<1x128xi32, #tpu.memory_space<vmem>>
      %dma_wait3A_65 = tpu.memref_squeeze %dma_wait3A_64 : memref<1x128xi32, #tpu.memory_space<vmem>> -> memref<128xi32, #tpu.memory_space<vmem>>
      %dma_wait3A_66 = arith.constant 0 : i32
      %dma_wait3A_67 = arith.constant 0 : i32
      %dma_wait3A_68 = tpu.memref_slice %arg4[%dma_wait3A_66, %dma_wait3A_67] : memref<10008x128xf32, #tpu.memory_space<hbm>> -> memref<10008x128xf32, #tpu.memory_space<hbm>>
      tpu.wait_indirect_dma semaphore(%arg11 : memref<!tpu.dma_semaphore, #tpu.memory_space<semaphore_mem>>) src(%dma_wait3A_68 : memref<10008x128xf32, #tpu.memory_space<hbm>>) dst(%arg8 : memref<128x128xf32, #tpu.memory_space<vmem>>)
      "tpu.region"() ({
        %run_scoped3A = tpu.sem_alloc : memref<!tpu.dma_semaphore, #tpu.memory_space<semaphore_mem>>
        %dma_start3A_69 = arith.constant 0 : i32
        %dma_start3A_70 = tpu.memref_slice %arg7[%scan3A_58, %dma_start3A_69] : memref<80x128xi32, #tpu.memory_space<vmem>> -> memref<1x128xi32, #tpu.memory_space<vmem>>
        %dma_start3A_71 = tpu.memref_squeeze %dma_start3A_70 : memref<1x128xi32, #tpu.memory_space<vmem>> -> memref<128xi32, #tpu.memory_space<vmem>>
        %dma_start3A_72 = arith.constant 0 : i32
        %dma_start3A_73 = arith.constant 0 : i32
        %dma_start3A_74 = tpu.memref_slice %arg10[%dma_start3A_72, %dma_start3A_73] : memref<10000x128xf32, #tpu.memory_space<vmem_shared>> -> memref<10000x128xf32, #tpu.memory_space<vmem_shared>>
        tpu.enqueue_indirect_dma source(%arg8 : memref<128x128xf32, #tpu.memory_space<vmem>>) target(%dma_start3A_74 : memref<10000x128xf32, #tpu.memory_space<vmem_shared>>) offsets(%dma_start3A_71 : memref<128xi32, #tpu.memory_space<vmem>>) semaphore(%run_scoped3A : memref<!tpu.dma_semaphore, #tpu.memory_space<semaphore_mem>>) {add = true}
        %dma_wait3A_75 = arith.constant 0 : i32
        %dma_wait3A_76 = tpu.memref_slice %arg7[%scan3A_58, %dma_wait3A_75] : memref<80x128xi32, #tpu.memory_space<vmem>> -> memref<1x128xi32, #tpu.memory_space<vmem>>
        %dma_wait3A_77 = tpu.memref_squeeze %dma_wait3A_76 : memref<1x128xi32, #tpu.memory_space<vmem>> -> memref<128xi32, #tpu.memory_space<vmem>>
        %dma_wait3A_78 = arith.constant 0 : i32
        %dma_wait3A_79 = arith.constant 0 : i32
        %dma_wait3A_80 = tpu.memref_slice %arg10[%dma_wait3A_78, %dma_wait3A_79] : memref<10000x128xf32, #tpu.memory_space<vmem_shared>> -> memref<10000x128xf32, #tpu.memory_space<vmem_shared>>
        tpu.wait_indirect_dma semaphore(%run_scoped3A : memref<!tpu.dma_semaphore, #tpu.memory_space<semaphore_mem>>) src(%arg8 : memref<128x128xf32, #tpu.memory_space<vmem>>) dst(%dma_wait3A_80 : memref<10000x128xf32, #tpu.memory_space<vmem_shared>>)
        tpu.yield
      }) : () -> ()
    }
    %scan3A_33 = arith.constant 80 : i32
    %barrier3A_34 = arith.constant 0 : index
    tpu.barrier barrier_id(%barrier3A_34)
    %mul3A_35 = arith.constant 624 : i32
    %mul3A_36 = arith.muli %arg1, %mul3A_35 : i32
    %add3A_37 = arith.constant 0 : i32
    %add3A_38 = arith.addi %mul3A_36, %add3A_37 : i32
    "tpu.region"() ({
      %run_scoped3A = tpu.sem_alloc : memref<!tpu.dma_semaphore, #tpu.memory_space<semaphore_mem>>
      %dma_start3A = arith.constant 0 : i32
      %dma_start3A_58 = tpu.memref_slice %arg10[%add3A_38, %dma_start3A] : memref<10000x128xf32, #tpu.memory_space<vmem_shared>> -> memref<128x128xf32, #tpu.memory_space<vmem_shared>>
      %dma_start3A_59 = arith.constant 0 : i32
      %dma_start3A_60 = tpu.memref_slice %arg10[%add3A_38, %dma_start3A_59] : memref<10000x128xf32, #tpu.memory_space<vmem_shared>> -> memref<128x128xf32, #tpu.memory_space<vmem_shared>>
      tpu.enqueue_dma source(%dma_start3A_60 : memref<128x128xf32, #tpu.memory_space<vmem_shared>>) target(%arg8 : memref<128x128xf32, #tpu.memory_space<vmem>>) target_semaphore(%run_scoped3A : memref<!tpu.dma_semaphore, #tpu.memory_space<semaphore_mem>>)
      %dma_wait3A = arith.constant 0 : i32
      %dma_wait3A_61 = tpu.memref_slice %arg10[%add3A_38, %dma_wait3A] : memref<10000x128xf32, #tpu.memory_space<vmem_shared>> -> memref<128x128xf32, #tpu.memory_space<vmem_shared>>
      %dma_wait3A_62 = arith.constant 0 : i32
      %dma_wait3A_63 = tpu.memref_slice %arg10[%add3A_38, %dma_wait3A_62] : memref<10000x128xf32, #tpu.memory_space<vmem_shared>> -> memref<128x128xf32, #tpu.memory_space<vmem_shared>>
      tpu.wait_dma2 semaphore(%run_scoped3A : memref<!tpu.dma_semaphore, #tpu.memory_space<semaphore_mem>>) src(%dma_wait3A_63 : memref<128x128xf32, #tpu.memory_space<vmem_shared>>) dst(%arg8 : memref<128x128xf32, #tpu.memory_space<vmem>>)
      tpu.yield
    }) : () -> ()
    "tpu.region"() ({
      %run_scoped3A = tpu.sem_alloc : memref<!tpu.dma_semaphore, #tpu.memory_space<semaphore_mem>>
      %dma_start3A = arith.constant 0 : i32
      %dma_start3A_58 = tpu.memref_slice %arg5[%arg0, %add3A_38, %dma_start3A] : memref<2x10000x128xf32, #tpu.memory_space<hbm>> -> memref<1x128x128xf32, #tpu.memory_space<hbm>>
      %dma_start3A_59 = tpu.memref_squeeze %dma_start3A_58 : memref<1x128x128xf32, #tpu.memory_space<hbm>> -> memref<128x128xf32, #tpu.memory_space<hbm>>
      %dma_start3A_60 = arith.constant 0 : i32
      %dma_start3A_61 = tpu.memref_slice %arg5[%arg0, %add3A_38, %dma_start3A_60] : memref<2x10000x128xf32, #tpu.memory_space<hbm>> -> memref<1x128x128xf32, #tpu.memory_space<hbm>>
      %dma_start3A_62 = tpu.memref_squeeze %dma_start3A_61 : memref<1x128x128xf32, #tpu.memory_space<hbm>> -> memref<128x128xf32, #tpu.memory_space<hbm>>
      tpu.enqueue_dma source(%arg8 : memref<128x128xf32, #tpu.memory_space<vmem>>) target(%dma_start3A_62 : memref<128x128xf32, #tpu.memory_space<hbm>>) target_semaphore(%run_scoped3A : memref<!tpu.dma_semaphore, #tpu.memory_space<semaphore_mem>>)
      %dma_wait3A = arith.constant 0 : i32
      %dma_wait3A_63 = tpu.memref_slice %arg5[%arg0, %add3A_38, %dma_wait3A] : memref<2x10000x128xf32, #tpu.memory_space<hbm>> -> memref<1x128x128xf32, #tpu.memory_space<hbm>>
      %dma_wait3A_64 = tpu.memref_squeeze %dma_wait3A_63 : memref<1x128x128xf32, #tpu.memory_space<hbm>> -> memref<128x128xf32, #tpu.memory_space<hbm>>
      %dma_wait3A_65 = arith.constant 0 : i32
      %dma_wait3A_66 = tpu.memref_slice %arg5[%arg0, %add3A_38, %dma_wait3A_65] : memref<2x10000x128xf32, #tpu.memory_space<hbm>> -> memref<1x128x128xf32, #tpu.memory_space<hbm>>
      %dma_wait3A_67 = tpu.memref_squeeze %dma_wait3A_66 : memref<1x128x128xf32, #tpu.memory_space<hbm>> -> memref<128x128xf32, #tpu.memory_space<hbm>>
      tpu.wait_dma2 semaphore(%run_scoped3A : memref<!tpu.dma_semaphore, #tpu.memory_space<semaphore_mem>>) src(%arg8 : memref<128x128xf32, #tpu.memory_space<vmem>>) dst(%dma_wait3A_67 : memref<128x128xf32, #tpu.memory_space<hbm>>)
      tpu.yield
    }) : () -> ()
    %mul3A_39 = arith.constant 624 : i32
    %mul3A_40 = arith.muli %arg1, %mul3A_39 : i32
    %add3A_41 = arith.constant 128 : i32
    %add3A_42 = arith.addi %mul3A_40, %add3A_41 : i32
    "tpu.region"() ({
      %run_scoped3A = tpu.sem_alloc : memref<!tpu.dma_semaphore, #tpu.memory_space<semaphore_mem>>
      %dma_start3A = arith.constant 0 : i32
      %dma_start3A_58 = tpu.memref_slice %arg10[%add3A_42, %dma_start3A] : memref<10000x128xf32, #tpu.memory_space<vmem_shared>> -> memref<128x128xf32, #tpu.memory_space<vmem_shared>>
      %dma_start3A_59 = arith.constant 0 : i32
      %dma_start3A_60 = tpu.memref_slice %arg10[%add3A_42, %dma_start3A_59] : memref<10000x128xf32, #tpu.memory_space<vmem_shared>> -> memref<128x128xf32, #tpu.memory_space<vmem_shared>>
      tpu.enqueue_dma source(%dma_start3A_60 : memref<128x128xf32, #tpu.memory_space<vmem_shared>>) target(%arg8 : memref<128x128xf32, #tpu.memory_space<vmem>>) target_semaphore(%run_scoped3A : memref<!tpu.dma_semaphore, #tpu.memory_space<semaphore_mem>>)
      %dma_wait3A = arith.constant 0 : i32
      %dma_wait3A_61 = tpu.memref_slice %arg10[%add3A_42, %dma_wait3A] : memref<10000x128xf32, #tpu.memory_space<vmem_shared>> -> memref<128x128xf32, #tpu.memory_space<vmem_shared>>
      %dma_wait3A_62 = arith.constant 0 : i32
      %dma_wait3A_63 = tpu.memref_slice %arg10[%add3A_42, %dma_wait3A_62] : memref<10000x128xf32, #tpu.memory_space<vmem_shared>> -> memref<128x128xf32, #tpu.memory_space<vmem_shared>>
      tpu.wait_dma2 semaphore(%run_scoped3A : memref<!tpu.dma_semaphore, #tpu.memory_space<semaphore_mem>>) src(%dma_wait3A_63 : memref<128x128xf32, #tpu.memory_space<vmem_shared>>) dst(%arg8 : memref<128x128xf32, #tpu.memory_space<vmem>>)
      tpu.yield
    }) : () -> ()
    "tpu.region"() ({
      %run_scoped3A = tpu.sem_alloc : memref<!tpu.dma_semaphore, #tpu.memory_space<semaphore_mem>>
      %dma_start3A = arith.constant 0 : i32
      %dma_start3A_58 = tpu.memref_slice %arg5[%arg0, %add3A_42, %dma_start3A] : memref<2x10000x128xf32, #tpu.memory_space<hbm>> -> memref<1x128x128xf32, #tpu.memory_space<hbm>>
      %dma_start3A_59 = tpu.memref_squeeze %dma_start3A_58 : memref<1x128x128xf32, #tpu.memory_space<hbm>> -> memref<128x128xf32, #tpu.memory_space<hbm>>
      %dma_start3A_60 = arith.constant 0 : i32
      %dma_start3A_61 = tpu.memref_slice %arg5[%arg0, %add3A_42, %dma_start3A_60] : memref<2x10000x128xf32, #tpu.memory_space<hbm>> -> memref<1x128x128xf32, #tpu.memory_space<hbm>>
      %dma_start3A_62 = tpu.memref_squeeze %dma_start3A_61 : memref<1x128x128xf32, #tpu.memory_space<hbm>> -> memref<128x128xf32, #tpu.memory_space<hbm>>
      tpu.enqueue_dma source(%arg8 : memref<128x128xf32, #tpu.memory_space<vmem>>) target(%dma_start3A_62 : memref<128x128xf32, #tpu.memory_space<hbm>>) target_semaphore(%run_scoped3A : memref<!tpu.dma_semaphore, #tpu.memory_space<semaphore_mem>>)
      %dma_wait3A = arith.constant 0 : i32
      %dma_wait3A_63 = tpu.memref_slice %arg5[%arg0, %add3A_42, %dma_wait3A] : memref<2x10000x128xf32, #tpu.memory_space<hbm>> -> memref<1x128x128xf32, #tpu.memory_space<hbm>>
      %dma_wait3A_64 = tpu.memref_squeeze %dma_wait3A_63 : memref<1x128x128xf32, #tpu.memory_space<hbm>> -> memref<128x128xf32, #tpu.memory_space<hbm>>
      %dma_wait3A_65 = arith.constant 0 : i32
      %dma_wait3A_66 = tpu.memref_slice %arg5[%arg0, %add3A_42, %dma_wait3A_65] : memref<2x10000x128xf32, #tpu.memory_space<hbm>> -> memref<1x128x128xf32, #tpu.memory_space<hbm>>
      %dma_wait3A_67 = tpu.memref_squeeze %dma_wait3A_66 : memref<1x128x128xf32, #tpu.memory_space<hbm>> -> memref<128x128xf32, #tpu.memory_space<hbm>>
      tpu.wait_dma2 semaphore(%run_scoped3A : memref<!tpu.dma_semaphore, #tpu.memory_space<semaphore_mem>>) src(%arg8 : memref<128x128xf32, #tpu.memory_space<vmem>>) dst(%dma_wait3A_67 : memref<128x128xf32, #tpu.memory_space<hbm>>)
      tpu.yield
    }) : () -> ()
    %mul3A_43 = arith.constant 624 : i32
    %mul3A_44 = arith.muli %arg1, %mul3A_43 : i32
    %add3A_45 = arith.constant 256 : i32
    %add3A_46 = arith.addi %mul3A_44, %add3A_45 : i32
    "tpu.region"() ({
      %run_scoped3A = tpu.sem_alloc : memref<!tpu.dma_semaphore, #tpu.memory_space<semaphore_mem>>
      %dma_start3A = arith.constant 0 : i32
      %dma_start3A_58 = tpu.memref_slice %arg10[%add3A_46, %dma_start3A] : memref<10000x128xf32, #tpu.memory_space<vmem_shared>> -> memref<128x128xf32, #tpu.memory_space<vmem_shared>>
      %dma_start3A_59 = arith.constant 0 : i32
      %dma_start3A_60 = tpu.memref_slice %arg10[%add3A_46, %dma_start3A_59] : memref<10000x128xf32, #tpu.memory_space<vmem_shared>> -> memref<128x128xf32, #tpu.memory_space<vmem_shared>>
      tpu.enqueue_dma source(%dma_start3A_60 : memref<128x128xf32, #tpu.memory_space<vmem_shared>>) target(%arg8 : memref<128x128xf32, #tpu.memory_space<vmem>>) target_semaphore(%run_scoped3A : memref<!tpu.dma_semaphore, #tpu.memory_space<semaphore_mem>>)
      %dma_wait3A = arith.constant 0 : i32
      %dma_wait3A_61 = tpu.memref_slice %arg10[%add3A_46, %dma_wait3A] : memref<10000x128xf32, #tpu.memory_space<vmem_shared>> -> memref<128x128xf32, #tpu.memory_space<vmem_shared>>
      %dma_wait3A_62 = arith.constant 0 : i32
      %dma_wait3A_63 = tpu.memref_slice %arg10[%add3A_46, %dma_wait3A_62] : memref<10000x128xf32, #tpu.memory_space<vmem_shared>> -> memref<128x128xf32, #tpu.memory_space<vmem_shared>>
      tpu.wait_dma2 semaphore(%run_scoped3A : memref<!tpu.dma_semaphore, #tpu.memory_space<semaphore_mem>>) src(%dma_wait3A_63 : memref<128x128xf32, #tpu.memory_space<vmem_shared>>) dst(%arg8 : memref<128x128xf32, #tpu.memory_space<vmem>>)
      tpu.yield
    }) : () -> ()
    "tpu.region"() ({
      %run_scoped3A = tpu.sem_alloc : memref<!tpu.dma_semaphore, #tpu.memory_space<semaphore_mem>>
      %dma_start3A = arith.constant 0 : i32
      %dma_start3A_58 = tpu.memref_slice %arg5[%arg0, %add3A_46, %dma_start3A] : memref<2x10000x128xf32, #tpu.memory_space<hbm>> -> memref<1x128x128xf32, #tpu.memory_space<hbm>>
      %dma_start3A_59 = tpu.memref_squeeze %dma_start3A_58 : memref<1x128x128xf32, #tpu.memory_space<hbm>> -> memref<128x128xf32, #tpu.memory_space<hbm>>
      %dma_start3A_60 = arith.constant 0 : i32
      %dma_start3A_61 = tpu.memref_slice %arg5[%arg0, %add3A_46, %dma_start3A_60] : memref<2x10000x128xf32, #tpu.memory_space<hbm>> -> memref<1x128x128xf32, #tpu.memory_space<hbm>>
      %dma_start3A_62 = tpu.memref_squeeze %dma_start3A_61 : memref<1x128x128xf32, #tpu.memory_space<hbm>> -> memref<128x128xf32, #tpu.memory_space<hbm>>
      tpu.enqueue_dma source(%arg8 : memref<128x128xf32, #tpu.memory_space<vmem>>) target(%dma_start3A_62 : memref<128x128xf32, #tpu.memory_space<hbm>>) target_semaphore(%run_scoped3A : memref<!tpu.dma_semaphore, #tpu.memory_space<semaphore_mem>>)
      %dma_wait3A = arith.constant 0 : i32
      %dma_wait3A_63 = tpu.memref_slice %arg5[%arg0, %add3A_46, %dma_wait3A] : memref<2x10000x128xf32, #tpu.memory_space<hbm>> -> memref<1x128x128xf32, #tpu.memory_space<hbm>>
      %dma_wait3A_64 = tpu.memref_squeeze %dma_wait3A_63 : memref<1x128x128xf32, #tpu.memory_space<hbm>> -> memref<128x128xf32, #tpu.memory_space<hbm>>
      %dma_wait3A_65 = arith.constant 0 : i32
      %dma_wait3A_66 = tpu.memref_slice %arg5[%arg0, %add3A_46, %dma_wait3A_65] : memref<2x10000x128xf32, #tpu.memory_space<hbm>> -> memref<1x128x128xf32, #tpu.memory_space<hbm>>
      %dma_wait3A_67 = tpu.memref_squeeze %dma_wait3A_66 : memref<1x128x128xf32, #tpu.memory_space<hbm>> -> memref<128x128xf32, #tpu.memory_space<hbm>>
      tpu.wait_dma2 semaphore(%run_scoped3A : memref<!tpu.dma_semaphore, #tpu.memory_space<semaphore_mem>>) src(%arg8 : memref<128x128xf32, #tpu.memory_space<vmem>>) dst(%dma_wait3A_67 : memref<128x128xf32, #tpu.memory_space<hbm>>)
      tpu.yield
    }) : () -> ()
    %mul3A_47 = arith.constant 624 : i32
    %mul3A_48 = arith.muli %arg1, %mul3A_47 : i32
    %add3A_49 = arith.constant 384 : i32
    %add3A_50 = arith.addi %mul3A_48, %add3A_49 : i32
    "tpu.region"() ({
      %run_scoped3A = tpu.sem_alloc : memref<!tpu.dma_semaphore, #tpu.memory_space<semaphore_mem>>
      %dma_start3A = arith.constant 0 : i32
      %dma_start3A_58 = tpu.memref_slice %arg10[%add3A_50, %dma_start3A] : memref<10000x128xf32, #tpu.memory_space<vmem_shared>> -> memref<128x128xf32, #tpu.memory_space<vmem_shared>>
      %dma_start3A_59 = arith.constant 0 : i32
      %dma_start3A_60 = tpu.memref_slice %arg10[%add3A_50, %dma_start3A_59] : memref<10000x128xf32, #tpu.memory_space<vmem_shared>> -> memref<128x128xf32, #tpu.memory_space<vmem_shared>>
      tpu.enqueue_dma source(%dma_start3A_60 : memref<128x128xf32, #tpu.memory_space<vmem_shared>>) target(%arg8 : memref<128x128xf32, #tpu.memory_space<vmem>>) target_semaphore(%run_scoped3A : memref<!tpu.dma_semaphore, #tpu.memory_space<semaphore_mem>>)
      %dma_wait3A = arith.constant 0 : i32
      %dma_wait3A_61 = tpu.memref_slice %arg10[%add3A_50, %dma_wait3A] : memref<10000x128xf32, #tpu.memory_space<vmem_shared>> -> memref<128x128xf32, #tpu.memory_space<vmem_shared>>
      %dma_wait3A_62 = arith.constant 0 : i32
      %dma_wait3A_63 = tpu.memref_slice %arg10[%add3A_50, %dma_wait3A_62] : memref<10000x128xf32, #tpu.memory_space<vmem_shared>> -> memref<128x128xf32, #tpu.memory_space<vmem_shared>>
      tpu.wait_dma2 semaphore(%run_scoped3A : memref<!tpu.dma_semaphore, #tpu.memory_space<semaphore_mem>>) src(%dma_wait3A_63 : memref<128x128xf32, #tpu.memory_space<vmem_shared>>) dst(%arg8 : memref<128x128xf32, #tpu.memory_space<vmem>>)
      tpu.yield
    }) : () -> ()
    "tpu.region"() ({
      %run_scoped3A = tpu.sem_alloc : memref<!tpu.dma_semaphore, #tpu.memory_space<semaphore_mem>>
      %dma_start3A = arith.constant 0 : i32
      %dma_start3A_58 = tpu.memref_slice %arg5[%arg0, %add3A_50, %dma_start3A] : memref<2x10000x128xf32, #tpu.memory_space<hbm>> -> memref<1x128x128xf32, #tpu.memory_space<hbm>>
      %dma_start3A_59 = tpu.memref_squeeze %dma_start3A_58 : memref<1x128x128xf32, #tpu.memory_space<hbm>> -> memref<128x128xf32, #tpu.memory_space<hbm>>
      %dma_start3A_60 = arith.constant 0 : i32
      %dma_start3A_61 = tpu.memref_slice %arg5[%arg0, %add3A_50, %dma_start3A_60] : memref<2x10000x128xf32, #tpu.memory_space<hbm>> -> memref<1x128x128xf32, #tpu.memory_space<hbm>>
      %dma_start3A_62 = tpu.memref_squeeze %dma_start3A_61 : memref<1x128x128xf32, #tpu.memory_space<hbm>> -> memref<128x128xf32, #tpu.memory_space<hbm>>
      tpu.enqueue_dma source(%arg8 : memref<128x128xf32, #tpu.memory_space<vmem>>) target(%dma_start3A_62 : memref<128x128xf32, #tpu.memory_space<hbm>>) target_semaphore(%run_scoped3A : memref<!tpu.dma_semaphore, #tpu.memory_space<semaphore_mem>>)
      %dma_wait3A = arith.constant 0 : i32
      %dma_wait3A_63 = tpu.memref_slice %arg5[%arg0, %add3A_50, %dma_wait3A] : memref<2x10000x128xf32, #tpu.memory_space<hbm>> -> memref<1x128x128xf32, #tpu.memory_space<hbm>>
      %dma_wait3A_64 = tpu.memref_squeeze %dma_wait3A_63 : memref<1x128x128xf32, #tpu.memory_space<hbm>> -> memref<128x128xf32, #tpu.memory_space<hbm>>
      %dma_wait3A_65 = arith.constant 0 : i32
      %dma_wait3A_66 = tpu.memref_slice %arg5[%arg0, %add3A_50, %dma_wait3A_65] : memref<2x10000x128xf32, #tpu.memory_space<hbm>> -> memref<1x128x128xf32, #tpu.memory_space<hbm>>
      %dma_wait3A_67 = tpu.memref_squeeze %dma_wait3A_66 : memref<1x128x128xf32, #tpu.memory_space<hbm>> -> memref<128x128xf32, #tpu.memory_space<hbm>>
      tpu.wait_dma2 semaphore(%run_scoped3A : memref<!tpu.dma_semaphore, #tpu.memory_space<semaphore_mem>>) src(%arg8 : memref<128x128xf32, #tpu.memory_space<vmem>>) dst(%dma_wait3A_67 : memref<128x128xf32, #tpu.memory_space<hbm>>)
      tpu.yield
    }) : () -> ()
    %mul3A_51 = arith.constant 624 : i32
    %mul3A_52 = arith.muli %arg1, %mul3A_51 : i32
    %add3A_53 = arith.constant 512 : i32
    %add3A_54 = arith.addi %mul3A_52, %add3A_53 : i32
    "tpu.region"() ({
      %run_scoped3A = tpu.sem_alloc : memref<!tpu.dma_semaphore, #tpu.memory_space<semaphore_mem>>
      %dma_start3A = arith.constant 0 : i32
      %dma_start3A_58 = arith.constant 0 : i32
      %dma_start3A_59 = tpu.memref_slice %arg8[%dma_start3A, %dma_start3A_58] : memref<128x128xf32, #tpu.memory_space<vmem>> -> memref<112x128xf32, #tpu.memory_space<vmem>>
      %dma_start3A_60 = arith.constant 0 : i32
      %dma_start3A_61 = tpu.memref_slice %arg10[%add3A_54, %dma_start3A_60] : memref<10000x128xf32, #tpu.memory_space<vmem_shared>> -> memref<112x128xf32, #tpu.memory_space<vmem_shared>>
      %dma_start3A_62 = arith.constant 0 : i32
      %dma_start3A_63 = arith.constant 0 : i32
      %dma_start3A_64 = tpu.memref_slice %arg8[%dma_start3A_62, %dma_start3A_63] : memref<128x128xf32, #tpu.memory_space<vmem>> -> memref<112x128xf32, #tpu.memory_space<vmem>>
      %dma_start3A_65 = arith.constant 0 : i32
      %dma_start3A_66 = tpu.memref_slice %arg10[%add3A_54, %dma_start3A_65] : memref<10000x128xf32, #tpu.memory_space<vmem_shared>> -> memref<112x128xf32, #tpu.memory_space<vmem_shared>>
      tpu.enqueue_dma source(%dma_start3A_66 : memref<112x128xf32, #tpu.memory_space<vmem_shared>>) target(%dma_start3A_64 : memref<112x128xf32, #tpu.memory_space<vmem>>) target_semaphore(%run_scoped3A : memref<!tpu.dma_semaphore, #tpu.memory_space<semaphore_mem>>)
      %dma_wait3A = arith.constant 0 : i32
      %dma_wait3A_67 = arith.constant 0 : i32
      %dma_wait3A_68 = tpu.memref_slice %arg8[%dma_wait3A, %dma_wait3A_67] : memref<128x128xf32, #tpu.memory_space<vmem>> -> memref<112x128xf32, #tpu.memory_space<vmem>>
      %dma_wait3A_69 = arith.constant 0 : i32
      %dma_wait3A_70 = tpu.memref_slice %arg10[%add3A_54, %dma_wait3A_69] : memref<10000x128xf32, #tpu.memory_space<vmem_shared>> -> memref<112x128xf32, #tpu.memory_space<vmem_shared>>
      %dma_wait3A_71 = arith.constant 0 : i32
      %dma_wait3A_72 = arith.constant 0 : i32
      %dma_wait3A_73 = tpu.memref_slice %arg8[%dma_wait3A_71, %dma_wait3A_72] : memref<128x128xf32, #tpu.memory_space<vmem>> -> memref<112x128xf32, #tpu.memory_space<vmem>>
      %dma_wait3A_74 = arith.constant 0 : i32
      %dma_wait3A_75 = tpu.memref_slice %arg10[%add3A_54, %dma_wait3A_74] : memref<10000x128xf32, #tpu.memory_space<vmem_shared>> -> memref<112x128xf32, #tpu.memory_space<vmem_shared>>
      tpu.wait_dma2 semaphore(%run_scoped3A : memref<!tpu.dma_semaphore, #tpu.memory_space<semaphore_mem>>) src(%dma_wait3A_75 : memref<112x128xf32, #tpu.memory_space<vmem_shared>>) dst(%dma_wait3A_73 : memref<112x128xf32, #tpu.memory_space<vmem>>)
      tpu.yield
    }) : () -> ()
    "tpu.region"() ({
      %run_scoped3A = tpu.sem_alloc : memref<!tpu.dma_semaphore, #tpu.memory_space<semaphore_mem>>
      %dma_start3A = arith.constant 0 : i32
      %dma_start3A_58 = arith.constant 0 : i32
      %dma_start3A_59 = tpu.memref_slice %arg8[%dma_start3A, %dma_start3A_58] : memref<128x128xf32, #tpu.memory_space<vmem>> -> memref<112x128xf32, #tpu.memory_space<vmem>>
      %dma_start3A_60 = arith.constant 0 : i32
      %dma_start3A_61 = tpu.memref_slice %arg5[%arg0, %add3A_54, %dma_start3A_60] : memref<2x10000x128xf32, #tpu.memory_space<hbm>> -> memref<1x112x128xf32, #tpu.memory_space<hbm>>
      %dma_start3A_62 = tpu.memref_squeeze %dma_start3A_61 : memref<1x112x128xf32, #tpu.memory_space<hbm>> -> memref<112x128xf32, #tpu.memory_space<hbm>>
      %dma_start3A_63 = arith.constant 0 : i32
      %dma_start3A_64 = tpu.memref_slice %arg5[%arg0, %add3A_54, %dma_start3A_63] : memref<2x10000x128xf32, #tpu.memory_space<hbm>> -> memref<1x112x128xf32, #tpu.memory_space<hbm>>
      %dma_start3A_65 = tpu.memref_squeeze %dma_start3A_64 : memref<1x112x128xf32, #tpu.memory_space<hbm>> -> memref<112x128xf32, #tpu.memory_space<hbm>>
      %dma_start3A_66 = arith.constant 0 : i32
      %dma_start3A_67 = arith.constant 0 : i32
      %dma_start3A_68 = tpu.memref_slice %arg8[%dma_start3A_66, %dma_start3A_67] : memref<128x128xf32, #tpu.memory_space<vmem>> -> memref<112x128xf32, #tpu.memory_space<vmem>>
      tpu.enqueue_dma source(%dma_start3A_68 : memref<112x128xf32, #tpu.memory_space<vmem>>) target(%dma_start3A_65 : memref<112x128xf32, #tpu.memory_space<hbm>>) target_semaphore(%run_scoped3A : memref<!tpu.dma_semaphore, #tpu.memory_space<semaphore_mem>>)
      %dma_wait3A = arith.constant 0 : i32
      %dma_wait3A_69 = arith.constant 0 : i32
      %dma_wait3A_70 = tpu.memref_slice %arg8[%dma_wait3A, %dma_wait3A_69] : memref<128x128xf32, #tpu.memory_space<vmem>> -> memref<112x128xf32, #tpu.memory_space<vmem>>
      %dma_wait3A_71 = arith.constant 0 : i32
      %dma_wait3A_72 = tpu.memref_slice %arg5[%arg0, %add3A_54, %dma_wait3A_71] : memref<2x10000x128xf32, #tpu.memory_space<hbm>> -> memref<1x112x128xf32, #tpu.memory_space<hbm>>
      %dma_wait3A_73 = tpu.memref_squeeze %dma_wait3A_72 : memref<1x112x128xf32, #tpu.memory_space<hbm>> -> memref<112x128xf32, #tpu.memory_space<hbm>>
      %dma_wait3A_74 = arith.constant 0 : i32
      %dma_wait3A_75 = tpu.memref_slice %arg5[%arg0, %add3A_54, %dma_wait3A_74] : memref<2x10000x128xf32, #tpu.memory_space<hbm>> -> memref<1x112x128xf32, #tpu.memory_space<hbm>>
      %dma_wait3A_76 = tpu.memref_squeeze %dma_wait3A_75 : memref<1x112x128xf32, #tpu.memory_space<hbm>> -> memref<112x128xf32, #tpu.memory_space<hbm>>
      %dma_wait3A_77 = arith.constant 0 : i32
      %dma_wait3A_78 = arith.constant 0 : i32
      %dma_wait3A_79 = tpu.memref_slice %arg8[%dma_wait3A_77, %dma_wait3A_78] : memref<128x128xf32, #tpu.memory_space<vmem>> -> memref<112x128xf32, #tpu.memory_space<vmem>>
      tpu.wait_dma2 semaphore(%run_scoped3A : memref<!tpu.dma_semaphore, #tpu.memory_space<semaphore_mem>>) src(%dma_wait3A_79 : memref<112x128xf32, #tpu.memory_space<vmem>>) dst(%dma_wait3A_76 : memref<112x128xf32, #tpu.memory_space<hbm>>)
      tpu.yield
    }) : () -> ()
    %convert_element_type3A_55 = arith.extui %eq3A_1 : i1 to i32
    %cond3A_56 = arith.constant 0 : i32
    %cond3A_57 = arith.cmpi ne, %convert_element_type3A_55, %cond3A_56 : i32
    scf.if %cond3A_57 {
      "tpu.region"() ({
        %run_scoped3A = tpu.sem_alloc : memref<!tpu.dma_semaphore, #tpu.memory_space<semaphore_mem>>
        %dma_start3A = arith.constant 0 : i32
        %dma_start3A_58 = arith.constant 0 : i32
        %dma_start3A_59 = tpu.memref_slice %arg8[%dma_start3A, %dma_start3A_58] : memref<128x128xf32, #tpu.memory_space<vmem>> -> memref<16x128xf32, #tpu.memory_space<vmem>>
        %dma_start3A_60 = arith.constant 9984 : i32
        %dma_start3A_61 = arith.constant 0 : i32
        %dma_start3A_62 = tpu.memref_slice %arg10[%dma_start3A_60, %dma_start3A_61] : memref<10000x128xf32, #tpu.memory_space<vmem_shared>> -> memref<16x128xf32, #tpu.memory_space<vmem_shared>>
        %dma_start3A_63 = arith.constant 0 : i32
        %dma_start3A_64 = arith.constant 0 : i32
        %dma_start3A_65 = tpu.memref_slice %arg8[%dma_start3A_63, %dma_start3A_64] : memref<128x128xf32, #tpu.memory_space<vmem>> -> memref<16x128xf32, #tpu.memory_space<vmem>>
        %dma_start3A_66 = arith.constant 9984 : i32
        %dma_start3A_67 = arith.constant 0 : i32
        %dma_start3A_68 = tpu.memref_slice %arg10[%dma_start3A_66, %dma_start3A_67] : memref<10000x128xf32, #tpu.memory_space<vmem_shared>> -> memref<16x128xf32, #tpu.memory_space<vmem_shared>>
        tpu.enqueue_dma source(%dma_start3A_68 : memref<16x128xf32, #tpu.memory_space<vmem_shared>>) target(%dma_start3A_65 : memref<16x128xf32, #tpu.memory_space<vmem>>) target_semaphore(%run_scoped3A : memref<!tpu.dma_semaphore, #tpu.memory_space<semaphore_mem>>)
        %dma_wait3A = arith.constant 0 : i32
        %dma_wait3A_69 = arith.constant 0 : i32
        %dma_wait3A_70 = tpu.memref_slice %arg8[%dma_wait3A, %dma_wait3A_69] : memref<128x128xf32, #tpu.memory_space<vmem>> -> memref<16x128xf32, #tpu.memory_space<vmem>>
        %dma_wait3A_71 = arith.constant 9984 : i32
        %dma_wait3A_72 = arith.constant 0 : i32
        %dma_wait3A_73 = tpu.memref_slice %arg10[%dma_wait3A_71, %dma_wait3A_72] : memref<10000x128xf32, #tpu.memory_space<vmem_shared>> -> memref<16x128xf32, #tpu.memory_space<vmem_shared>>
        %dma_wait3A_74 = arith.constant 0 : i32
        %dma_wait3A_75 = arith.constant 0 : i32
        %dma_wait3A_76 = tpu.memref_slice %arg8[%dma_wait3A_74, %dma_wait3A_75] : memref<128x128xf32, #tpu.memory_space<vmem>> -> memref<16x128xf32, #tpu.memory_space<vmem>>
        %dma_wait3A_77 = arith.constant 9984 : i32
        %dma_wait3A_78 = arith.constant 0 : i32
        %dma_wait3A_79 = tpu.memref_slice %arg10[%dma_wait3A_77, %dma_wait3A_78] : memref<10000x128xf32, #tpu.memory_space<vmem_shared>> -> memref<16x128xf32, #tpu.memory_space<vmem_shared>>
        tpu.wait_dma2 semaphore(%run_scoped3A : memref<!tpu.dma_semaphore, #tpu.memory_space<semaphore_mem>>) src(%dma_wait3A_79 : memref<16x128xf32, #tpu.memory_space<vmem_shared>>) dst(%dma_wait3A_76 : memref<16x128xf32, #tpu.memory_space<vmem>>)
        tpu.yield
      }) : () -> ()
      "tpu.region"() ({
        %run_scoped3A = tpu.sem_alloc : memref<!tpu.dma_semaphore, #tpu.memory_space<semaphore_mem>>
        %dma_start3A = arith.constant 0 : i32
        %dma_start3A_58 = arith.constant 0 : i32
        %dma_start3A_59 = tpu.memref_slice %arg8[%dma_start3A, %dma_start3A_58] : memref<128x128xf32, #tpu.memory_space<vmem>> -> memref<16x128xf32, #tpu.memory_space<vmem>>
        %dma_start3A_60 = arith.constant 9984 : i32
        %dma_start3A_61 = arith.constant 0 : i32
        %dma_start3A_62 = tpu.memref_slice %arg5[%arg0, %dma_start3A_60, %dma_start3A_61] : memref<2x10000x128xf32, #tpu.memory_space<hbm>> -> memref<1x16x128xf32, #tpu.memory_space<hbm>>
        %dma_start3A_63 = tpu.memref_squeeze %dma_start3A_62 : memref<1x16x128xf32, #tpu.memory_space<hbm>> -> memref<16x128xf32, #tpu.memory_space<hbm>>
        %dma_start3A_64 = arith.constant 9984 : i32
        %dma_start3A_65 = arith.constant 0 : i32
        %dma_start3A_66 = tpu.memref_slice %arg5[%arg0, %dma_start3A_64, %dma_start3A_65] : memref<2x10000x128xf32, #tpu.memory_space<hbm>> -> memref<1x16x128xf32, #tpu.memory_space<hbm>>
        %dma_start3A_67 = tpu.memref_squeeze %dma_start3A_66 : memref<1x16x128xf32, #tpu.memory_space<hbm>> -> memref<16x128xf32, #tpu.memory_space<hbm>>
        %dma_start3A_68 = arith.constant 0 : i32
        %dma_start3A_69 = arith.constant 0 : i32
        %dma_start3A_70 = tpu.memref_slice %arg8[%dma_start3A_68, %dma_start3A_69] : memref<128x128xf32, #tpu.memory_space<vmem>> -> memref<16x128xf32, #tpu.memory_space<vmem>>
        tpu.enqueue_dma source(%dma_start3A_70 : memref<16x128xf32, #tpu.memory_space<vmem>>) target(%dma_start3A_67 : memref<16x128xf32, #tpu.memory_space<hbm>>) target_semaphore(%run_scoped3A : memref<!tpu.dma_semaphore, #tpu.memory_space<semaphore_mem>>)
        %dma_wait3A = arith.constant 0 : i32
        %dma_wait3A_71 = arith.constant 0 : i32
        %dma_wait3A_72 = tpu.memref_slice %arg8[%dma_wait3A, %dma_wait3A_71] : memref<128x128xf32, #tpu.memory_space<vmem>> -> memref<16x128xf32, #tpu.memory_space<vmem>>
        %dma_wait3A_73 = arith.constant 9984 : i32
        %dma_wait3A_74 = arith.constant 0 : i32
        %dma_wait3A_75 = tpu.memref_slice %arg5[%arg0, %dma_wait3A_73, %dma_wait3A_74] : memref<2x10000x128xf32, #tpu.memory_space<hbm>> -> memref<1x16x128xf32, #tpu.memory_space<hbm>>
        %dma_wait3A_76 = tpu.memref_squeeze %dma_wait3A_75 : memref<1x16x128xf32, #tpu.memory_space<hbm>> -> memref<16x128xf32, #tpu.memory_space<hbm>>
        %dma_wait3A_77 = arith.constant 9984 : i32
        %dma_wait3A_78 = arith.constant 0 : i32
        %dma_wait3A_79 = tpu.memref_slice %arg5[%arg0, %dma_wait3A_77, %dma_wait3A_78] : memref<2x10000x128xf32, #tpu.memory_space<hbm>> -> memref<1x16x128xf32, #tpu.memory_space<hbm>>
        %dma_wait3A_80 = tpu.memref_squeeze %dma_wait3A_79 : memref<1x16x128xf32, #tpu.memory_space<hbm>> -> memref<16x128xf32, #tpu.memory_space<hbm>>
        %dma_wait3A_81 = arith.constant 0 : i32
        %dma_wait3A_82 = arith.constant 0 : i32
        %dma_wait3A_83 = tpu.memref_slice %arg8[%dma_wait3A_81, %dma_wait3A_82] : memref<128x128xf32, #tpu.memory_space<vmem>> -> memref<16x128xf32, #tpu.memory_space<vmem>>
        tpu.wait_dma2 semaphore(%run_scoped3A : memref<!tpu.dma_semaphore, #tpu.memory_space<semaphore_mem>>) src(%dma_wait3A_83 : memref<16x128xf32, #tpu.memory_space<vmem>>) dst(%dma_wait3A_80 : memref<16x128xf32, #tpu.memory_space<hbm>>)
        tpu.yield
      }) : () -> ()
    } else {
    }
    return
  }
}

#map = affine_map<(d0, d1) -> (0, 0, 0)>
#map1 = affine_map<(d0, d1) -> (0, 0)>
module attributes {stable_mosaic.version = 14 : i64} {
  func.func @_msg_body(%arg0: i32, %arg1: i32, %arg2: memref<32x80x128xi32, #tpu.memory_space<hbm>>, %arg3: memref<32x80x128xi32, #tpu.memory_space<hbm>>, %arg4: memref<10008x128xf32, #tpu.memory_space<hbm>>, %arg5: memref<2x10000x128xf32, #tpu.memory_space<hbm>>, %arg6: memref<80x128xi32, #tpu.memory_space<vmem>>, %arg7: memref<80x128xi32, #tpu.memory_space<vmem>>, %arg8: memref<128x128xf32, #tpu.memory_space<vmem>>, %arg9: memref<128x128xf32, #tpu.memory_space<vmem>>, %arg10: memref<10000x128xf32, #tpu.memory_space<vmem_shared>>, %arg11: memref<!tpu.dma_semaphore, #tpu.memory_space<semaphore_mem>>, %arg12: memref<!tpu.dma_semaphore, #tpu.memory_space<semaphore_mem>>) attributes {dimension_semantics = [#tpu.dimension_semantics<core_parallel>, #tpu.dimension_semantics<subcore_parallel>], iteration_bounds = array<i64: 2, 16>, scalar_prefetch = 0 : i64, scratch_operands = 7 : i64, tpu.core_type = #tpu.core_type<sc_vector_subcore>, window_params = [{transform_indices = #map}, {transform_indices = #map}, {transform_indices = #map1}, {transform_indices = #map}]} {
    %mul3A = arith.constant 2 : i32
    %mul3A_0 = arith.muli %arg1, %mul3A : i32
    %add3A = arith.addi %mul3A_0, %arg0 : i32
    %eq3A = arith.constant 15 : i32
    %eq3A_1 = arith.cmpi eq, %arg1, %eq3A : i32
    "tpu.region"() ({
      %run_scoped3A = tpu.sem_alloc : memref<!tpu.dma_semaphore, #tpu.memory_space<semaphore_mem>>
      %dma_start3A = arith.constant 0 : i32
      %dma_start3A_58 = arith.constant 0 : i32
      %dma_start3A_59 = tpu.memref_slice %arg2[%add3A, %dma_start3A, %dma_start3A_58] : memref<32x80x128xi32, #tpu.memory_space<hbm>> -> memref<1x80x128xi32, #tpu.memory_space<hbm>>
      %dma_start3A_60 = tpu.memref_squeeze %dma_start3A_59 : memref<1x80x128xi32, #tpu.memory_space<hbm>> -> memref<80x128xi32, #tpu.memory_space<hbm>>
      %dma_start3A_61 = arith.constant 0 : i32
      %dma_start3A_62 = arith.constant 0 : i32
      %dma_start3A_63 = tpu.memref_slice %arg2[%add3A, %dma_start3A_61, %dma_start3A_62] : memref<32x80x128xi32, #tpu.memory_space<hbm>> -> memref<1x80x128xi32, #tpu.memory_space<hbm>>
      %dma_start3A_64 = tpu.memref_squeeze %dma_start3A_63 : memref<1x80x128xi32, #tpu.memory_space<hbm>> -> memref<80x128xi32, #tpu.memory_space<hbm>>
      tpu.enqueue_dma source(%dma_start3A_64 : memref<80x128xi32, #tpu.memory_space<hbm>>) target(%arg6 : memref<80x128xi32, #tpu.memory_space<vmem>>) target_semaphore(%run_scoped3A : memref<!tpu.dma_semaphore, #tpu.memory_space<semaphore_mem>>)
      %dma_wait3A = arith.constant 0 : i32
      %dma_wait3A_65 = arith.constant 0 : i32
      %dma_wait3A_66 = tpu.memref_slice %arg2[%add3A, %dma_wait3A, %dma_wait3A_65] : memref<32x80x128xi32, #tpu.memory_space<hbm>> -> memref<1x80x128xi32, #tpu.memory_space<hbm>>
      %dma_wait3A_67 = tpu.memref_squeeze %dma_wait3A_66 : memref<1x80x128xi32, #tpu.memory_space<hbm>> -> memref<80x128xi32, #tpu.memory_space<hbm>>
      %dma_wait3A_68 = arith.constant 0 : i32
      %dma_wait3A_69 = arith.constant 0 : i32
      %dma_wait3A_70 = tpu.memref_slice %arg2[%add3A, %dma_wait3A_68, %dma_wait3A_69] : memref<32x80x128xi32, #tpu.memory_space<hbm>> -> memref<1x80x128xi32, #tpu.memory_space<hbm>>
      %dma_wait3A_71 = tpu.memref_squeeze %dma_wait3A_70 : memref<1x80x128xi32, #tpu.memory_space<hbm>> -> memref<80x128xi32, #tpu.memory_space<hbm>>
      tpu.wait_dma2 semaphore(%run_scoped3A : memref<!tpu.dma_semaphore, #tpu.memory_space<semaphore_mem>>) src(%dma_wait3A_71 : memref<80x128xi32, #tpu.memory_space<hbm>>) dst(%arg6 : memref<80x128xi32, #tpu.memory_space<vmem>>)
      tpu.yield
    }) : () -> ()
    "tpu.region"() ({
      %run_scoped3A = tpu.sem_alloc : memref<!tpu.dma_semaphore, #tpu.memory_space<semaphore_mem>>
      %dma_start3A = arith.constant 0 : i32
      %dma_start3A_58 = arith.constant 0 : i32
      %dma_start3A_59 = tpu.memref_slice %arg3[%add3A, %dma_start3A, %dma_start3A_58] : memref<32x80x128xi32, #tpu.memory_space<hbm>> -> memref<1x80x128xi32, #tpu.memory_space<hbm>>
      %dma_start3A_60 = tpu.memref_squeeze %dma_start3A_59 : memref<1x80x128xi32, #tpu.memory_space<hbm>> -> memref<80x128xi32, #tpu.memory_space<hbm>>
      %dma_start3A_61 = arith.constant 0 : i32
      %dma_start3A_62 = arith.constant 0 : i32
      %dma_start3A_63 = tpu.memref_slice %arg3[%add3A, %dma_start3A_61, %dma_start3A_62] : memref<32x80x128xi32, #tpu.memory_space<hbm>> -> memref<1x80x128xi32, #tpu.memory_space<hbm>>
      %dma_start3A_64 = tpu.memref_squeeze %dma_start3A_63 : memref<1x80x128xi32, #tpu.memory_space<hbm>> -> memref<80x128xi32, #tpu.memory_space<hbm>>
      tpu.enqueue_dma source(%dma_start3A_64 : memref<80x128xi32, #tpu.memory_space<hbm>>) target(%arg7 : memref<80x128xi32, #tpu.memory_space<vmem>>) target_semaphore(%run_scoped3A : memref<!tpu.dma_semaphore, #tpu.memory_space<semaphore_mem>>)
      %dma_wait3A = arith.constant 0 : i32
      %dma_wait3A_65 = arith.constant 0 : i32
      %dma_wait3A_66 = tpu.memref_slice %arg3[%add3A, %dma_wait3A, %dma_wait3A_65] : memref<32x80x128xi32, #tpu.memory_space<hbm>> -> memref<1x80x128xi32, #tpu.memory_space<hbm>>
      %dma_wait3A_67 = tpu.memref_squeeze %dma_wait3A_66 : memref<1x80x128xi32, #tpu.memory_space<hbm>> -> memref<80x128xi32, #tpu.memory_space<hbm>>
      %dma_wait3A_68 = arith.constant 0 : i32
      %dma_wait3A_69 = arith.constant 0 : i32
      %dma_wait3A_70 = tpu.memref_slice %arg3[%add3A, %dma_wait3A_68, %dma_wait3A_69] : memref<32x80x128xi32, #tpu.memory_space<hbm>> -> memref<1x80x128xi32, #tpu.memory_space<hbm>>
      %dma_wait3A_71 = tpu.memref_squeeze %dma_wait3A_70 : memref<1x80x128xi32, #tpu.memory_space<hbm>> -> memref<80x128xi32, #tpu.memory_space<hbm>>
      tpu.wait_dma2 semaphore(%run_scoped3A : memref<!tpu.dma_semaphore, #tpu.memory_space<semaphore_mem>>) src(%dma_wait3A_71 : memref<80x128xi32, #tpu.memory_space<hbm>>) dst(%arg7 : memref<80x128xi32, #tpu.memory_space<vmem>>)
      tpu.yield
    }) : () -> ()
    %scan3A = arith.constant 0 : i32
    %scan3A_2 = arith.constant 0 : i32
    %scan3A_3 = arith.constant 128 : i32
    %scan3A_4 = arith.addi %scan3A_2, %scan3A_3 : i32
    %scan3A_5 = arith.constant 1 : i32
    scf.for %scan3A_58 = %scan3A_2 to %scan3A_4 step %scan3A_5  : i32 {
      %broadcast_in_dim3A = arith.constant 0.000000e+00 : f32
      %broadcast_in_dim3A_59 = vector.broadcast %broadcast_in_dim3A : f32 to vector<16xf32>
      %swap3A = arith.index_cast %scan3A_58 : i32 to index
      %swap3A_60 = arith.constant 0 : index
      %swap3A_61 = tpu.vector_load %arg8[%swap3A, %swap3A_60] {strides = array<i32>} : memref<128x128xf32, #tpu.memory_space<vmem>>, vector<1x16xf32>,
      %swap3A_62 = vector.shape_cast %swap3A_61 : vector<1x16xf32> to vector<16xf32>
      %swap3A_63 = vector.shape_cast %broadcast_in_dim3A_59 : vector<16xf32> to vector<1x16xf32>
      tpu.vector_store %arg8[%swap3A, %swap3A_60], %swap3A_63 {strides = array<i32>} : memref<128x128xf32, #tpu.memory_space<vmem>>, vector<1x16xf32>,
      %broadcast_in_dim3A_64 = arith.constant 0.000000e+00 : f32
      %broadcast_in_dim3A_65 = vector.broadcast %broadcast_in_dim3A_64 : f32 to vector<16xf32>
      %swap3A_66 = arith.index_cast %scan3A_58 : i32 to index
      %swap3A_67 = arith.constant 16 : index
      %swap3A_68 = tpu.vector_load %arg8[%swap3A_66, %swap3A_67] {strides = array<i32>} : memref<128x128xf32, #tpu.memory_space<vmem>>, vector<1x16xf32>,
      %swap3A_69 = vector.shape_cast %swap3A_68 : vector<1x16xf32> to vector<16xf32>
      %swap3A_70 = vector.shape_cast %broadcast_in_dim3A_65 : vector<16xf32> to vector<1x16xf32>
      tpu.vector_store %arg8[%swap3A_66, %swap3A_67], %swap3A_70 {strides = array<i32>} : memref<128x128xf32, #tpu.memory_space<vmem>>, vector<1x16xf32>,
      %broadcast_in_dim3A_71 = arith.constant 0.000000e+00 : f32
      %broadcast_in_dim3A_72 = vector.broadcast %broadcast_in_dim3A_71 : f32 to vector<16xf32>
      %swap3A_73 = arith.index_cast %scan3A_58 : i32 to index
      %swap3A_74 = arith.constant 32 : index
      %swap3A_75 = tpu.vector_load %arg8[%swap3A_73, %swap3A_74] {strides = array<i32>} : memref<128x128xf32, #tpu.memory_space<vmem>>, vector<1x16xf32>,
      %swap3A_76 = vector.shape_cast %swap3A_75 : vector<1x16xf32> to vector<16xf32>
      %swap3A_77 = vector.shape_cast %broadcast_in_dim3A_72 : vector<16xf32> to vector<1x16xf32>
      tpu.vector_store %arg8[%swap3A_73, %swap3A_74], %swap3A_77 {strides = array<i32>} : memref<128x128xf32, #tpu.memory_space<vmem>>, vector<1x16xf32>,
      %broadcast_in_dim3A_78 = arith.constant 0.000000e+00 : f32
      %broadcast_in_dim3A_79 = vector.broadcast %broadcast_in_dim3A_78 : f32 to vector<16xf32>
      %swap3A_80 = arith.index_cast %scan3A_58 : i32 to index
      %swap3A_81 = arith.constant 48 : index
      %swap3A_82 = tpu.vector_load %arg8[%swap3A_80, %swap3A_81] {strides = array<i32>} : memref<128x128xf32, #tpu.memory_space<vmem>>, vector<1x16xf32>,
      %swap3A_83 = vector.shape_cast %swap3A_82 : vector<1x16xf32> to vector<16xf32>
      %swap3A_84 = vector.shape_cast %broadcast_in_dim3A_79 : vector<16xf32> to vector<1x16xf32>
      tpu.vector_store %arg8[%swap3A_80, %swap3A_81], %swap3A_84 {strides = array<i32>} : memref<128x128xf32, #tpu.memory_space<vmem>>, vector<1x16xf32>,
      %broadcast_in_dim3A_85 = arith.constant 0.000000e+00 : f32
      %broadcast_in_dim3A_86 = vector.broadcast %broadcast_in_dim3A_85 : f32 to vector<16xf32>
      %swap3A_87 = arith.index_cast %scan3A_58 : i32 to index
      %swap3A_88 = arith.constant 64 : index
      %swap3A_89 = tpu.vector_load %arg8[%swap3A_87, %swap3A_88] {strides = array<i32>} : memref<128x128xf32, #tpu.memory_space<vmem>>, vector<1x16xf32>,
      %swap3A_90 = vector.shape_cast %swap3A_89 : vector<1x16xf32> to vector<16xf32>
      %swap3A_91 = vector.shape_cast %broadcast_in_dim3A_86 : vector<16xf32> to vector<1x16xf32>
      tpu.vector_store %arg8[%swap3A_87, %swap3A_88], %swap3A_91 {strides = array<i32>} : memref<128x128xf32, #tpu.memory_space<vmem>>, vector<1x16xf32>,
      %broadcast_in_dim3A_92 = arith.constant 0.000000e+00 : f32
      %broadcast_in_dim3A_93 = vector.broadcast %broadcast_in_dim3A_92 : f32 to vector<16xf32>
      %swap3A_94 = arith.index_cast %scan3A_58 : i32 to index
      %swap3A_95 = arith.constant 80 : index
      %swap3A_96 = tpu.vector_load %arg8[%swap3A_94, %swap3A_95] {strides = array<i32>} : memref<128x128xf32, #tpu.memory_space<vmem>>, vector<1x16xf32>,
      %swap3A_97 = vector.shape_cast %swap3A_96 : vector<1x16xf32> to vector<16xf32>
      %swap3A_98 = vector.shape_cast %broadcast_in_dim3A_93 : vector<16xf32> to vector<1x16xf32>
      tpu.vector_store %arg8[%swap3A_94, %swap3A_95], %swap3A_98 {strides = array<i32>} : memref<128x128xf32, #tpu.memory_space<vmem>>, vector<1x16xf32>,
      %broadcast_in_dim3A_99 = arith.constant 0.000000e+00 : f32
      %broadcast_in_dim3A_100 = vector.broadcast %broadcast_in_dim3A_99 : f32 to vector<16xf32>
      %swap3A_101 = arith.index_cast %scan3A_58 : i32 to index
      %swap3A_102 = arith.constant 96 : index
      %swap3A_103 = tpu.vector_load %arg8[%swap3A_101, %swap3A_102] {strides = array<i32>} : memref<128x128xf32, #tpu.memory_space<vmem>>, vector<1x16xf32>,
      %swap3A_104 = vector.shape_cast %swap3A_103 : vector<1x16xf32> to vector<16xf32>
      %swap3A_105 = vector.shape_cast %broadcast_in_dim3A_100 : vector<16xf32> to vector<1x16xf32>
      tpu.vector_store %arg8[%swap3A_101, %swap3A_102], %swap3A_105 {strides = array<i32>} : memref<128x128xf32, #tpu.memory_space<vmem>>, vector<1x16xf32>,
      %broadcast_in_dim3A_106 = arith.constant 0.000000e+00 : f32
      %broadcast_in_dim3A_107 = vector.broadcast %broadcast_in_dim3A_106 : f32 to vector<16xf32>
      %swap3A_108 = arith.index_cast %scan3A_58 : i32 to index
      %swap3A_109 = arith.constant 112 : index
      %swap3A_110 = tpu.vector_load %arg8[%swap3A_108, %swap3A_109] {strides = array<i32>} : memref<128x128xf32, #tpu.memory_space<vmem>>, vector<1x16xf32>,
      %swap3A_111 = vector.shape_cast %swap3A_110 : vector<1x16xf32> to vector<16xf32>
      %swap3A_112 = vector.shape_cast %broadcast_in_dim3A_107 : vector<16xf32> to vector<1x16xf32>
      tpu.vector_store %arg8[%swap3A_108, %swap3A_109], %swap3A_112 {strides = array<i32>} : memref<128x128xf32, #tpu.memory_space<vmem>>, vector<1x16xf32>,
    }
    %scan3A_6 = arith.constant 128 : i32
    %mul3A_7 = arith.constant 624 : i32
    %mul3A_8 = arith.muli %arg1, %mul3A_7 : i32
    %add3A_9 = arith.constant 0 : i32
    %add3A_10 = arith.addi %mul3A_8, %add3A_9 : i32
    "tpu.region"() ({
      %run_scoped3A = tpu.sem_alloc : memref<!tpu.dma_semaphore, #tpu.memory_space<semaphore_mem>>
      %dma_start3A = arith.constant 0 : i32
      %dma_start3A_58 = tpu.memref_slice %arg10[%add3A_10, %dma_start3A] : memref<10000x128xf32, #tpu.memory_space<vmem_shared>> -> memref<128x128xf32, #tpu.memory_space<vmem_shared>>
      %dma_start3A_59 = arith.constant 0 : i32
      %dma_start3A_60 = tpu.memref_slice %arg10[%add3A_10, %dma_start3A_59] : memref<10000x128xf32, #tpu.memory_space<vmem_shared>> -> memref<128x128xf32, #tpu.memory_space<vmem_shared>>
      tpu.enqueue_dma source(%arg8 : memref<128x128xf32, #tpu.memory_space<vmem>>) target(%dma_start3A_60 : memref<128x128xf32, #tpu.memory_space<vmem_shared>>) target_semaphore(%run_scoped3A : memref<!tpu.dma_semaphore, #tpu.memory_space<semaphore_mem>>)
      %dma_wait3A = arith.constant 0 : i32
      %dma_wait3A_61 = tpu.memref_slice %arg10[%add3A_10, %dma_wait3A] : memref<10000x128xf32, #tpu.memory_space<vmem_shared>> -> memref<128x128xf32, #tpu.memory_space<vmem_shared>>
      %dma_wait3A_62 = arith.constant 0 : i32
      %dma_wait3A_63 = tpu.memref_slice %arg10[%add3A_10, %dma_wait3A_62] : memref<10000x128xf32, #tpu.memory_space<vmem_shared>> -> memref<128x128xf32, #tpu.memory_space<vmem_shared>>
      tpu.wait_dma2 semaphore(%run_scoped3A : memref<!tpu.dma_semaphore, #tpu.memory_space<semaphore_mem>>) src(%arg8 : memref<128x128xf32, #tpu.memory_space<vmem>>) dst(%dma_wait3A_63 : memref<128x128xf32, #tpu.memory_space<vmem_shared>>)
      tpu.yield
    }) : () -> ()
    %mul3A_11 = arith.constant 624 : i32
    %mul3A_12 = arith.muli %arg1, %mul3A_11 : i32
    %add3A_13 = arith.constant 128 : i32
    %add3A_14 = arith.addi %mul3A_12, %add3A_13 : i32
    "tpu.region"() ({
      %run_scoped3A = tpu.sem_alloc : memref<!tpu.dma_semaphore, #tpu.memory_space<semaphore_mem>>
      %dma_start3A = arith.constant 0 : i32
      %dma_start3A_58 = tpu.memref_slice %arg10[%add3A_14, %dma_start3A] : memref<10000x128xf32, #tpu.memory_space<vmem_shared>> -> memref<128x128xf32, #tpu.memory_space<vmem_shared>>
      %dma_start3A_59 = arith.constant 0 : i32
      %dma_start3A_60 = tpu.memref_slice %arg10[%add3A_14, %dma_start3A_59] : memref<10000x128xf32, #tpu.memory_space<vmem_shared>> -> memref<128x128xf32, #tpu.memory_space<vmem_shared>>
      tpu.enqueue_dma source(%arg8 : memref<128x128xf32, #tpu.memory_space<vmem>>) target(%dma_start3A_60 : memref<128x128xf32, #tpu.memory_space<vmem_shared>>) target_semaphore(%run_scoped3A : memref<!tpu.dma_semaphore, #tpu.memory_space<semaphore_mem>>)
      %dma_wait3A = arith.constant 0 : i32
      %dma_wait3A_61 = tpu.memref_slice %arg10[%add3A_14, %dma_wait3A] : memref<10000x128xf32, #tpu.memory_space<vmem_shared>> -> memref<128x128xf32, #tpu.memory_space<vmem_shared>>
      %dma_wait3A_62 = arith.constant 0 : i32
      %dma_wait3A_63 = tpu.memref_slice %arg10[%add3A_14, %dma_wait3A_62] : memref<10000x128xf32, #tpu.memory_space<vmem_shared>> -> memref<128x128xf32, #tpu.memory_space<vmem_shared>>
      tpu.wait_dma2 semaphore(%run_scoped3A : memref<!tpu.dma_semaphore, #tpu.memory_space<semaphore_mem>>) src(%arg8 : memref<128x128xf32, #tpu.memory_space<vmem>>) dst(%dma_wait3A_63 : memref<128x128xf32, #tpu.memory_space<vmem_shared>>)
      tpu.yield
    }) : () -> ()
    %mul3A_15 = arith.constant 624 : i32
    %mul3A_16 = arith.muli %arg1, %mul3A_15 : i32
    %add3A_17 = arith.constant 256 : i32
    %add3A_18 = arith.addi %mul3A_16, %add3A_17 : i32
    "tpu.region"() ({
      %run_scoped3A = tpu.sem_alloc : memref<!tpu.dma_semaphore, #tpu.memory_space<semaphore_mem>>
      %dma_start3A = arith.constant 0 : i32
      %dma_start3A_58 = tpu.memref_slice %arg10[%add3A_18, %dma_start3A] : memref<10000x128xf32, #tpu.memory_space<vmem_shared>> -> memref<128x128xf32, #tpu.memory_space<vmem_shared>>
      %dma_start3A_59 = arith.constant 0 : i32
      %dma_start3A_60 = tpu.memref_slice %arg10[%add3A_18, %dma_start3A_59] : memref<10000x128xf32, #tpu.memory_space<vmem_shared>> -> memref<128x128xf32, #tpu.memory_space<vmem_shared>>
      tpu.enqueue_dma source(%arg8 : memref<128x128xf32, #tpu.memory_space<vmem>>) target(%dma_start3A_60 : memref<128x128xf32, #tpu.memory_space<vmem_shared>>) target_semaphore(%run_scoped3A : memref<!tpu.dma_semaphore, #tpu.memory_space<semaphore_mem>>)
      %dma_wait3A = arith.constant 0 : i32
      %dma_wait3A_61 = tpu.memref_slice %arg10[%add3A_18, %dma_wait3A] : memref<10000x128xf32, #tpu.memory_space<vmem_shared>> -> memref<128x128xf32, #tpu.memory_space<vmem_shared>>
      %dma_wait3A_62 = arith.constant 0 : i32
      %dma_wait3A_63 = tpu.memref_slice %arg10[%add3A_18, %dma_wait3A_62] : memref<10000x128xf32, #tpu.memory_space<vmem_shared>> -> memref<128x128xf32, #tpu.memory_space<vmem_shared>>
      tpu.wait_dma2 semaphore(%run_scoped3A : memref<!tpu.dma_semaphore, #tpu.memory_space<semaphore_mem>>) src(%arg8 : memref<128x128xf32, #tpu.memory_space<vmem>>) dst(%dma_wait3A_63 : memref<128x128xf32, #tpu.memory_space<vmem_shared>>)
      tpu.yield
    }) : () -> ()
    %mul3A_19 = arith.constant 624 : i32
    %mul3A_20 = arith.muli %arg1, %mul3A_19 : i32
    %add3A_21 = arith.constant 384 : i32
    %add3A_22 = arith.addi %mul3A_20, %add3A_21 : i32
    "tpu.region"() ({
      %run_scoped3A = tpu.sem_alloc : memref<!tpu.dma_semaphore, #tpu.memory_space<semaphore_mem>>
      %dma_start3A = arith.constant 0 : i32
      %dma_start3A_58 = tpu.memref_slice %arg10[%add3A_22, %dma_start3A] : memref<10000x128xf32, #tpu.memory_space<vmem_shared>> -> memref<128x128xf32, #tpu.memory_space<vmem_shared>>
      %dma_start3A_59 = arith.constant 0 : i32
      %dma_start3A_60 = tpu.memref_slice %arg10[%add3A_22, %dma_start3A_59] : memref<10000x128xf32, #tpu.memory_space<vmem_shared>> -> memref<128x128xf32, #tpu.memory_space<vmem_shared>>
      tpu.enqueue_dma source(%arg8 : memref<128x128xf32, #tpu.memory_space<vmem>>) target(%dma_start3A_60 : memref<128x128xf32, #tpu.memory_space<vmem_shared>>) target_semaphore(%run_scoped3A : memref<!tpu.dma_semaphore, #tpu.memory_space<semaphore_mem>>)
      %dma_wait3A = arith.constant 0 : i32
      %dma_wait3A_61 = tpu.memref_slice %arg10[%add3A_22, %dma_wait3A] : memref<10000x128xf32, #tpu.memory_space<vmem_shared>> -> memref<128x128xf32, #tpu.memory_space<vmem_shared>>
      %dma_wait3A_62 = arith.constant 0 : i32
      %dma_wait3A_63 = tpu.memref_slice %arg10[%add3A_22, %dma_wait3A_62] : memref<10000x128xf32, #tpu.memory_space<vmem_shared>> -> memref<128x128xf32, #tpu.memory_space<vmem_shared>>
      tpu.wait_dma2 semaphore(%run_scoped3A : memref<!tpu.dma_semaphore, #tpu.memory_space<semaphore_mem>>) src(%arg8 : memref<128x128xf32, #tpu.memory_space<vmem>>) dst(%dma_wait3A_63 : memref<128x128xf32, #tpu.memory_space<vmem_shared>>)
      tpu.yield
    }) : () -> ()
    %mul3A_23 = arith.constant 624 : i32
    %mul3A_24 = arith.muli %arg1, %mul3A_23 : i32
    %add3A_25 = arith.constant 512 : i32
    %add3A_26 = arith.addi %mul3A_24, %add3A_25 : i32
    "tpu.region"() ({
      %run_scoped3A = tpu.sem_alloc : memref<!tpu.dma_semaphore, #tpu.memory_space<semaphore_mem>>
      %dma_start3A = arith.constant 0 : i32
      %dma_start3A_58 = arith.constant 0 : i32
      %dma_start3A_59 = tpu.memref_slice %arg8[%dma_start3A, %dma_start3A_58] : memref<128x128xf32, #tpu.memory_space<vmem>> -> memref<112x128xf32, #tpu.memory_space<vmem>>
      %dma_start3A_60 = arith.constant 0 : i32
      %dma_start3A_61 = tpu.memref_slice %arg10[%add3A_26, %dma_start3A_60] : memref<10000x128xf32, #tpu.memory_space<vmem_shared>> -> memref<112x128xf32, #tpu.memory_space<vmem_shared>>
      %dma_start3A_62 = arith.constant 0 : i32
      %dma_start3A_63 = tpu.memref_slice %arg10[%add3A_26, %dma_start3A_62] : memref<10000x128xf32, #tpu.memory_space<vmem_shared>> -> memref<112x128xf32, #tpu.memory_space<vmem_shared>>
      %dma_start3A_64 = arith.constant 0 : i32
      %dma_start3A_65 = arith.constant 0 : i32
      %dma_start3A_66 = tpu.memref_slice %arg8[%dma_start3A_64, %dma_start3A_65] : memref<128x128xf32, #tpu.memory_space<vmem>> -> memref<112x128xf32, #tpu.memory_space<vmem>>
      tpu.enqueue_dma source(%dma_start3A_66 : memref<112x128xf32, #tpu.memory_space<vmem>>) target(%dma_start3A_63 : memref<112x128xf32, #tpu.memory_space<vmem_shared>>) target_semaphore(%run_scoped3A : memref<!tpu.dma_semaphore, #tpu.memory_space<semaphore_mem>>)
      %dma_wait3A = arith.constant 0 : i32
      %dma_wait3A_67 = arith.constant 0 : i32
      %dma_wait3A_68 = tpu.memref_slice %arg8[%dma_wait3A, %dma_wait3A_67] : memref<128x128xf32, #tpu.memory_space<vmem>> -> memref<112x128xf32, #tpu.memory_space<vmem>>
      %dma_wait3A_69 = arith.constant 0 : i32
      %dma_wait3A_70 = tpu.memref_slice %arg10[%add3A_26, %dma_wait3A_69] : memref<10000x128xf32, #tpu.memory_space<vmem_shared>> -> memref<112x128xf32, #tpu.memory_space<vmem_shared>>
      %dma_wait3A_71 = arith.constant 0 : i32
      %dma_wait3A_72 = tpu.memref_slice %arg10[%add3A_26, %dma_wait3A_71] : memref<10000x128xf32, #tpu.memory_space<vmem_shared>> -> memref<112x128xf32, #tpu.memory_space<vmem_shared>>
      %dma_wait3A_73 = arith.constant 0 : i32
      %dma_wait3A_74 = arith.constant 0 : i32
      %dma_wait3A_75 = tpu.memref_slice %arg8[%dma_wait3A_73, %dma_wait3A_74] : memref<128x128xf32, #tpu.memory_space<vmem>> -> memref<112x128xf32, #tpu.memory_space<vmem>>
      tpu.wait_dma2 semaphore(%run_scoped3A : memref<!tpu.dma_semaphore, #tpu.memory_space<semaphore_mem>>) src(%dma_wait3A_75 : memref<112x128xf32, #tpu.memory_space<vmem>>) dst(%dma_wait3A_72 : memref<112x128xf32, #tpu.memory_space<vmem_shared>>)
      tpu.yield
    }) : () -> ()
    %convert_element_type3A = arith.extui %eq3A_1 : i1 to i32
    %cond3A = arith.constant 0 : i32
    %cond3A_27 = arith.cmpi ne, %convert_element_type3A, %cond3A : i32
    scf.if %cond3A_27 {
      "tpu.region"() ({
        %run_scoped3A = tpu.sem_alloc : memref<!tpu.dma_semaphore, #tpu.memory_space<semaphore_mem>>
        %dma_start3A = arith.constant 0 : i32
        %dma_start3A_58 = arith.constant 0 : i32
        %dma_start3A_59 = tpu.memref_slice %arg8[%dma_start3A, %dma_start3A_58] : memref<128x128xf32, #tpu.memory_space<vmem>> -> memref<16x128xf32, #tpu.memory_space<vmem>>
        %dma_start3A_60 = arith.constant 9984 : i32
        %dma_start3A_61 = arith.constant 0 : i32
        %dma_start3A_62 = tpu.memref_slice %arg10[%dma_start3A_60, %dma_start3A_61] : memref<10000x128xf32, #tpu.memory_space<vmem_shared>> -> memref<16x128xf32, #tpu.memory_space<vmem_shared>>
        %dma_start3A_63 = arith.constant 9984 : i32
        %dma_start3A_64 = arith.constant 0 : i32
        %dma_start3A_65 = tpu.memref_slice %arg10[%dma_start3A_63, %dma_start3A_64] : memref<10000x128xf32, #tpu.memory_space<vmem_shared>> -> memref<16x128xf32, #tpu.memory_space<vmem_shared>>
        %dma_start3A_66 = arith.constant 0 : i32
        %dma_start3A_67 = arith.constant 0 : i32
        %dma_start3A_68 = tpu.memref_slice %arg8[%dma_start3A_66, %dma_start3A_67] : memref<128x128xf32, #tpu.memory_space<vmem>> -> memref<16x128xf32, #tpu.memory_space<vmem>>
        tpu.enqueue_dma source(%dma_start3A_68 : memref<16x128xf32, #tpu.memory_space<vmem>>) target(%dma_start3A_65 : memref<16x128xf32, #tpu.memory_space<vmem_shared>>) target_semaphore(%run_scoped3A : memref<!tpu.dma_semaphore, #tpu.memory_space<semaphore_mem>>)
        %dma_wait3A = arith.constant 0 : i32
        %dma_wait3A_69 = arith.constant 0 : i32
        %dma_wait3A_70 = tpu.memref_slice %arg8[%dma_wait3A, %dma_wait3A_69] : memref<128x128xf32, #tpu.memory_space<vmem>> -> memref<16x128xf32, #tpu.memory_space<vmem>>
        %dma_wait3A_71 = arith.constant 9984 : i32
        %dma_wait3A_72 = arith.constant 0 : i32
        %dma_wait3A_73 = tpu.memref_slice %arg10[%dma_wait3A_71, %dma_wait3A_72] : memref<10000x128xf32, #tpu.memory_space<vmem_shared>> -> memref<16x128xf32, #tpu.memory_space<vmem_shared>>
        %dma_wait3A_74 = arith.constant 9984 : i32
        %dma_wait3A_75 = arith.constant 0 : i32
        %dma_wait3A_76 = tpu.memref_slice %arg10[%dma_wait3A_74, %dma_wait3A_75] : memref<10000x128xf32, #tpu.memory_space<vmem_shared>> -> memref<16x128xf32, #tpu.memory_space<vmem_shared>>
        %dma_wait3A_77 = arith.constant 0 : i32
        %dma_wait3A_78 = arith.constant 0 : i32
        %dma_wait3A_79 = tpu.memref_slice %arg8[%dma_wait3A_77, %dma_wait3A_78] : memref<128x128xf32, #tpu.memory_space<vmem>> -> memref<16x128xf32, #tpu.memory_space<vmem>>
        tpu.wait_dma2 semaphore(%run_scoped3A : memref<!tpu.dma_semaphore, #tpu.memory_space<semaphore_mem>>) src(%dma_wait3A_79 : memref<16x128xf32, #tpu.memory_space<vmem>>) dst(%dma_wait3A_76 : memref<16x128xf32, #tpu.memory_space<vmem_shared>>)
        tpu.yield
      }) : () -> ()
    } else {
    }
    %barrier3A = arith.constant 0 : index
    tpu.barrier barrier_id(%barrier3A)
    %scan3A_28 = arith.constant 0 : i32
    %scan3A_29 = arith.constant 0 : i32
    %scan3A_30 = arith.constant 80 : i32
    %scan3A_31 = arith.addi %scan3A_29, %scan3A_30 : i32
    %scan3A_32 = arith.constant 1 : i32
    scf.for %scan3A_58 = %scan3A_29 to %scan3A_31 step %scan3A_32  : i32 {
      %dma_start3A = arith.constant 0 : i32
      %dma_start3A_59 = tpu.memref_slice %arg6[%scan3A_58, %dma_start3A] : memref<80x128xi32, #tpu.memory_space<vmem>> -> memref<1x128xi32, #tpu.memory_space<vmem>>
      %dma_start3A_60 = tpu.memref_squeeze %dma_start3A_59 : memref<1x128xi32, #tpu.memory_space<vmem>> -> memref<128xi32, #tpu.memory_space<vmem>>
      %dma_start3A_61 = arith.constant 0 : i32
      %dma_start3A_62 = arith.constant 0 : i32
      %dma_start3A_63 = tpu.memref_slice %arg4[%dma_start3A_61, %dma_start3A_62] : memref<10008x128xf32, #tpu.memory_space<hbm>> -> memref<10008x128xf32, #tpu.memory_space<hbm>>
      tpu.enqueue_indirect_dma source(%dma_start3A_63 : memref<10008x128xf32, #tpu.memory_space<hbm>>) target(%arg8 : memref<128x128xf32, #tpu.memory_space<vmem>>) offsets(%dma_start3A_60 : memref<128xi32, #tpu.memory_space<vmem>>) semaphore(%arg11 : memref<!tpu.dma_semaphore, #tpu.memory_space<semaphore_mem>>)
      %dma_wait3A = arith.constant 0 : i32
      %dma_wait3A_64 = tpu.memref_slice %arg6[%scan3A_58, %dma_wait3A] : memref<80x128xi32, #tpu.memory_space<vmem>> -> memref<1x128xi32, #tpu.memory_space<vmem>>
      %dma_wait3A_65 = tpu.memref_squeeze %dma_wait3A_64 : memref<1x128xi32, #tpu.memory_space<vmem>> -> memref<128xi32, #tpu.memory_space<vmem>>
      %dma_wait3A_66 = arith.constant 0 : i32
      %dma_wait3A_67 = arith.constant 0 : i32
      %dma_wait3A_68 = tpu.memref_slice %arg4[%dma_wait3A_66, %dma_wait3A_67] : memref<10008x128xf32, #tpu.memory_space<hbm>> -> memref<10008x128xf32, #tpu.memory_space<hbm>>
      tpu.wait_indirect_dma semaphore(%arg11 : memref<!tpu.dma_semaphore, #tpu.memory_space<semaphore_mem>>) src(%dma_wait3A_68 : memref<10008x128xf32, #tpu.memory_space<hbm>>) dst(%arg8 : memref<128x128xf32, #tpu.memory_space<vmem>>)
      "tpu.region"() ({
        %run_scoped3A = tpu.sem_alloc : memref<!tpu.dma_semaphore, #tpu.memory_space<semaphore_mem>>
        %dma_start3A_69 = arith.constant 0 : i32
        %dma_start3A_70 = tpu.memref_slice %arg7[%scan3A_58, %dma_start3A_69] : memref<80x128xi32, #tpu.memory_space<vmem>> -> memref<1x128xi32, #tpu.memory_space<vmem>>
        %dma_start3A_71 = tpu.memref_squeeze %dma_start3A_70 : memref<1x128xi32, #tpu.memory_space<vmem>> -> memref<128xi32, #tpu.memory_space<vmem>>
        %dma_start3A_72 = arith.constant 0 : i32
        %dma_start3A_73 = arith.constant 0 : i32
        %dma_start3A_74 = tpu.memref_slice %arg10[%dma_start3A_72, %dma_start3A_73] : memref<10000x128xf32, #tpu.memory_space<vmem_shared>> -> memref<10000x128xf32, #tpu.memory_space<vmem_shared>>
        tpu.enqueue_indirect_dma source(%arg8 : memref<128x128xf32, #tpu.memory_space<vmem>>) target(%dma_start3A_74 : memref<10000x128xf32, #tpu.memory_space<vmem_shared>>) offsets(%dma_start3A_71 : memref<128xi32, #tpu.memory_space<vmem>>) semaphore(%run_scoped3A : memref<!tpu.dma_semaphore, #tpu.memory_space<semaphore_mem>>) {add = true}
        %dma_wait3A_75 = arith.constant 0 : i32
        %dma_wait3A_76 = tpu.memref_slice %arg7[%scan3A_58, %dma_wait3A_75] : memref<80x128xi32, #tpu.memory_space<vmem>> -> memref<1x128xi32, #tpu.memory_space<vmem>>
        %dma_wait3A_77 = tpu.memref_squeeze %dma_wait3A_76 : memref<1x128xi32, #tpu.memory_space<vmem>> -> memref<128xi32, #tpu.memory_space<vmem>>
        %dma_wait3A_78 = arith.constant 0 : i32
        %dma_wait3A_79 = arith.constant 0 : i32
        %dma_wait3A_80 = tpu.memref_slice %arg10[%dma_wait3A_78, %dma_wait3A_79] : memref<10000x128xf32, #tpu.memory_space<vmem_shared>> -> memref<10000x128xf32, #tpu.memory_space<vmem_shared>>
        tpu.wait_indirect_dma semaphore(%run_scoped3A : memref<!tpu.dma_semaphore, #tpu.memory_space<semaphore_mem>>) src(%arg8 : memref<128x128xf32, #tpu.memory_space<vmem>>) dst(%dma_wait3A_80 : memref<10000x128xf32, #tpu.memory_space<vmem_shared>>)
        tpu.yield
      }) : () -> ()
    }
    %scan3A_33 = arith.constant 80 : i32
    %barrier3A_34 = arith.constant 0 : index
    tpu.barrier barrier_id(%barrier3A_34)
    %mul3A_35 = arith.constant 624 : i32
    %mul3A_36 = arith.muli %arg1, %mul3A_35 : i32
    %add3A_37 = arith.constant 0 : i32
    %add3A_38 = arith.addi %mul3A_36, %add3A_37 : i32
    "tpu.region"() ({
      %run_scoped3A = tpu.sem_alloc : memref<!tpu.dma_semaphore, #tpu.memory_space<semaphore_mem>>
      %dma_start3A = arith.constant 0 : i32
      %dma_start3A_58 = tpu.memref_slice %arg10[%add3A_38, %dma_start3A] : memref<10000x128xf32, #tpu.memory_space<vmem_shared>> -> memref<128x128xf32, #tpu.memory_space<vmem_shared>>
      %dma_start3A_59 = arith.constant 0 : i32
      %dma_start3A_60 = tpu.memref_slice %arg10[%add3A_38, %dma_start3A_59] : memref<10000x128xf32, #tpu.memory_space<vmem_shared>> -> memref<128x128xf32, #tpu.memory_space<vmem_shared>>
      tpu.enqueue_dma source(%dma_start3A_60 : memref<128x128xf32, #tpu.memory_space<vmem_shared>>) target(%arg8 : memref<128x128xf32, #tpu.memory_space<vmem>>) target_semaphore(%run_scoped3A : memref<!tpu.dma_semaphore, #tpu.memory_space<semaphore_mem>>)
      %dma_wait3A = arith.constant 0 : i32
      %dma_wait3A_61 = tpu.memref_slice %arg10[%add3A_38, %dma_wait3A] : memref<10000x128xf32, #tpu.memory_space<vmem_shared>> -> memref<128x128xf32, #tpu.memory_space<vmem_shared>>
      %dma_wait3A_62 = arith.constant 0 : i32
      %dma_wait3A_63 = tpu.memref_slice %arg10[%add3A_38, %dma_wait3A_62] : memref<10000x128xf32, #tpu.memory_space<vmem_shared>> -> memref<128x128xf32, #tpu.memory_space<vmem_shared>>
      tpu.wait_dma2 semaphore(%run_scoped3A : memref<!tpu.dma_semaphore, #tpu.memory_space<semaphore_mem>>) src(%dma_wait3A_63 : memref<128x128xf32, #tpu.memory_space<vmem_shared>>) dst(%arg8 : memref<128x128xf32, #tpu.memory_space<vmem>>)
      tpu.yield
    }) : () -> ()
    "tpu.region"() ({
      %run_scoped3A = tpu.sem_alloc : memref<!tpu.dma_semaphore, #tpu.memory_space<semaphore_mem>>
      %dma_start3A = arith.constant 0 : i32
      %dma_start3A_58 = tpu.memref_slice %arg5[%arg0, %add3A_38, %dma_start3A] : memref<2x10000x128xf32, #tpu.memory_space<hbm>> -> memref<1x128x128xf32, #tpu.memory_space<hbm>>
      %dma_start3A_59 = tpu.memref_squeeze %dma_start3A_58 : memref<1x128x128xf32, #tpu.memory_space<hbm>> -> memref<128x128xf32, #tpu.memory_space<hbm>>
      %dma_start3A_60 = arith.constant 0 : i32
      %dma_start3A_61 = tpu.memref_slice %arg5[%arg0, %add3A_38, %dma_start3A_60] : memref<2x10000x128xf32, #tpu.memory_space<hbm>> -> memref<1x128x128xf32, #tpu.memory_space<hbm>>
      %dma_start3A_62 = tpu.memref_squeeze %dma_start3A_61 : memref<1x128x128xf32, #tpu.memory_space<hbm>> -> memref<128x128xf32, #tpu.memory_space<hbm>>
      tpu.enqueue_dma source(%arg8 : memref<128x128xf32, #tpu.memory_space<vmem>>) target(%dma_start3A_62 : memref<128x128xf32, #tpu.memory_space<hbm>>) target_semaphore(%run_scoped3A : memref<!tpu.dma_semaphore, #tpu.memory_space<semaphore_mem>>)
      %dma_wait3A = arith.constant 0 : i32
      %dma_wait3A_63 = tpu.memref_slice %arg5[%arg0, %add3A_38, %dma_wait3A] : memref<2x10000x128xf32, #tpu.memory_space<hbm>> -> memref<1x128x128xf32, #tpu.memory_space<hbm>>
      %dma_wait3A_64 = tpu.memref_squeeze %dma_wait3A_63 : memref<1x128x128xf32, #tpu.memory_space<hbm>> -> memref<128x128xf32, #tpu.memory_space<hbm>>
      %dma_wait3A_65 = arith.constant 0 : i32
      %dma_wait3A_66 = tpu.memref_slice %arg5[%arg0, %add3A_38, %dma_wait3A_65] : memref<2x10000x128xf32, #tpu.memory_space<hbm>> -> memref<1x128x128xf32, #tpu.memory_space<hbm>>
      %dma_wait3A_67 = tpu.memref_squeeze %dma_wait3A_66 : memref<1x128x128xf32, #tpu.memory_space<hbm>> -> memref<128x128xf32, #tpu.memory_space<hbm>>
      tpu.wait_dma2 semaphore(%run_scoped3A : memref<!tpu.dma_semaphore, #tpu.memory_space<semaphore_mem>>) src(%arg8 : memref<128x128xf32, #tpu.memory_space<vmem>>) dst(%dma_wait3A_67 : memref<128x128xf32, #tpu.memory_space<hbm>>)
      tpu.yield
    }) : () -> ()
    %mul3A_39 = arith.constant 624 : i32
    %mul3A_40 = arith.muli %arg1, %mul3A_39 : i32
    %add3A_41 = arith.constant 128 : i32
    %add3A_42 = arith.addi %mul3A_40, %add3A_41 : i32
    "tpu.region"() ({
      %run_scoped3A = tpu.sem_alloc : memref<!tpu.dma_semaphore, #tpu.memory_space<semaphore_mem>>
      %dma_start3A = arith.constant 0 : i32
      %dma_start3A_58 = tpu.memref_slice %arg10[%add3A_42, %dma_start3A] : memref<10000x128xf32, #tpu.memory_space<vmem_shared>> -> memref<128x128xf32, #tpu.memory_space<vmem_shared>>
      %dma_start3A_59 = arith.constant 0 : i32
      %dma_start3A_60 = tpu.memref_slice %arg10[%add3A_42, %dma_start3A_59] : memref<10000x128xf32, #tpu.memory_space<vmem_shared>> -> memref<128x128xf32, #tpu.memory_space<vmem_shared>>
      tpu.enqueue_dma source(%dma_start3A_60 : memref<128x128xf32, #tpu.memory_space<vmem_shared>>) target(%arg8 : memref<128x128xf32, #tpu.memory_space<vmem>>) target_semaphore(%run_scoped3A : memref<!tpu.dma_semaphore, #tpu.memory_space<semaphore_mem>>)
      %dma_wait3A = arith.constant 0 : i32
      %dma_wait3A_61 = tpu.memref_slice %arg10[%add3A_42, %dma_wait3A] : memref<10000x128xf32, #tpu.memory_space<vmem_shared>> -> memref<128x128xf32, #tpu.memory_space<vmem_shared>>
      %dma_wait3A_62 = arith.constant 0 : i32
      %dma_wait3A_63 = tpu.memref_slice %arg10[%add3A_42, %dma_wait3A_62] : memref<10000x128xf32, #tpu.memory_space<vmem_shared>> -> memref<128x128xf32, #tpu.memory_space<vmem_shared>>
      tpu.wait_dma2 semaphore(%run_scoped3A : memref<!tpu.dma_semaphore, #tpu.memory_space<semaphore_mem>>) src(%dma_wait3A_63 : memref<128x128xf32, #tpu.memory_space<vmem_shared>>) dst(%arg8 : memref<128x128xf32, #tpu.memory_space<vmem>>)
      tpu.yield
    }) : () -> ()
    "tpu.region"() ({
      %run_scoped3A = tpu.sem_alloc : memref<!tpu.dma_semaphore, #tpu.memory_space<semaphore_mem>>
      %dma_start3A = arith.constant 0 : i32
      %dma_start3A_58 = tpu.memref_slice %arg5[%arg0, %add3A_42, %dma_start3A] : memref<2x10000x128xf32, #tpu.memory_space<hbm>> -> memref<1x128x128xf32, #tpu.memory_space<hbm>>
      %dma_start3A_59 = tpu.memref_squeeze %dma_start3A_58 : memref<1x128x128xf32, #tpu.memory_space<hbm>> -> memref<128x128xf32, #tpu.memory_space<hbm>>
      %dma_start3A_60 = arith.constant 0 : i32
      %dma_start3A_61 = tpu.memref_slice %arg5[%arg0, %add3A_42, %dma_start3A_60] : memref<2x10000x128xf32, #tpu.memory_space<hbm>> -> memref<1x128x128xf32, #tpu.memory_space<hbm>>
      %dma_start3A_62 = tpu.memref_squeeze %dma_start3A_61 : memref<1x128x128xf32, #tpu.memory_space<hbm>> -> memref<128x128xf32, #tpu.memory_space<hbm>>
      tpu.enqueue_dma source(%arg8 : memref<128x128xf32, #tpu.memory_space<vmem>>) target(%dma_start3A_62 : memref<128x128xf32, #tpu.memory_space<hbm>>) target_semaphore(%run_scoped3A : memref<!tpu.dma_semaphore, #tpu.memory_space<semaphore_mem>>)
      %dma_wait3A = arith.constant 0 : i32
      %dma_wait3A_63 = tpu.memref_slice %arg5[%arg0, %add3A_42, %dma_wait3A] : memref<2x10000x128xf32, #tpu.memory_space<hbm>> -> memref<1x128x128xf32, #tpu.memory_space<hbm>>
      %dma_wait3A_64 = tpu.memref_squeeze %dma_wait3A_63 : memref<1x128x128xf32, #tpu.memory_space<hbm>> -> memref<128x128xf32, #tpu.memory_space<hbm>>
      %dma_wait3A_65 = arith.constant 0 : i32
      %dma_wait3A_66 = tpu.memref_slice %arg5[%arg0, %add3A_42, %dma_wait3A_65] : memref<2x10000x128xf32, #tpu.memory_space<hbm>> -> memref<1x128x128xf32, #tpu.memory_space<hbm>>
      %dma_wait3A_67 = tpu.memref_squeeze %dma_wait3A_66 : memref<1x128x128xf32, #tpu.memory_space<hbm>> -> memref<128x128xf32, #tpu.memory_space<hbm>>
      tpu.wait_dma2 semaphore(%run_scoped3A : memref<!tpu.dma_semaphore, #tpu.memory_space<semaphore_mem>>) src(%arg8 : memref<128x128xf32, #tpu.memory_space<vmem>>) dst(%dma_wait3A_67 : memref<128x128xf32, #tpu.memory_space<hbm>>)
      tpu.yield
    }) : () -> ()
    %mul3A_43 = arith.constant 624 : i32
    %mul3A_44 = arith.muli %arg1, %mul3A_43 : i32
    %add3A_45 = arith.constant 256 : i32
    %add3A_46 = arith.addi %mul3A_44, %add3A_45 : i32
    "tpu.region"() ({
      %run_scoped3A = tpu.sem_alloc : memref<!tpu.dma_semaphore, #tpu.memory_space<semaphore_mem>>
      %dma_start3A = arith.constant 0 : i32
      %dma_start3A_58 = tpu.memref_slice %arg10[%add3A_46, %dma_start3A] : memref<10000x128xf32, #tpu.memory_space<vmem_shared>> -> memref<128x128xf32, #tpu.memory_space<vmem_shared>>
      %dma_start3A_59 = arith.constant 0 : i32
      %dma_start3A_60 = tpu.memref_slice %arg10[%add3A_46, %dma_start3A_59] : memref<10000x128xf32, #tpu.memory_space<vmem_shared>> -> memref<128x128xf32, #tpu.memory_space<vmem_shared>>
      tpu.enqueue_dma source(%dma_start3A_60 : memref<128x128xf32, #tpu.memory_space<vmem_shared>>) target(%arg8 : memref<128x128xf32, #tpu.memory_space<vmem>>) target_semaphore(%run_scoped3A : memref<!tpu.dma_semaphore, #tpu.memory_space<semaphore_mem>>)
      %dma_wait3A = arith.constant 0 : i32
      %dma_wait3A_61 = tpu.memref_slice %arg10[%add3A_46, %dma_wait3A] : memref<10000x128xf32, #tpu.memory_space<vmem_shared>> -> memref<128x128xf32, #tpu.memory_space<vmem_shared>>
      %dma_wait3A_62 = arith.constant 0 : i32
      %dma_wait3A_63 = tpu.memref_slice %arg10[%add3A_46, %dma_wait3A_62] : memref<10000x128xf32, #tpu.memory_space<vmem_shared>> -> memref<128x128xf32, #tpu.memory_space<vmem_shared>>
      tpu.wait_dma2 semaphore(%run_scoped3A : memref<!tpu.dma_semaphore, #tpu.memory_space<semaphore_mem>>) src(%dma_wait3A_63 : memref<128x128xf32, #tpu.memory_space<vmem_shared>>) dst(%arg8 : memref<128x128xf32, #tpu.memory_space<vmem>>)
      tpu.yield
    }) : () -> ()
    "tpu.region"() ({
      %run_scoped3A = tpu.sem_alloc : memref<!tpu.dma_semaphore, #tpu.memory_space<semaphore_mem>>
      %dma_start3A = arith.constant 0 : i32
      %dma_start3A_58 = tpu.memref_slice %arg5[%arg0, %add3A_46, %dma_start3A] : memref<2x10000x128xf32, #tpu.memory_space<hbm>> -> memref<1x128x128xf32, #tpu.memory_space<hbm>>
      %dma_start3A_59 = tpu.memref_squeeze %dma_start3A_58 : memref<1x128x128xf32, #tpu.memory_space<hbm>> -> memref<128x128xf32, #tpu.memory_space<hbm>>
      %dma_start3A_60 = arith.constant 0 : i32
      %dma_start3A_61 = tpu.memref_slice %arg5[%arg0, %add3A_46, %dma_start3A_60] : memref<2x10000x128xf32, #tpu.memory_space<hbm>> -> memref<1x128x128xf32, #tpu.memory_space<hbm>>
      %dma_start3A_62 = tpu.memref_squeeze %dma_start3A_61 : memref<1x128x128xf32, #tpu.memory_space<hbm>> -> memref<128x128xf32, #tpu.memory_space<hbm>>
      tpu.enqueue_dma source(%arg8 : memref<128x128xf32, #tpu.memory_space<vmem>>) target(%dma_start3A_62 : memref<128x128xf32, #tpu.memory_space<hbm>>) target_semaphore(%run_scoped3A : memref<!tpu.dma_semaphore, #tpu.memory_space<semaphore_mem>>)
      %dma_wait3A = arith.constant 0 : i32
      %dma_wait3A_63 = tpu.memref_slice %arg5[%arg0, %add3A_46, %dma_wait3A] : memref<2x10000x128xf32, #tpu.memory_space<hbm>> -> memref<1x128x128xf32, #tpu.memory_space<hbm>>
      %dma_wait3A_64 = tpu.memref_squeeze %dma_wait3A_63 : memref<1x128x128xf32, #tpu.memory_space<hbm>> -> memref<128x128xf32, #tpu.memory_space<hbm>>
      %dma_wait3A_65 = arith.constant 0 : i32
      %dma_wait3A_66 = tpu.memref_slice %arg5[%arg0, %add3A_46, %dma_wait3A_65] : memref<2x10000x128xf32, #tpu.memory_space<hbm>> -> memref<1x128x128xf32, #tpu.memory_space<hbm>>
      %dma_wait3A_67 = tpu.memref_squeeze %dma_wait3A_66 : memref<1x128x128xf32, #tpu.memory_space<hbm>> -> memref<128x128xf32, #tpu.memory_space<hbm>>
      tpu.wait_dma2 semaphore(%run_scoped3A : memref<!tpu.dma_semaphore, #tpu.memory_space<semaphore_mem>>) src(%arg8 : memref<128x128xf32, #tpu.memory_space<vmem>>) dst(%dma_wait3A_67 : memref<128x128xf32, #tpu.memory_space<hbm>>)
      tpu.yield
    }) : () -> ()
    %mul3A_47 = arith.constant 624 : i32
    %mul3A_48 = arith.muli %arg1, %mul3A_47 : i32
    %add3A_49 = arith.constant 384 : i32
    %add3A_50 = arith.addi %mul3A_48, %add3A_49 : i32
    "tpu.region"() ({
      %run_scoped3A = tpu.sem_alloc : memref<!tpu.dma_semaphore, #tpu.memory_space<semaphore_mem>>
      %dma_start3A = arith.constant 0 : i32
      %dma_start3A_58 = tpu.memref_slice %arg10[%add3A_50, %dma_start3A] : memref<10000x128xf32, #tpu.memory_space<vmem_shared>> -> memref<128x128xf32, #tpu.memory_space<vmem_shared>>
      %dma_start3A_59 = arith.constant 0 : i32
      %dma_start3A_60 = tpu.memref_slice %arg10[%add3A_50, %dma_start3A_59] : memref<10000x128xf32, #tpu.memory_space<vmem_shared>> -> memref<128x128xf32, #tpu.memory_space<vmem_shared>>
      tpu.enqueue_dma source(%dma_start3A_60 : memref<128x128xf32, #tpu.memory_space<vmem_shared>>) target(%arg8 : memref<128x128xf32, #tpu.memory_space<vmem>>) target_semaphore(%run_scoped3A : memref<!tpu.dma_semaphore, #tpu.memory_space<semaphore_mem>>)
      %dma_wait3A = arith.constant 0 : i32
      %dma_wait3A_61 = tpu.memref_slice %arg10[%add3A_50, %dma_wait3A] : memref<10000x128xf32, #tpu.memory_space<vmem_shared>> -> memref<128x128xf32, #tpu.memory_space<vmem_shared>>
      %dma_wait3A_62 = arith.constant 0 : i32
      %dma_wait3A_63 = tpu.memref_slice %arg10[%add3A_50, %dma_wait3A_62] : memref<10000x128xf32, #tpu.memory_space<vmem_shared>> -> memref<128x128xf32, #tpu.memory_space<vmem_shared>>
      tpu.wait_dma2 semaphore(%run_scoped3A : memref<!tpu.dma_semaphore, #tpu.memory_space<semaphore_mem>>) src(%dma_wait3A_63 : memref<128x128xf32, #tpu.memory_space<vmem_shared>>) dst(%arg8 : memref<128x128xf32, #tpu.memory_space<vmem>>)
      tpu.yield
    }) : () -> ()
    "tpu.region"() ({
      %run_scoped3A = tpu.sem_alloc : memref<!tpu.dma_semaphore, #tpu.memory_space<semaphore_mem>>
      %dma_start3A = arith.constant 0 : i32
      %dma_start3A_58 = tpu.memref_slice %arg5[%arg0, %add3A_50, %dma_start3A] : memref<2x10000x128xf32, #tpu.memory_space<hbm>> -> memref<1x128x128xf32, #tpu.memory_space<hbm>>
      %dma_start3A_59 = tpu.memref_squeeze %dma_start3A_58 : memref<1x128x128xf32, #tpu.memory_space<hbm>> -> memref<128x128xf32, #tpu.memory_space<hbm>>
      %dma_start3A_60 = arith.constant 0 : i32
      %dma_start3A_61 = tpu.memref_slice %arg5[%arg0, %add3A_50, %dma_start3A_60] : memref<2x10000x128xf32, #tpu.memory_space<hbm>> -> memref<1x128x128xf32, #tpu.memory_space<hbm>>
      %dma_start3A_62 = tpu.memref_squeeze %dma_start3A_61 : memref<1x128x128xf32, #tpu.memory_space<hbm>> -> memref<128x128xf32, #tpu.memory_space<hbm>>
      tpu.enqueue_dma source(%arg8 : memref<128x128xf32, #tpu.memory_space<vmem>>) target(%dma_start3A_62 : memref<128x128xf32, #tpu.memory_space<hbm>>) target_semaphore(%run_scoped3A : memref<!tpu.dma_semaphore, #tpu.memory_space<semaphore_mem>>)
      %dma_wait3A = arith.constant 0 : i32
      %dma_wait3A_63 = tpu.memref_slice %arg5[%arg0, %add3A_50, %dma_wait3A] : memref<2x10000x128xf32, #tpu.memory_space<hbm>> -> memref<1x128x128xf32, #tpu.memory_space<hbm>>
      %dma_wait3A_64 = tpu.memref_squeeze %dma_wait3A_63 : memref<1x128x128xf32, #tpu.memory_space<hbm>> -> memref<128x128xf32, #tpu.memory_space<hbm>>
      %dma_wait3A_65 = arith.constant 0 : i32
      %dma_wait3A_66 = tpu.memref_slice %arg5[%arg0, %add3A_50, %dma_wait3A_65] : memref<2x10000x128xf32, #tpu.memory_space<hbm>> -> memref<1x128x128xf32, #tpu.memory_space<hbm>>
      %dma_wait3A_67 = tpu.memref_squeeze %dma_wait3A_66 : memref<1x128x128xf32, #tpu.memory_space<hbm>> -> memref<128x128xf32, #tpu.memory_space<hbm>>
      tpu.wait_dma2 semaphore(%run_scoped3A : memref<!tpu.dma_semaphore, #tpu.memory_space<semaphore_mem>>) src(%arg8 : memref<128x128xf32, #tpu.memory_space<vmem>>) dst(%dma_wait3A_67 : memref<128x128xf32, #tpu.memory_space<hbm>>)
      tpu.yield
    }) : () -> ()
    %mul3A_51 = arith.constant 624 : i32
    %mul3A_52 = arith.muli %arg1, %mul3A_51 : i32
    %add3A_53 = arith.constant 512 : i32
    %add3A_54 = arith.addi %mul3A_52, %add3A_53 : i32
    "tpu.region"() ({
      %run_scoped3A = tpu.sem_alloc : memref<!tpu.dma_semaphore, #tpu.memory_space<semaphore_mem>>
      %dma_start3A = arith.constant 0 : i32
      %dma_start3A_58 = arith.constant 0 : i32
      %dma_start3A_59 = tpu.memref_slice %arg8[%dma_start3A, %dma_start3A_58] : memref<128x128xf32, #tpu.memory_space<vmem>> -> memref<112x128xf32, #tpu.memory_space<vmem>>
      %dma_start3A_60 = arith.constant 0 : i32
      %dma_start3A_61 = tpu.memref_slice %arg10[%add3A_54, %dma_start3A_60] : memref<10000x128xf32, #tpu.memory_space<vmem_shared>> -> memref<112x128xf32, #tpu.memory_space<vmem_shared>>
      %dma_start3A_62 = arith.constant 0 : i32
      %dma_start3A_63 = arith.constant 0 : i32
      %dma_start3A_64 = tpu.memref_slice %arg8[%dma_start3A_62, %dma_start3A_63] : memref<128x128xf32, #tpu.memory_space<vmem>> -> memref<112x128xf32, #tpu.memory_space<vmem>>
      %dma_start3A_65 = arith.constant 0 : i32
      %dma_start3A_66 = tpu.memref_slice %arg10[%add3A_54, %dma_start3A_65] : memref<10000x128xf32, #tpu.memory_space<vmem_shared>> -> memref<112x128xf32, #tpu.memory_space<vmem_shared>>
      tpu.enqueue_dma source(%dma_start3A_66 : memref<112x128xf32, #tpu.memory_space<vmem_shared>>) target(%dma_start3A_64 : memref<112x128xf32, #tpu.memory_space<vmem>>) target_semaphore(%run_scoped3A : memref<!tpu.dma_semaphore, #tpu.memory_space<semaphore_mem>>)
      %dma_wait3A = arith.constant 0 : i32
      %dma_wait3A_67 = arith.constant 0 : i32
      %dma_wait3A_68 = tpu.memref_slice %arg8[%dma_wait3A, %dma_wait3A_67] : memref<128x128xf32, #tpu.memory_space<vmem>> -> memref<112x128xf32, #tpu.memory_space<vmem>>
      %dma_wait3A_69 = arith.constant 0 : i32
      %dma_wait3A_70 = tpu.memref_slice %arg10[%add3A_54, %dma_wait3A_69] : memref<10000x128xf32, #tpu.memory_space<vmem_shared>> -> memref<112x128xf32, #tpu.memory_space<vmem_shared>>
      %dma_wait3A_71 = arith.constant 0 : i32
      %dma_wait3A_72 = arith.constant 0 : i32
      %dma_wait3A_73 = tpu.memref_slice %arg8[%dma_wait3A_71, %dma_wait3A_72] : memref<128x128xf32, #tpu.memory_space<vmem>> -> memref<112x128xf32, #tpu.memory_space<vmem>>
      %dma_wait3A_74 = arith.constant 0 : i32
      %dma_wait3A_75 = tpu.memref_slice %arg10[%add3A_54, %dma_wait3A_74] : memref<10000x128xf32, #tpu.memory_space<vmem_shared>> -> memref<112x128xf32, #tpu.memory_space<vmem_shared>>
      tpu.wait_dma2 semaphore(%run_scoped3A : memref<!tpu.dma_semaphore, #tpu.memory_space<semaphore_mem>>) src(%dma_wait3A_75 : memref<112x128xf32, #tpu.memory_space<vmem_shared>>) dst(%dma_wait3A_73 : memref<112x128xf32, #tpu.memory_space<vmem>>)
      tpu.yield
    }) : () -> ()
    "tpu.region"() ({
      %run_scoped3A = tpu.sem_alloc : memref<!tpu.dma_semaphore, #tpu.memory_space<semaphore_mem>>
      %dma_start3A = arith.constant 0 : i32
      %dma_start3A_58 = arith.constant 0 : i32
      %dma_start3A_59 = tpu.memref_slice %arg8[%dma_start3A, %dma_start3A_58] : memref<128x128xf32, #tpu.memory_space<vmem>> -> memref<112x128xf32, #tpu.memory_space<vmem>>
      %dma_start3A_60 = arith.constant 0 : i32
      %dma_start3A_61 = tpu.memref_slice %arg5[%arg0, %add3A_54, %dma_start3A_60] : memref<2x10000x128xf32, #tpu.memory_space<hbm>> -> memref<1x112x128xf32, #tpu.memory_space<hbm>>
      %dma_start3A_62 = tpu.memref_squeeze %dma_start3A_61 : memref<1x112x128xf32, #tpu.memory_space<hbm>> -> memref<112x128xf32, #tpu.memory_space<hbm>>
      %dma_start3A_63 = arith.constant 0 : i32
      %dma_start3A_64 = tpu.memref_slice %arg5[%arg0, %add3A_54, %dma_start3A_63] : memref<2x10000x128xf32, #tpu.memory_space<hbm>> -> memref<1x112x128xf32, #tpu.memory_space<hbm>>
      %dma_start3A_65 = tpu.memref_squeeze %dma_start3A_64 : memref<1x112x128xf32, #tpu.memory_space<hbm>> -> memref<112x128xf32, #tpu.memory_space<hbm>>
      %dma_start3A_66 = arith.constant 0 : i32
      %dma_start3A_67 = arith.constant 0 : i32
      %dma_start3A_68 = tpu.memref_slice %arg8[%dma_start3A_66, %dma_start3A_67] : memref<128x128xf32, #tpu.memory_space<vmem>> -> memref<112x128xf32, #tpu.memory_space<vmem>>
      tpu.enqueue_dma source(%dma_start3A_68 : memref<112x128xf32, #tpu.memory_space<vmem>>) target(%dma_start3A_65 : memref<112x128xf32, #tpu.memory_space<hbm>>) target_semaphore(%run_scoped3A : memref<!tpu.dma_semaphore, #tpu.memory_space<semaphore_mem>>)
      %dma_wait3A = arith.constant 0 : i32
      %dma_wait3A_69 = arith.constant 0 : i32
      %dma_wait3A_70 = tpu.memref_slice %arg8[%dma_wait3A, %dma_wait3A_69] : memref<128x128xf32, #tpu.memory_space<vmem>> -> memref<112x128xf32, #tpu.memory_space<vmem>>
      %dma_wait3A_71 = arith.constant 0 : i32
      %dma_wait3A_72 = tpu.memref_slice %arg5[%arg0, %add3A_54, %dma_wait3A_71] : memref<2x10000x128xf32, #tpu.memory_space<hbm>> -> memref<1x112x128xf32, #tpu.memory_space<hbm>>
      %dma_wait3A_73 = tpu.memref_squeeze %dma_wait3A_72 : memref<1x112x128xf32, #tpu.memory_space<hbm>> -> memref<112x128xf32, #tpu.memory_space<hbm>>
      %dma_wait3A_74 = arith.constant 0 : i32
      %dma_wait3A_75 = tpu.memref_slice %arg5[%arg0, %add3A_54, %dma_wait3A_74] : memref<2x10000x128xf32, #tpu.memory_space<hbm>> -> memref<1x112x128xf32, #tpu.memory_space<hbm>>
      %dma_wait3A_76 = tpu.memref_squeeze %dma_wait3A_75 : memref<1x112x128xf32, #tpu.memory_space<hbm>> -> memref<112x128xf32, #tpu.memory_space<hbm>>
      %dma_wait3A_77 = arith.constant 0 : i32
      %dma_wait3A_78 = arith.constant 0 : i32
      %dma_wait3A_79 = tpu.memref_slice %arg8[%dma_wait3A_77, %dma_wait3A_78] : memref<128x128xf32, #tpu.memory_space<vmem>> -> memref<112x128xf32, #tpu.memory_space<vmem>>
      tpu.wait_dma2 semaphore(%run_scoped3A : memref<!tpu.dma_semaphore, #tpu.memory_space<semaphore_mem>>) src(%dma_wait3A_79 : memref<112x128xf32, #tpu.memory_space<vmem>>) dst(%dma_wait3A_76 : memref<112x128xf32, #tpu.memory_space<hbm>>)
      tpu.yield
    }) : () -> ()
    %convert_element_type3A_55 = arith.extui %eq3A_1 : i1 to i32
    %cond3A_56 = arith.constant 0 : i32
    %cond3A_57 = arith.cmpi ne, %convert_element_type3A_55, %cond3A_56 : i32
    scf.if %cond3A_57 {
      "tpu.region"() ({
        %run_scoped3A = tpu.sem_alloc : memref<!tpu.dma_semaphore, #tpu.memory_space<semaphore_mem>>
        %dma_start3A = arith.constant 0 : i32
        %dma_start3A_58 = arith.constant 0 : i32
        %dma_start3A_59 = tpu.memref_slice %arg8[%dma_start3A, %dma_start3A_58] : memref<128x128xf32, #tpu.memory_space<vmem>> -> memref<16x128xf32, #tpu.memory_space<vmem>>
        %dma_start3A_60 = arith.constant 9984 : i32
        %dma_start3A_61 = arith.constant 0 : i32
        %dma_start3A_62 = tpu.memref_slice %arg10[%dma_start3A_60, %dma_start3A_61] : memref<10000x128xf32, #tpu.memory_space<vmem_shared>> -> memref<16x128xf32, #tpu.memory_space<vmem_shared>>
        %dma_start3A_63 = arith.constant 0 : i32
        %dma_start3A_64 = arith.constant 0 : i32
        %dma_start3A_65 = tpu.memref_slice %arg8[%dma_start3A_63, %dma_start3A_64] : memref<128x128xf32, #tpu.memory_space<vmem>> -> memref<16x128xf32, #tpu.memory_space<vmem>>
        %dma_start3A_66 = arith.constant 9984 : i32
        %dma_start3A_67 = arith.constant 0 : i32
        %dma_start3A_68 = tpu.memref_slice %arg10[%dma_start3A_66, %dma_start3A_67] : memref<10000x128xf32, #tpu.memory_space<vmem_shared>> -> memref<16x128xf32, #tpu.memory_space<vmem_shared>>
        tpu.enqueue_dma source(%dma_start3A_68 : memref<16x128xf32, #tpu.memory_space<vmem_shared>>) target(%dma_start3A_65 : memref<16x128xf32, #tpu.memory_space<vmem>>) target_semaphore(%run_scoped3A : memref<!tpu.dma_semaphore, #tpu.memory_space<semaphore_mem>>)
        %dma_wait3A = arith.constant 0 : i32
        %dma_wait3A_69 = arith.constant 0 : i32
        %dma_wait3A_70 = tpu.memref_slice %arg8[%dma_wait3A, %dma_wait3A_69] : memref<128x128xf32, #tpu.memory_space<vmem>> -> memref<16x128xf32, #tpu.memory_space<vmem>>
        %dma_wait3A_71 = arith.constant 9984 : i32
        %dma_wait3A_72 = arith.constant 0 : i32
        %dma_wait3A_73 = tpu.memref_slice %arg10[%dma_wait3A_71, %dma_wait3A_72] : memref<10000x128xf32, #tpu.memory_space<vmem_shared>> -> memref<16x128xf32, #tpu.memory_space<vmem_shared>>
        %dma_wait3A_74 = arith.constant 0 : i32
        %dma_wait3A_75 = arith.constant 0 : i32
        %dma_wait3A_76 = tpu.memref_slice %arg8[%dma_wait3A_74, %dma_wait3A_75] : memref<128x128xf32, #tpu.memory_space<vmem>> -> memref<16x128xf32, #tpu.memory_space<vmem>>
        %dma_wait3A_77 = arith.constant 9984 : i32
        %dma_wait3A_78 = arith.constant 0 : i32
        %dma_wait3A_79 = tpu.memref_slice %arg10[%dma_wait3A_77, %dma_wait3A_78] : memref<10000x128xf32, #tpu.memory_space<vmem_shared>> -> memref<16x128xf32, #tpu.memory_space<vmem_shared>>
        tpu.wait_dma2 semaphore(%run_scoped3A : memref<!tpu.dma_semaphore, #tpu.memory_space<semaphore_mem>>) src(%dma_wait3A_79 : memref<16x128xf32, #tpu.memory_space<vmem_shared>>) dst(%dma_wait3A_76 : memref<16x128xf32, #tpu.memory_space<vmem>>)
        tpu.yield
      }) : () -> ()
      "tpu.region"() ({
        %run_scoped3A = tpu.sem_alloc : memref<!tpu.dma_semaphore, #tpu.memory_space<semaphore_mem>>
        %dma_start3A = arith.constant 0 : i32
        %dma_start3A_58 = arith.constant 0 : i32
        %dma_start3A_59 = tpu.memref_slice %arg8[%dma_start3A, %dma_start3A_58] : memref<128x128xf32, #tpu.memory_space<vmem>> -> memref<16x128xf32, #tpu.memory_space<vmem>>
        %dma_start3A_60 = arith.constant 9984 : i32
        %dma_start3A_61 = arith.constant 0 : i32
        %dma_start3A_62 = tpu.memref_slice %arg5[%arg0, %dma_start3A_60, %dma_start3A_61] : memref<2x10000x128xf32, #tpu.memory_space<hbm>> -> memref<1x16x128xf32, #tpu.memory_space<hbm>>
        %dma_start3A_63 = tpu.memref_squeeze %dma_start3A_62 : memref<1x16x128xf32, #tpu.memory_space<hbm>> -> memref<16x128xf32, #tpu.memory_space<hbm>>
        %dma_start3A_64 = arith.constant 9984 : i32
        %dma_start3A_65 = arith.constant 0 : i32
        %dma_start3A_66 = tpu.memref_slice %arg5[%arg0, %dma_start3A_64, %dma_start3A_65] : memref<2x10000x128xf32, #tpu.memory_space<hbm>> -> memref<1x16x128xf32, #tpu.memory_space<hbm>>
        %dma_start3A_67 = tpu.memref_squeeze %dma_start3A_66 : memref<1x16x128xf32, #tpu.memory_space<hbm>> -> memref<16x128xf32, #tpu.memory_space<hbm>>
        %dma_start3A_68 = arith.constant 0 : i32
        %dma_start3A_69 = arith.constant 0 : i32
        %dma_start3A_70 = tpu.memref_slice %arg8[%dma_start3A_68, %dma_start3A_69] : memref<128x128xf32, #tpu.memory_space<vmem>> -> memref<16x128xf32, #tpu.memory_space<vmem>>
        tpu.enqueue_dma source(%dma_start3A_70 : memref<16x128xf32, #tpu.memory_space<vmem>>) target(%dma_start3A_67 : memref<16x128xf32, #tpu.memory_space<hbm>>) target_semaphore(%run_scoped3A : memref<!tpu.dma_semaphore, #tpu.memory_space<semaphore_mem>>)
        %dma_wait3A = arith.constant 0 : i32
        %dma_wait3A_71 = arith.constant 0 : i32
        %dma_wait3A_72 = tpu.memref_slice %arg8[%dma_wait3A, %dma_wait3A_71] : memref<128x128xf32, #tpu.memory_space<vmem>> -> memref<16x128xf32, #tpu.memory_space<vmem>>
        %dma_wait3A_73 = arith.constant 9984 : i32
        %dma_wait3A_74 = arith.constant 0 : i32
        %dma_wait3A_75 = tpu.memref_slice %arg5[%arg0, %dma_wait3A_73, %dma_wait3A_74] : memref<2x10000x128xf32, #tpu.memory_space<hbm>> -> memref<1x16x128xf32, #tpu.memory_space<hbm>>
        %dma_wait3A_76 = tpu.memref_squeeze %dma_wait3A_75 : memref<1x16x128xf32, #tpu.memory_space<hbm>> -> memref<16x128xf32, #tpu.memory_space<hbm>>
        %dma_wait3A_77 = arith.constant 9984 : i32
        %dma_wait3A_78 = arith.constant 0 : i32
        %dma_wait3A_79 = tpu.memref_slice %arg5[%arg0, %dma_wait3A_77, %dma_wait3A_78] : memref<2x10000x128xf32, #tpu.memory_space<hbm>> -> memref<1x16x128xf32, #tpu.memory_space<hbm>>
        %dma_wait3A_80 = tpu.memref_squeeze %dma_wait3A_79 : memref<1x16x128xf32, #tpu.memory_space<hbm>> -> memref<16x128xf32, #tpu.memory_space<hbm>>
        %dma_wait3A_81 = arith.constant 0 : i32
        %dma_wait3A_82 = arith.constant 0 : i32
        %dma_wait3A_83 = tpu.memref_slice %arg8[%dma_wait3A_81, %dma_wait3A_82] : memref<128x128xf32, #tpu.memory_space<vmem>> -> memref<16x128xf32, #tpu.memory_space<vmem>>
        tpu.wait_dma2 semaphore(%run_scoped3A : memref<!tpu.dma_semaphore, #tpu.memory_space<semaphore_mem>>) src(%dma_wait3A_83 : memref<16x128xf32, #tpu.memory_space<vmem>>) dst(%dma_wait3A_80 : memref<16x128xf32, #tpu.memory_space<hbm>>)
        tpu.yield
      }) : () -> ()
    } else {
    }
    return
  }
}

module attributes {stable_mosaic.version = 14 : i64} {
  func.func @_scale_body(%arg0: memref<10008x2xf32, #tpu.memory_space<vmem>>, %arg1: memref<10008x128xf32, #tpu.memory_space<vmem>>, %arg2: memref<128x128xf32, #tpu.memory_space<vmem>>, %arg3: memref<10008x128xf32, #tpu.memory_space<vmem>>) attributes {dimension_semantics = [], scalar_prefetch = 0 : i64, scratch_operands = 0 : i64, tpu.core_type = #tpu.core_type<tc>} {
    %get3A = arith.constant 0 : index
    %get3A_0 = arith.constant 0 : index
    %get3A_1 = vector.load %arg0[%get3A, %get3A_0] : memref<10008x2xf32, #tpu.memory_space<vmem>>, vector<10008x1xf32>
    %get3A_2 = arith.constant 0 : index
    %get3A_3 = arith.constant 1 : index
    %get3A_4 = vector.load %arg0[%get3A_2, %get3A_3] : memref<10008x2xf32, #tpu.memory_space<vmem>>, vector<10008x1xf32>
    %add3A = arith.addf %get3A_1, %get3A_4 : vector<10008x1xf32>
    %add3A_5 = arith.constant 1.000000e+00 : f32
    %add3A_6 = vector.broadcast %add3A_5 : f32 to vector<10008x1xf32>
    %add3A_7 = arith.addf %add3A, %add3A_6 : vector<10008x1xf32>
    %iota3A = tpu.iota {dimensions = array<i32: 0>} : vector<10008x1xi32>
    %lt3A = arith.constant 7680 : i32
    %lt3A_8 = vector.broadcast %lt3A : i32 to vector<10008x1xi32>
    %lt3A_9 = arith.cmpi slt, %iota3A, %lt3A_8 : vector<10008x1xi32>
    %jit3A = arith.constant 1.000000e+00 : f32
    %jit3A_10 = arith.constant 0.000000e+00 : f32
    %broadcast_in_dim3A = vector.broadcast %jit3A : f32 to vector<10008x1xf32>
    %broadcast_in_dim3A_11 = vector.broadcast %jit3A_10 : f32 to vector<10008x1xf32>
    %select_n3A = arith.select %lt3A_9, %broadcast_in_dim3A, %broadcast_in_dim3A_11 : vector<10008x1xi1>, vector<10008x1xf32>
    %sub3A = arith.subf %add3A_7, %select_n3A : vector<10008x1xf32>
    %rsqrt3A = math.rsqrt %sub3A : vector<10008x1xf32>
    %get3A_12 = arith.constant 0 : index
    %get3A_13 = arith.constant 0 : index
    %get3A_14 = vector.load %arg1[%get3A_12, %get3A_13] : memref<10008x128xf32, #tpu.memory_space<vmem>>, vector<10008x128xf32>
    %get3A_15 = arith.constant 0 : index
    %get3A_16 = arith.constant 0 : index
    %get3A_17 = vector.load %arg2[%get3A_15, %get3A_16] : memref<128x128xf32, #tpu.memory_space<vmem>>, vector<128x128xf32>
    %dot_general3A = arith.constant dense<0.000000e+00> : vector<10008x128xf32>
    %dot_general3A_18 = tpu.matmul %get3A_14, %get3A_17, %dot_general3A {dimension_numbers = #tpu.dot_dimension_numbers<[1], [0], [0], [1], [0, 0, 1, 1], [], []>, transpose_lhs_hint = false} : vector<10008x128xf32>, vector<128x128xf32>, vector<10008x128xf32> -> vector<10008x128xf32>
    %mul3A = vector.broadcast %rsqrt3A : vector<10008x1xf32> to vector<10008x128xf32>
    %mul3A_19 = arith.mulf %dot_general3A_18, %mul3A : vector<10008x128xf32>
    %swap3A = arith.constant 0 : index
    %swap3A_20 = arith.constant 0 : index
    %swap3A_21 = vector.load %arg3[%swap3A, %swap3A_20] : memref<10008x128xf32, #tpu.memory_space<vmem>>, vector<10008x128xf32>
    tpu.vector_store %arg3[%swap3A, %swap3A_20], %mul3A_19 {strides = array<i32>} : memref<10008x128xf32, #tpu.memory_space<vmem>>, vector<10008x128xf32>,
    return
  }
}

module attributes {stable_mosaic.version = 14 : i64} {
  func.func @_layer_body(%arg0: memref<10000x128xf32, #tpu.memory_space<vmem>>, %arg1: memref<10000x128xf32, #tpu.memory_space<vmem>>, %arg2: memref<10008x128xf32, #tpu.memory_space<vmem>>, %arg3: memref<10008x2xf32, #tpu.memory_space<vmem>>, %arg4: memref<1x128xf32, #tpu.memory_space<vmem>>, %arg5: memref<128x128xf32, #tpu.memory_space<vmem>>, %arg6: memref<10008x128xf32, #tpu.memory_space<vmem>>) attributes {dimension_semantics = [], scalar_prefetch = 0 : i64, scratch_operands = 0 : i64, tpu.core_type = #tpu.core_type<tc>} {
    %get3A = arith.constant 0 : index
    %get3A_0 = arith.constant 0 : index
    %get3A_1 = vector.load %arg3[%get3A, %get3A_0] : memref<10008x2xf32, #tpu.memory_space<vmem>>, vector<10008x1xf32>
    %get3A_2 = arith.constant 0 : index
    %get3A_3 = arith.constant 1 : index
    %get3A_4 = vector.load %arg3[%get3A_2, %get3A_3] : memref<10008x2xf32, #tpu.memory_space<vmem>>, vector<10008x1xf32>
    %add3A = arith.addf %get3A_1, %get3A_4 : vector<10008x1xf32>
    %add3A_5 = arith.constant 1.000000e+00 : f32
    %add3A_6 = vector.broadcast %add3A_5 : f32 to vector<10008x1xf32>
    %add3A_7 = arith.addf %add3A, %add3A_6 : vector<10008x1xf32>
    %iota3A = tpu.iota {dimensions = array<i32: 0>} : vector<10008x1xi32>
    %lt3A = arith.constant 7680 : i32
    %lt3A_8 = vector.broadcast %lt3A : i32 to vector<10008x1xi32>
    %lt3A_9 = arith.cmpi slt, %iota3A, %lt3A_8 : vector<10008x1xi32>
    %jit3A = arith.constant 1.000000e+00 : f32
    %jit3A_10 = arith.constant 0.000000e+00 : f32
    %broadcast_in_dim3A = vector.broadcast %jit3A : f32 to vector<10008x1xf32>
    %broadcast_in_dim3A_11 = vector.broadcast %jit3A_10 : f32 to vector<10008x1xf32>
    %select_n3A = arith.select %lt3A_9, %broadcast_in_dim3A, %broadcast_in_dim3A_11 : vector<10008x1xi1>, vector<10008x1xf32>
    %sub3A = arith.subf %add3A_7, %select_n3A : vector<10008x1xf32>
    %rsqrt3A = math.rsqrt %sub3A : vector<10008x1xf32>
    %get3A_12 = arith.constant 0 : index
    %get3A_13 = arith.constant 0 : index
    %get3A_14 = vector.load %arg0[%get3A_12, %get3A_13] : memref<10000x128xf32, #tpu.memory_space<vmem>>, vector<10000x128xf32>
    %get3A_15 = arith.constant 0 : index
    %get3A_16 = arith.constant 0 : index
    %get3A_17 = vector.load %arg1[%get3A_15, %get3A_16] : memref<10000x128xf32, #tpu.memory_space<vmem>>, vector<10000x128xf32>
    %add3A_18 = arith.addf %get3A_14, %get3A_17 : vector<10000x128xf32>
    %broadcast_in_dim3A_19 = arith.constant 0.000000e+00 : f32
    %broadcast_in_dim3A_20 = vector.broadcast %broadcast_in_dim3A_19 : f32 to vector<8x128xf32>
    %concatenate3A = tpu.concatenate %add3A_18, %broadcast_in_dim3A_20 in 0 : vector<10000x128xf32>, vector<8x128xf32> -> vector<10008x128xf32>
    %get3A_21 = arith.constant 0 : index
    %get3A_22 = arith.constant 0 : index
    %get3A_23 = vector.load %arg2[%get3A_21, %get3A_22] : memref<10008x128xf32, #tpu.memory_space<vmem>>, vector<10008x128xf32>
    %add3A_24 = arith.addf %concatenate3A, %get3A_23 : vector<10008x128xf32>
    %mul3A = vector.broadcast %rsqrt3A : vector<10008x1xf32> to vector<10008x128xf32>
    %mul3A_25 = arith.mulf %add3A_24, %mul3A : vector<10008x128xf32>
    %get3A_26 = arith.constant 0 : index
    %get3A_27 = arith.constant 0 : index
    %get3A_28 = vector.load %arg4[%get3A_26, %get3A_27] : memref<1x128xf32, #tpu.memory_space<vmem>>, vector<1x128xf32>
    %add3A_29 = vector.broadcast %get3A_28 : vector<1x128xf32> to vector<10008x128xf32>
    %add3A_30 = arith.addf %mul3A_25, %add3A_29 : vector<10008x128xf32>
    %iota3A_31 = tpu.iota {dimensions = array<i32: 0>} : vector<10008x1xi32>
    %max3A = arith.constant 0.000000e+00 : f32
    %max3A_32 = vector.broadcast %max3A : f32 to vector<10008x128xf32>
    %max3A_33 = arith.maximumf %add3A_30, %max3A_32 : vector<10008x128xf32>
    %lt3A_34 = arith.constant 10000 : i32
    %lt3A_35 = vector.broadcast %lt3A_34 : i32 to vector<10008x1xi32>
    %lt3A_36 = arith.cmpi slt, %iota3A_31, %lt3A_35 : vector<10008x1xi32>
    %jit3A_37 = arith.constant 1.000000e+00 : f32
    %jit3A_38 = arith.constant 0.000000e+00 : f32
    %broadcast_in_dim3A_39 = vector.broadcast %jit3A_37 : f32 to vector<10008x1xf32>
    %broadcast_in_dim3A_40 = vector.broadcast %jit3A_38 : f32 to vector<10008x1xf32>
    %select_n3A_41 = arith.select %lt3A_36, %broadcast_in_dim3A_39, %broadcast_in_dim3A_40 : vector<10008x1xi1>, vector<10008x1xf32>
    %mul3A_42 = vector.broadcast %select_n3A_41 : vector<10008x1xf32> to vector<10008x128xf32>
    %mul3A_43 = arith.mulf %max3A_33, %mul3A_42 : vector<10008x128xf32>
    %get3A_44 = arith.constant 0 : index
    %get3A_45 = arith.constant 0 : index
    %get3A_46 = vector.load %arg5[%get3A_44, %get3A_45] : memref<128x128xf32, #tpu.memory_space<vmem>>, vector<128x128xf32>
    %dot_general3A = arith.constant dense<0.000000e+00> : vector<10008x128xf32>
    %dot_general3A_47 = tpu.matmul %mul3A_43, %get3A_46, %dot_general3A {dimension_numbers = #tpu.dot_dimension_numbers<[1], [0], [0], [1], [0, 0, 1, 1], [], []>, transpose_lhs_hint = false} : vector<10008x128xf32>, vector<128x128xf32>, vector<10008x128xf32> -> vector<10008x128xf32>
    %mul3A_48 = vector.broadcast %rsqrt3A : vector<10008x1xf32> to vector<10008x128xf32>
    %mul3A_49 = arith.mulf %dot_general3A_47, %mul3A_48 : vector<10008x128xf32>
    %swap3A = arith.constant 0 : index
    %swap3A_50 = arith.constant 0 : index
    %swap3A_51 = vector.load %arg6[%swap3A, %swap3A_50] : memref<10008x128xf32, #tpu.memory_space<vmem>>, vector<10008x128xf32>
    tpu.vector_store %arg6[%swap3A, %swap3A_50], %mul3A_49 {strides = array<i32>} : memref<10008x128xf32, #tpu.memory_space<vmem>>, vector<10008x128xf32>,
    return
  }
}

module attributes {stable_mosaic.version = 14 : i64} {
  func.func @_head_body(%arg0: memref<10000x128xf32, #tpu.memory_space<vmem>>, %arg1: memref<10000x128xf32, #tpu.memory_space<vmem>>, %arg2: memref<10008x128xf32, #tpu.memory_space<vmem>>, %arg3: memref<10008x2xf32, #tpu.memory_space<vmem>>, %arg4: memref<1x128xf32, #tpu.memory_space<vmem>>, %arg5: memref<1x10000xi32, #tpu.memory_space<vmem>>, %arg6: memref<128x10xf32, #tpu.memory_space<vmem>>, %arg7: memref<1x10xf32, #tpu.memory_space<vmem>>, %arg8: memref<64x10xf32, #tpu.memory_space<vmem>>) attributes {dimension_semantics = [], scalar_prefetch = 0 : i64, scratch_operands = 0 : i64, tpu.core_type = #tpu.core_type<tc>} {
    %get3A = arith.constant 0 : index
    %get3A_0 = arith.constant 0 : index
    %get3A_1 = vector.load %arg3[%get3A, %get3A_0] : memref<10008x2xf32, #tpu.memory_space<vmem>>, vector<10008x1xf32>
    %get3A_2 = arith.constant 0 : index
    %get3A_3 = arith.constant 1 : index
    %get3A_4 = vector.load %arg3[%get3A_2, %get3A_3] : memref<10008x2xf32, #tpu.memory_space<vmem>>, vector<10008x1xf32>
    %add3A = arith.addf %get3A_1, %get3A_4 : vector<10008x1xf32>
    %add3A_5 = arith.constant 1.000000e+00 : f32
    %add3A_6 = vector.broadcast %add3A_5 : f32 to vector<10008x1xf32>
    %add3A_7 = arith.addf %add3A, %add3A_6 : vector<10008x1xf32>
    %iota3A = tpu.iota {dimensions = array<i32: 0>} : vector<10008x1xi32>
    %lt3A = arith.constant 7680 : i32
    %lt3A_8 = vector.broadcast %lt3A : i32 to vector<10008x1xi32>
    %lt3A_9 = arith.cmpi slt, %iota3A, %lt3A_8 : vector<10008x1xi32>
    %jit3A = arith.constant 1.000000e+00 : f32
    %jit3A_10 = arith.constant 0.000000e+00 : f32
    %broadcast_in_dim3A = vector.broadcast %jit3A : f32 to vector<10008x1xf32>
    %broadcast_in_dim3A_11 = vector.broadcast %jit3A_10 : f32 to vector<10008x1xf32>
    %select_n3A = arith.select %lt3A_9, %broadcast_in_dim3A, %broadcast_in_dim3A_11 : vector<10008x1xi1>, vector<10008x1xf32>
    %sub3A = arith.subf %add3A_7, %select_n3A : vector<10008x1xf32>
    %rsqrt3A = math.rsqrt %sub3A : vector<10008x1xf32>
    %slice3A = vector.extract_strided_slice %rsqrt3A {offsets = [0, 0], sizes = [10000, 1], strides = [1, 1]} : vector<10008x1xf32> to vector<10000x1xf32>
    %get3A_12 = arith.constant 0 : index
    %get3A_13 = arith.constant 0 : index
    %get3A_14 = vector.load %arg0[%get3A_12, %get3A_13] : memref<10000x128xf32, #tpu.memory_space<vmem>>, vector<10000x128xf32>
    %get3A_15 = arith.constant 0 : index
    %get3A_16 = arith.constant 0 : index
    %get3A_17 = vector.load %arg1[%get3A_15, %get3A_16] : memref<10000x128xf32, #tpu.memory_space<vmem>>, vector<10000x128xf32>
    %add3A_18 = arith.addf %get3A_14, %get3A_17 : vector<10000x128xf32>
    %get3A_19 = arith.constant 0 : index
    %get3A_20 = arith.constant 0 : index
    %get3A_21 = vector.load %arg2[%get3A_19, %get3A_20] : memref<10008x128xf32, #tpu.memory_space<vmem>>, vector<10000x128xf32>
    %add3A_22 = arith.addf %add3A_18, %get3A_21 : vector<10000x128xf32>
    %mul3A = vector.broadcast %slice3A : vector<10000x1xf32> to vector<10000x128xf32>
    %mul3A_23 = arith.mulf %add3A_22, %mul3A : vector<10000x128xf32>
    %get3A_24 = arith.constant 0 : index
    %get3A_25 = arith.constant 0 : index
    %get3A_26 = vector.load %arg4[%get3A_24, %get3A_25] : memref<1x128xf32, #tpu.memory_space<vmem>>, vector<1x128xf32>
    %add3A_27 = vector.broadcast %get3A_26 : vector<1x128xf32> to vector<10000x128xf32>
    %add3A_28 = arith.addf %mul3A_23, %add3A_27 : vector<10000x128xf32>
    %max3A = arith.constant 0.000000e+00 : f32
    %max3A_29 = vector.broadcast %max3A : f32 to vector<10000x128xf32>
    %max3A_30 = arith.maximumf %add3A_28, %max3A_29 : vector<10000x128xf32>
    %iota3A_31 = tpu.iota {dimensions = array<i32: 0>} : vector<64x10000xi32>
    %get3A_32 = arith.constant 0 : index
    %get3A_33 = arith.constant 0 : index
    %get3A_34 = vector.load %arg5[%get3A_32, %get3A_33] : memref<1x10000xi32, #tpu.memory_space<vmem>>, vector<1x10000xi32>
    %eq3A = vector.broadcast %get3A_34 : vector<1x10000xi32> to vector<64x10000xi32>
    %eq3A_35 = arith.cmpi eq, %eq3A, %iota3A_31 : vector<64x10000xi32>
    %convert_element_type3A = arith.extui %eq3A_35 : vector<64x10000xi1> to vector<64x10000xi32>
    %convert_element_type3A_36 = arith.sitofp %convert_element_type3A : vector<64x10000xi32> to vector<64x10000xf32>
    %dot_general3A = arith.constant dense<0.000000e+00> : vector<64x128xf32>
    %dot_general3A_37 = tpu.matmul %convert_element_type3A_36, %max3A_30, %dot_general3A {dimension_numbers = #tpu.dot_dimension_numbers<[1], [0], [0], [1], [0, 0, 1, 1], [], []>, transpose_lhs_hint = false} : vector<64x10000xf32>, vector<10000x128xf32>, vector<64x128xf32> -> vector<64x128xf32>
    %reduce_sum3A = arith.constant dense<0.000000e+00> : vector<64xf32>
    %reduce_sum3A_38 = vector.multi_reduction <add>, %convert_element_type3A_36, %reduce_sum3A [1] : vector<64x10000xf32> to vector<64xf32>
    %broadcast_in_dim3A_39 = vector.shape_cast %reduce_sum3A_38 : vector<64xf32> to vector<64x1xf32>
    %max3A_40 = arith.constant 1.000000e+00 : f32
    %max3A_41 = vector.broadcast %max3A_40 : f32 to vector<64x1xf32>
    %max3A_42 = arith.maximumf %broadcast_in_dim3A_39, %max3A_41 : vector<64x1xf32>
    %div3A = vector.broadcast %max3A_42 : vector<64x1xf32> to vector<64x128xf32>
    %div3A_43 = arith.divf %dot_general3A_37, %div3A : vector<64x128xf32>
    %get3A_44 = arith.constant 0 : index
    %get3A_45 = arith.constant 0 : index
    %get3A_46 = vector.load %arg6[%get3A_44, %get3A_45] : memref<128x10xf32, #tpu.memory_space<vmem>>, vector<128x10xf32>
    %dot_general3A_47 = arith.constant dense<0.000000e+00> : vector<64x10xf32>
    %dot_general3A_48 = tpu.matmul %div3A_43, %get3A_46, %dot_general3A_47 {dimension_numbers = #tpu.dot_dimension_numbers<[1], [0], [0], [1], [0, 0, 1, 1], [], []>, transpose_lhs_hint = false} : vector<64x128xf32>, vector<128x10xf32>, vector<64x10xf32> -> vector<64x10xf32>
    %get3A_49 = arith.constant 0 : index
    %get3A_50 = arith.constant 0 : index
    %get3A_51 = vector.load %arg7[%get3A_49, %get3A_50] : memref<1x10xf32, #tpu.memory_space<vmem>>, vector<1x10xf32>
    %add3A_52 = vector.broadcast %get3A_51 : vector<1x10xf32> to vector<64x10xf32>
    %add3A_53 = arith.addf %dot_general3A_48, %add3A_52 : vector<64x10xf32>
    %reduce_max3A = arith.constant dense<0xFF800000> : vector<64xf32>
    %reduce_max3A_54 = vector.multi_reduction <maximumf>, %add3A_53, %reduce_max3A [1] : vector<64x10xf32> to vector<64xf32>
    %broadcast_in_dim3A_55 = vector.shape_cast %reduce_max3A_54 : vector<64xf32> to vector<64x1xf32>
    %sub3A_56 = vector.broadcast %broadcast_in_dim3A_55 : vector<64x1xf32> to vector<64x10xf32>
    %sub3A_57 = arith.subf %add3A_53, %sub3A_56 : vector<64x10xf32>
    %exp3A = math.exp %sub3A_57 : vector<64x10xf32>
    %reduce_sum3A_58 = arith.constant dense<0.000000e+00> : vector<64xf32>
    %reduce_sum3A_59 = vector.multi_reduction <add>, %exp3A, %reduce_sum3A_58 [1] : vector<64x10xf32> to vector<64xf32>
    %broadcast_in_dim3A_60 = vector.shape_cast %reduce_sum3A_59 : vector<64xf32> to vector<64x1xf32>
    %log3A = math.log %broadcast_in_dim3A_60 : vector<64x1xf32>
    %sub3A_61 = vector.broadcast %log3A : vector<64x1xf32> to vector<64x10xf32>
    %sub3A_62 = arith.subf %sub3A_57, %sub3A_61 : vector<64x10xf32>
    %swap3A = arith.constant 0 : index
    %swap3A_63 = arith.constant 0 : index
    %swap3A_64 = vector.load %arg8[%swap3A, %swap3A_63] : memref<64x10xf32, #tpu.memory_space<vmem>>, vector<64x10xf32>
    tpu.vector_store %arg8[%swap3A, %swap3A_63], %sub3A_62 {strides = array<i32>} : memref<64x10xf32, #tpu.memory_space<vmem>>, vector<64x10xf32>,
    return
  }
}

</mosaic_0001>

<sc_bundles>
// kernel: kernel.11.cloned.1.call-start
scs
__scs_entry_jumppad:
0x0: {  	(pc) =	sbr.rel $0x88, $3  }
0x1: {  	(tag) =	ssettag $0x0;
	lr =	simm.s32 $0x1  }
0x2: {  	[smem:$0x3F98] =	sst lr;
	_ =	strace $0xD0000000  }
0x3: {  	_ = 	snop  }
0x4: {  	_ = 	snop  }
0x5: {  	_ = 	snop  }
0x6: {  	_ = 	snop  }
0x7: {  	_ = 	snop  }
__scs_overlays_trampoline_lowered:
0x8: {  	[smem:$0x3FA7] =	sst s0  }
0x9: {  	[smem:$0x3FA8] =	sst s1  }
0xa: {  	[smem:$0x3FA9] =	sst s2  }
0xb: {  	[smem:$0x3FAA] =	sst s3  }
0xc: {  	[smem:$0x3FAB] =	sst s4  }
0xd: {  	[smem:$0x3FAC] =	sst s5  }
0xe: {  	[smem:$0x3FAD] =	sst s6  }
0xf: {  	[smem:$0x3FAE] =	sst s7  }
0x10: {  	[smem:$0x3FAF] =	sst s8  }
0x11: {  	[smem:$0x3FB0] =	sst s9;
	s0 =	simm.s32 @!p0 $0x0  }
0x12: {  	s1 =	sld [smem:$0x3F96];
	s0 =	simm.s32 @p0 $0x1  }
0x13: {  	[smem:$0x3FB1] =	sst s0;
	s0 =	simm.s32 @!p1 $0x0  }
0x14: {  	s2 =	sld [smem:$0x3F95];
	s0 =	simm.s32 @p1 $0x1  }
0x15: {  	[smem:$0x3FB2] =	sst s0;
	s0 =	simm.s32 @!p2 $0x0  }
0x16: {  	s3 =	sld [smem:$0x3FDB];
	s0 =	simm.s32 @p2 $0x1  }
0x17: {  	s4 =	simm.s32 $0x1BF5;
	[smem:$0x3FB4] =	sst s0  }
0x18: {  	s0 =	sld [smem:$0x3F97];
	_ =	swait.ge [sflag:s4], $0x0  }
0x19: {  	s7 =	sld [smem:$0x3F98]  }
0x1a: {  	s8 =	sadd.s32 $0xFFFFE003, lr  }
0x1b: {  	s9 =	sadd.s32 $0xFFFFFEF7, lr;
	s5 =	simm.s32 $0xFFFFFFFF;
	p2 =	slt.u32 s8, $0xFFFFF086  }
0x1c: {  	p1 =	slt.u32 s9, $0xF7A;
	s5 =	simm.s32 @!p2 $0x0  }
0x1d: {  	s5 =	simm.s32 @p1 $0x1;
	p0 =	seq.s32 s7, s2  }
0x1e: {  	s7 =	smul.u32 @!p0 $0xF7A, s2;
	p2 =	seq.s32 @!p0 s5, $0x0  }
0x1f: {  	s9 =	smul.u32 $0xF7A, s1;
	s8 =	simm.s32 @!p0 $0x1BF5;
	p2 =	por !p2, p0  }
0x20: {  	[sflag:s8] =	ssyncset.s32 @!p0 $0xFFFFF086;
	s6 =	sadd.s32 @!p0 s3, s7;
	s7 =	simm.s32 @!p0 $0x108  }
0x21: {  	s3 =	sadd.s32 s3, s9;
	s6 =	sadd.s32 @!p0 $0x88, s6;
	s7 =	simm.s32 @p2 $0x1082  }
0x22: {  	[simem:s7], [sflag:s8] =	dma.local @!p0 [hbm:s6], $0xF7A  }
0x23: {  	s9 =	sor.u32 $0xD0000000, s2;
	s6 =	simm.s32 $0x108;
	_ =	swait.ge @!p0 [sflag:s8], $0x0  }
0x24: {  	s3 =	sadd.s32 $0x88, s3;
	s6 =	simm.s32 @!p1 $0x1082;
	[sflag:s4] =	ssyncset.s32 $0xFFFFF086  }
0x25: {  	[simem:s6], [sflag:s4] =	dma.local [hbm:s3], $0xF7A  }
0x26: {  	[smem:$0x3F98] =	sst s1;
	(tag) =	ssettag s2;
	_ =	strace s9  }
0x27: {  	s1 =	sld [smem:$0x3FA8]  }
0x28: {  	s2 =	sld [smem:$0x3FA9]  }
0x29: {  	s4 =	sld [smem:$0x3FAB]  }
0x2a: {  	p0 =	seq.s32 s5, $0x0;
	s5 =	sld [smem:$0x3FAC]  }
0x2b: {  	s6 =	sld [smem:$0x3FAD]  }
0x2c: {  	s7 =	sld [smem:$0x3FAE]  }
0x2d: {  	s3 =	simm.s32 $0x108;
	s8 =	sld [smem:$0x3FAF]  }
0x2e: {  	s3 =	simm.s32 @!p0 $0x1082;
	s9 =	sld [smem:$0x3FB0]  }
0x2f: {  	lr =	sadd.s32 s0, s3;
	s0 =	sld [smem:$0x3FA7]  }
0x30: {  	s3 =	sld [smem:$0x3FAA]  }
0x31: {  	[smem:$0x3FB3] =	sst s10  }
0x32: {  	s10 =	sld [smem:$0x3FB1];
	_ =	sdelay $0x3  }
0x33: {  	p0 =	seq.s32 s10, $0x1;
	s10 =	sld [smem:$0x3FB3];
	_ =	sdelay $0x3  }
0x34: {  	[smem:$0x3FB3] =	sst s10  }
0x35: {  	s10 =	sld [smem:$0x3FB2];
	_ =	sdelay $0x3  }
0x36: {  	p1 =	seq.s32 s10, $0x1;
	s10 =	sld [smem:$0x3FB3];
	_ =	sdelay $0x3  }
0x37: {  	[smem:$0x3FB3] =	sst s10  }
0x38: {  	s10 =	sld [smem:$0x3FB4]  }
0x39: {  	_ = 	snop;
	(pc) =	sbr.ind lr, $3  }
0x3a: {  	_ = 	snop  }
0x3b: {  	_ = 	snop  }
0x3c: {  	p2 =	seq.s32 s10, $0x1;
	s10 =	sld [smem:$0x3FB3]  }
0x3d: {  	_ =	shalt  }
0x3e: {  	_ =	shalt  }
0x3f: {  	_ =	shalt  }
0x40: {  	_ =	shalt  }
0x41: {  	_ =	shalt  }
0x42: {  	_ =	shalt  }
0x43: {  	_ =	shalt  }
0x44: {  	_ =	shalt  }
0x45: {  	_ =	shalt  }
0x46: {  	_ =	shalt  }
0x47: {  	_ =	shalt  }
0x48: {  	_ =	shalt  }
0x49: {  	_ =	shalt  }
0x4a: {  	_ =	shalt  }
0x4b: {  	_ =	shalt  }
0x4c: {  	_ =	shalt  }
0x4d: {  	_ =	shalt  }
0x4e: {  	_ =	shalt  }
0x4f: {  	_ =	shalt  }
0x50: {  	_ =	shalt  }
0x51: {  	_ =	shalt  }
0x52: {  	_ =	shalt  }
0x53: {  	_ =	shalt  }
0x54: {  	_ =	shalt  }
0x55: {  	_ =	shalt  }
0x56: {  	_ =	shalt  }
0x57: {  	_ =	shalt  }
0x58: {  	_ =	shalt  }
0x59: {  	_ =	shalt  }
0x5a: {  	_ =	shalt  }
0x5b: {  	_ =	shalt  }
0x5c: {  	_ =	shalt  }
0x5d: {  	_ =	shalt  }
0x5e: {  	_ =	shalt  }
0x5f: {  	_ =	shalt  }
0x60: {  	_ =	shalt  }
0x61: {  	_ =	shalt  }
0x62: {  	_ =	shalt  }
0x63: {  	_ =	shalt  }
0x64: {  	_ =	shalt  }
0x65: {  	_ =	shalt  }
0x66: {  	_ =	shalt  }
0x67: {  	_ =	shalt  }
0x68: {  	_ =	shalt  }
0x69: {  	_ =	shalt  }
0x6a: {  	_ =	shalt  }
0x6b: {  	_ =	shalt  }
0x6c: {  	_ =	shalt  }
0x6d: {  	_ =	shalt  }
0x6e: {  	_ =	shalt  }
0x6f: {  	_ =	shalt  }
0x70: {  	_ =	shalt  }
0x71: {  	_ =	shalt  }
0x72: {  	_ =	shalt  }
0x73: {  	_ =	shalt  }
0x74: {  	_ =	shalt  }
0x75: {  	_ =	shalt  }
0x76: {  	_ =	shalt  }
0x77: {  	_ =	shalt  }
0x78: {  	_ =	shalt  }
0x79: {  	_ =	shalt  }
0x7a: {  	_ =	shalt  }
0x7b: {  	_ =	shalt  }
0x7c: {  	_ =	shalt  }
0x7d: {  	_ =	shalt  }
0x7e: {  	_ =	shalt  }
0x7f: {  	_ =	shalt  }
0x80: {  	_ =	shalt  }
0x81: {  	_ =	shalt  }
0x82: {  	_ =	shalt  }
0x83: {  	_ =	shalt  }
0x84: {  	_ =	shalt  }
0x85: {  	_ =	shalt  }
0x86: {  	_ =	shalt  }
0x87: {  	_ =	shalt  }
.Lfunc_end0:
.L_simem_size_0:
called_computation.1_lowered:
.L_overlay_start_0:
0x88: {  	s2 =	sld [smem:$0x3FD9]  }
0x89: {  	s3 =	sld [smem:$0x3FFE];
	_ =	sdelay $0x1  }
0x8a: {  	s1 =	srdreg.scid  }
0x8b: {  	s0 =	sand.u32 $0x1, s1  }
0x8c: {  	s16 =	sshll.u32 s0, $0xA;
	s2 =	sadd.s32 s3, s2  }
0x8d: {  	s2 =	sadd.s32 s2, s16  }
0x8e: {  	[smem:$0x3FBF] =	sst s2  }
0x8f: {  	_ = 	snop  }
0x90: {  	(tm) =	ssettm $0x1  }
0x91: {  	s17 =	sld [smem:$0x3FFB];
	_ =	sdelay $0x3  }
0x92: {  	_ =	strace s17  }
0x93: {  	s2 =	sld [smem:$0x3FFC];
	_ =	sdelay $0x3  }
0x94: {  	_ =	strace s2  }
0x95: {  	s2 =	sld [smem:$0x3FFD];
	_ =	sdelay $0x3  }
0x96: {  	_ =	strace s2  }
0x97: {  	_ =	strace $0x8FFFFFFF  }
0x98: {  	s18 =	sld [smem:$0x3FDB];
	_ =	sdelay $0x1  }
0x99: {  	s19 =	simm.s32 $_scs_section_size  }
0x9a: {  	s4 =	simm.s32 $_size__tile_overlayer_lowered;
	s5 =	simm.s32 $_tile_overlayer_lowered  }
0x9b: {  	s22 =	simm.s32 $0x1BFF;
	s21 =	sshll.u32 s5, $0x1;
	s2 =	sadd.s32 s19, s18  }
0x9c: {  	s6 =	simm.s32 $0x0;
	s20 =	sshll.u32 s4, $0x1;
	s4 =	sadd.s32 s21, s2  }
0x9d: {  	[timem:s6], [sflag:s22] =	dma.local [hbm:s4], s20  }
0x9e: {  	_ =	swait.ge [sflag:s22], s20  }
0x9f: {  	s3 =	ssub.s32 $0x0, s20;
	[sflag:s22] =	ssyncset.done $0x0  }
0xa0: {  	[sflag:s22] =	ssyncadd.s32 s3;
	_ =	sdelay $0x1  }
0xa1: {  	s23 =	simm.s32 $0x1B8B  }
0xa2: {  	_ =	swait.ge [sflag:s23], $0x1  }
0xa3: {  	[sflag:s23] =	ssyncset.done $0x0  }
0xa4: {  	s25 =	simm.s32 $0x1B8E;
	s24 =	sld [smem:$0x3FFE];
	[sflag:s23] =	ssyncadd.s32 $0xFFFFFFFF  }
0xa5: {  	s26 =	simm.s32 $execute0_lowered;
	[smem:$0x3FD2] =	sst s25  }
0xa6: {  	s4 =	sshll.u32 s26, $0x1;
	_ =	strace $0x80000049;
	[dreg:$0x1] =	wrdreg $0xFFFFFFFF  }
0xa7: {  	s28 =	simm.s32 $_size_execute0_lowered;
	s2 =	sadd.s32 s2, s4;
	[dreg:$0x0] =	wrdreg $0x0  }
0xa8: {  	s4 =	sshll.u32 s28, $0x1;
	[dreg:$0x2] =	wrdreg s2  }
0xa9: {  	[dreg:$0x3] =	wrdreg s4  }
0xaa: {  	[dreg:$0x4] =	wrdreg $0xC0  }
0xab: {  	_ =	task [dreg:s6], $0x5FFFF  }
0xac: {  	[dreg:$0x1] =	wrdreg $0xFFFFFFFF  }
0xad: {  	[dreg:$0x0] =	wrdreg $0x60  }
0xae: {  	[dreg:$0x2] =	wrdreg s24  }
0xaf: {  	[dreg:$0x3] =	wrdreg $0x90000  }
0xb0: {  	[dreg:$0x4] =	wrdreg $0x9  }
0xb1: {  	_ =	task.clear_ibuf [dreg:s6], $0x5FFFF;
	_ =	strace $0x90000049  }
0xb2: {  	s29 =	simm.s32 $0x9;
	_ =	strace $0x8000004B  }
0xb3: {  	_ =	swait.ge [sflag:s29], $0x1  }
0xb4: {  	[sflag:s29] =	ssyncadd.s32 $0xFFFFFFFF  }
0xb5: {  	_ =	strace $0x9000004B  }
0xb6: {  	_ =	sfence  }
0xb7: {  	s30 =	sld [smem:$0x0];
	_ =	sdelay $0x2  }
0xb8: {  	s31 =	sshll.u32 s1, $0xD;
	s1 =	sshrl.u32 s1, $0x2  }
0xb9: {  	s3 =	sand.u32 $0x4000, s31;
	s1 =	sadd.s32 s1, s30  }
0xba: {  	s0 =	sor.u32 s3, s0;
	s1 =	sshll.u32 s1, $0x11  }
0xbb: {  	s0 =	sor.u32 s1, s0  }
0xbc: {  	s0 =	sadd.s32 $0x8F2B, s0  }
0xbd: {  	[sflag:s0] =	ssyncadd.remote.s32 $0x1  }
0xbe: {  	_ =	sfence.sel $0xFFFF  }
0xbf: {  	[dreg:$0x0] =	wrdreg $0xFFFFFFFF;
	(pc) =	sbr.abs _section_cstart, $3  }
0xc0: {  	[dreg:$0x1] =	wrdreg $0xFFFFFFFF  }
0xc1: {  	_ =	task.clear_ibuf [dreg:s6], $0x2FFFF;
	_ =	strace $0x9FFFFFFF  }
0xc2: {  	(tm) =	ssettm $0x7FFFFFFF  }
0xc3: {  	_ =	shalt  }
tec
execute0_lowered:
.L_overlay_start_1:
0x0: {  	(tag) =	ssettag $0x1  }
0x1: {  	s5 =	rddreg [dreg:$0x0]  }
0x2: {  	s1 =	srdreg.scid;
	s0 =	stileid.u32  }
0x3: {  	s2 =	rddreg [dreg:$0x1];
	s3 =	simm.s32 $0x0;
	s21 =	simm.s32 $0x2800  }
0x4: {  	s22 =	simm.s32 $0x5000;
	s23 =	simm.s32 $0x80;
	s24 =	simm.s32 $0x1  }
0x5: {  	s25 =	simm.s32 $0x0;
	s9 =	sand.u32 $0x1, s1;
	s1 =	rddreg [dreg:$0x2]  }
0x6: {  	s4 =	sshll.u32 s0, $0x1;
	[smem:$0x7FF] =	sst s3;
	s8 =	smul.u32 $0x4E000, s0  }
0x7: {  	s13 =	smul.u32 $0x13800, s0;
	s18 =	sadd.s32 $0x66200, s5;
	s12 =	sadd.s32 $0x138000, s2  }
0x8: {  	p0 =	sne.s32 s0, $0xF;
	s4 =	sor.u32 s9, s4;
	s20 =	smul.u32 $0x138800, s9  }
0x9: {  	_ =	strace $0x8000004A;
	s7 =	ssub.s32 $0x2, s9;
	s4 =	smul.u32 $0x500, s4  }
0xa: {  	s10 =	sshrl.u32 s7, $0x1;
	s31 =	sshrl.u32 s8, $0x2;
	s14 =	sadd.s32 $0x4000, s13  }
0xb: {  	s15 =	sadd.s32 $0x8000, s13;
	s16 =	sadd.s32 $0xC000, s13;
	s17 =	sadd.s32 $0x10000, s13  }
0xc: {  	s19 =	ssub.s32 s7, s10;
	s7 =	sadd.s32 s31, s2;
	s8 =	sadd.s32 s14, s2  }
0xd: {  	s9 =	sadd.s32 s15, s2;
	s10 =	sadd.s32 s16, s2;
	s11 =	sadd.s32 s17, s2  }
0xe: {  	s13 =	sadd.s32 s13, s20;
	s14 =	sadd.s32 s20, s14;
	s15 =	sadd.s32 s20, s15  }
0xf: {  	s16 =	sadd.s32 s20, s16;
	s17 =	sadd.s32 s20, s17;
	s20 =	sshrl.u32 s20, $0x3  }
0x10: {  	s6 =	sadd.s32 s4, s5;
	s4 =	sadd.s32 $0x3F000, s5;
	s13 =	sshrl.u32 s13, $0x3  }
0x11: {  	s14 =	sshrl.u32 s14, $0x3;
	s15 =	sshrl.u32 s15, $0x3;
	s16 =	sshrl.u32 s16, $0x3  }
0x12: {  	s17 =	sshrl.u32 s17, $0x3;
	s19 =	smax.u32 s19, $0x1;
	s5 =	sadd.s32 $0x3E00, s6  }
0x13: {  	s13 =	sadd.s32 s18, s13;
	s14 =	sadd.s32 s18, s14;
	s15 =	sadd.s32 s18, s15  }
0x14: {  	s16 =	sadd.s32 s18, s16;
	s17 =	sadd.s32 s18, s17;
	s18 =	sadd.s32 s18, s20  }
0x15: {  	v0 =	vimm.f32 $0.0e+00;
	s6 =	sadd.s32 $0xDE00, s6;
	s20 =	simm.s32 $0x2;
	s18 =	sadd.s32 $0x27000, s18  }
.LBB2_1:
0x16: {  	[tilespmem:s3], [sflag:$0x2] =	stream.linear.gather [hbm4b:s5+s3], $0x2800, $0x38;
	[tilespmem:$0x1C880] =	vst v63  }
0x17: {  	_ =	swait.ge [sflag:s20], $0x2800  }
0x18: {  	[sflag:s20] =	ssyncset.done $0x0  }
0x19: {  	[sflag:s20] =	ssyncadd.s32 $0xFFFFD800  }
0x1a: {  	[tilespmem:s21], [sflag:$0x2] =	stream.linear.gather [hbm4b:s6+s3], $0x2800, $0x38;
	[tilespmem:$0x1C880] =	vst v63  }
0x1b: {  	_ =	swait.ge [sflag:s20], $0x2800  }
0x1c: {  	[sflag:s20] =	ssyncset.done $0x0  }
0x1d: {  	s26 =	simm.s32 $0x0;
	s28 =	simm.s32 $0x200;
	[sflag:s20] =	ssyncadd.s32 $0xFFFFD800  }
.LBB2_2:
0x1e: {  	p1 =	sne.s32 s28, $0xFE00;
	[tilespmem:s26+$0x5070] =	vst v0  }
0x1f: {  	[tilespmem:s26+$0x5000] =	vst v0  }
0x20: {  	[tilespmem:s26+$0x5010] =	vst v0  }
.Ltmp0:
0x21: {  	[tilespmem:s26+$0x5020] =	vst v0;
	(pc) =	sbr.rel @p1 .LBB2_2-.Ltmp0, $4  }
0x22: {  	[tilespmem:s26+$0x5030] =	vst v0  }
0x23: {  	[tilespmem:s26+$0x5040] =	vst v0  }
0x24: {  	[tilespmem:s26+$0x5050] =	vst v0  }
0x25: {  	[tilespmem:s26+$0x5060] =	vst v0;
	s26 =	sshra.s32 s28, $0x2;
	s28 =	sadd.s32 $0x200, s28  }
0x26: {  	[tilespmem:s26+$0x5070] =	vst v0  }
0x27: {  	[tilespmem:s26+$0x5000] =	vst v0  }
0x28: {  	[tilespmem:s26+$0x5010] =	vst v0  }
0x29: {  	[tilespmem:s26+$0x5020] =	vst v0  }
0x2a: {  	[tilespmem:s26+$0x5030] =	vst v0  }
0x2b: {  	[tilespmem:s26+$0x5040] =	vst v0  }
0x2c: {  	[tilespmem:s26+$0x5050] =	vst v0  }
0x2d: {  	[tilespmem:s26+$0x5060] =	vst v0  }
0x2e: {  	[spmem:s7] =	stream.linear.scatter [tilespmem:s22], [sflag:$0x2], $0x4000, $0x38;
	[tilespmem:$0x1C880] =	vst v63  }
0x2f: {  	_ =	swait.ge [sflag:s20], $0x4000  }
0x30: {  	[sflag:s20] =	ssyncset.done $0x0  }
0x31: {  	[sflag:s20] =	ssyncadd.s32 $0xFFFFC000  }
0x32: {  	[spmem:s8] =	stream.linear.scatter [tilespmem:s22], [sflag:$0x2], $0x4000, $0x38;
	[tilespmem:$0x1C880] =	vst v63  }
0x33: {  	_ =	swait.ge [sflag:s20], $0x4000  }
0x34: {  	[sflag:s20] =	ssyncset.done $0x0  }
0x35: {  	[sflag:s20] =	ssyncadd.s32 $0xFFFFC000  }
0x36: {  	[spmem:s9] =	stream.linear.scatter [tilespmem:s22], [sflag:$0x2], $0x4000, $0x38;
	[tilespmem:$0x1C880] =	vst v63  }
0x37: {  	_ =	swait.ge [sflag:s20], $0x4000  }
0x38: {  	[sflag:s20] =	ssyncset.done $0x0  }
0x39: {  	[sflag:s20] =	ssyncadd.s32 $0xFFFFC000  }
0x3a: {  	[spmem:s10] =	stream.linear.scatter [tilespmem:s22], [sflag:$0x2], $0x4000, $0x38;
	[tilespmem:$0x1C880] =	vst v63  }
0x3b: {  	_ =	swait.ge [sflag:s20], $0x4000  }
0x3c: {  	[sflag:s20] =	ssyncset.done $0x0  }
0x3d: {  	[sflag:s20] =	ssyncadd.s32 $0xFFFFC000  }
0x3e: {  	[spmem:s11] =	stream.linear.scatter [tilespmem:s22], [sflag:$0x2], $0x3800, $0x38;
	[tilespmem:$0x1C880] =	vst v63  }
0x3f: {  	_ =	swait.ge [sflag:s20], $0x3800  }
0x40: {  	[sflag:s20] =	ssyncset.done $0x0  }
0x41: {  	s26 =	simm.s32 @!p0 $0x5000;
	[sflag:s20] =	ssyncadd.s32 $0xFFFFC800  }
0x42: {  	[spmem:s12] =	stream.linear.scatter @!p0 [tilespmem:s26], [sflag:$0x2], $0x800, $0x38;
	[tilespmem:$0x1C880] =	vst v63  }
0x43: {  	s26 =	simm.s32 @!p0 $0x2  }
0x44: {  	_ =	swait.ge @!p0 [sflag:s26], $0x800  }
0x45: {  	[sflag:s26] =	ssyncset.done @!p0 $0x0  }
0x46: {  	[sflag:s26] =	ssyncadd.s32 @!p0 $0xFFFFF800  }
0x47: {  	s30 =	simm.s32 $0x0;
	[bflag:$0x0] =	sbarrier.arrive $0xFFFF  }
0x48: {  	[tilespmem:s22], [sflag:$0x1] =	stream.indirect.gather [hbm4b:s4+s23], $0x80, s30, s23, $0xb8;
	[tilespmem:$0x1C880] =	vst v63  }
0x49: {  	_ =	swait.ge [sflag:s24], $0x4000  }
0x4a: {  	[sflag:s24] =	ssyncset.done $0x0  }
0x4b: {  	s31 =	simm.s32 $0x2800;
	[sflag:s24] =	ssyncadd.s32 $0xFFFFC000  }
0x4c: {  	[spmem:s2] =	stream.indirect.scatter.add.f32 [tilespmem:s22], [sflag:$0x2], $0x80, s31, s23, $0xb8;
	[tilespmem:$0x1C880] =	vst v63  }
0x4d: {  	_ =	swait.ge [sflag:s20], $0x4000  }
0x4e: {  	s28 =	simm.s32 $0x400;
	s26 =	simm.s32 $0x200;
	[sflag:s20] =	ssyncset.done $0x0  }
.LBB2_4:
0x4f: {  	s29 =	sshra.s32 s26, $0x2  }
0x50: {  	[sflag:s20] =	ssyncadd.s32 $0xFFFFC000;
	s26 =	smov.u32 s28;
	s30 =	sadd.s32 $0x200, s28  }
0x51: {  	[tilespmem:s22], [sflag:$0x1] =	stream.indirect.gather [hbm4b:s4+s23], $0x80, s29, s23, $0xb8;
	[tilespmem:$0x1C880] =	vst v63  }
0x52: {  	p1 =	sne.s32 s28, $0x9E00;
	_ =	swait.ge [sflag:s24], $0x4000  }
.Ltmp1:
0x53: {  	[sflag:s24] =	ssyncset.done $0x0;
	(pc) =	sbr.rel @p1 .LBB2_4-.Ltmp1, $4  }
0x54: {  	s28 =	sadd.s32 $0x2800, s29;
	[sflag:s24] =	ssyncadd.s32 $0xFFFFC000  }
0x55: {  	[spmem:s2] =	stream.indirect.scatter.add.f32 [tilespmem:s22], [sflag:$0x2], $0x80, s28, s23, $0xb8;
	[tilespmem:$0x1C880] =	vst v63  }
0x56: {  	_ =	swait.ge [sflag:s20], $0x4000  }
0x57: {  	s28 =	smov.u32 s30;
	[sflag:s20] =	ssyncset.done $0x0  }
0x58: {  	s26 =	sshra.s32 s26, $0x2;
	[sflag:s20] =	ssyncadd.s32 $0xFFFFC000  }
0x59: {  	[tilespmem:s22], [sflag:$0x1] =	stream.indirect.gather [hbm4b:s4+s23], $0x80, s26, s23, $0xb8;
	[tilespmem:$0x1C880] =	vst v63  }
0x5a: {  	_ =	swait.ge [sflag:s24], $0x4000  }
0x5b: {  	[sflag:s24] =	ssyncset.done $0x0  }
0x5c: {  	s26 =	sadd.s32 $0x2800, s26;
	[sflag:s24] =	ssyncadd.s32 $0xFFFFC000  }
0x5d: {  	[spmem:s2] =	stream.indirect.scatter.add.f32 [tilespmem:s22], [sflag:$0x2], $0x80, s26, s23, $0xb8;
	[tilespmem:$0x1C880] =	vst v63  }
0x5e: {  	_ =	swait.ge [sflag:s20], $0x4000  }
0x5f: {  	[sflag:s20] =	ssyncset.done $0x0  }
0x60: {  	[sflag:s20] =	ssyncadd.s32 $0xFFFFC000  }
0x61: {  	[bflag:$0x0] =	sbarrier.arrive $0xFFFF  }
0x62: {  	[tilespmem:s22], [sflag:$0x2] =	stream.linear.gather [spmem:s7], $0x4000, $0x38;
	[tilespmem:$0x1C880] =	vst v63  }
0x63: {  	_ =	swait.ge [sflag:s20], $0x4000  }
0x64: {  	[sflag:s20] =	ssyncset.done $0x0  }
0x65: {  	[sflag:s20] =	ssyncadd.s32 $0xFFFFC000  }
0x66: {  	[hbm4b:s13+s3] =	stream.linear.scatter [tilespmem:s22], [sflag:$0x2], $0x4000, $0x38;
	[tilespmem:$0x1C880] =	vst v63  }
0x67: {  	_ =	swait.ge [sflag:s20], $0x4000  }
0x68: {  	[sflag:s20] =	ssyncset.done $0x0  }
0x69: {  	[sflag:s20] =	ssyncadd.s32 $0xFFFFC000  }
0x6a: {  	[tilespmem:s22], [sflag:$0x2] =	stream.linear.gather [spmem:s8], $0x4000, $0x38;
	[tilespmem:$0x1C880] =	vst v63  }
0x6b: {  	_ =	swait.ge [sflag:s20], $0x4000  }
0x6c: {  	[sflag:s20] =	ssyncset.done $0x0  }
0x6d: {  	[sflag:s20] =	ssyncadd.s32 $0xFFFFC000  }
0x6e: {  	[hbm4b:s14+s3] =	stream.linear.scatter [tilespmem:s22], [sflag:$0x2], $0x4000, $0x38;
	[tilespmem:$0x1C880] =	vst v63  }
0x6f: {  	_ =	swait.ge [sflag:s20], $0x4000  }
0x70: {  	[sflag:s20] =	ssyncset.done $0x0  }
0x71: {  	[sflag:s20] =	ssyncadd.s32 $0xFFFFC000  }
0x72: {  	[tilespmem:s22], [sflag:$0x2] =	stream.linear.gather [spmem:s9], $0x4000, $0x38;
	[tilespmem:$0x1C880] =	vst v63  }
0x73: {  	_ =	swait.ge [sflag:s20], $0x4000  }
0x74: {  	[sflag:s20] =	ssyncset.done $0x0  }
0x75: {  	[sflag:s20] =	ssyncadd.s32 $0xFFFFC000  }
0x76: {  	[hbm4b:s15+s3] =	stream.linear.scatter [tilespmem:s22], [sflag:$0x2], $0x4000, $0x38;
	[tilespmem:$0x1C880] =	vst v63  }
0x77: {  	_ =	swait.ge [sflag:s20], $0x4000  }
0x78: {  	[sflag:s20] =	ssyncset.done $0x0  }
0x79: {  	[sflag:s20] =	ssyncadd.s32 $0xFFFFC000  }
0x7a: {  	[tilespmem:s22], [sflag:$0x2] =	stream.linear.gather [spmem:s10], $0x4000, $0x38;
	[tilespmem:$0x1C880] =	vst v63  }
0x7b: {  	_ =	swait.ge [sflag:s20], $0x4000  }
0x7c: {  	[sflag:s20] =	ssyncset.done $0x0  }
0x7d: {  	[sflag:s20] =	ssyncadd.s32 $0xFFFFC000  }
0x7e: {  	[hbm4b:s16+s3] =	stream.linear.scatter [tilespmem:s22], [sflag:$0x2], $0x4000, $0x38;
	[tilespmem:$0x1C880] =	vst v63  }
0x7f: {  	_ =	swait.ge [sflag:s20], $0x4000  }
0x80: {  	[sflag:s20] =	ssyncset.done $0x0  }
0x81: {  	[sflag:s20] =	ssyncadd.s32 $0xFFFFC000  }
0x82: {  	[tilespmem:s22], [sflag:$0x2] =	stream.linear.gather [spmem:s11], $0x3800, $0x38;
	[tilespmem:$0x1C880] =	vst v63  }
0x83: {  	_ =	swait.ge [sflag:s20], $0x3800  }
0x84: {  	[sflag:s20] =	ssyncset.done $0x0  }
0x85: {  	[sflag:s20] =	ssyncadd.s32 $0xFFFFC800  }
0x86: {  	[hbm4b:s17+s3] =	stream.linear.scatter [tilespmem:s22], [sflag:$0x2], $0x3800, $0x38;
	[tilespmem:$0x1C880] =	vst v63  }
0x87: {  	_ =	swait.ge [sflag:s20], $0x3800  }
0x88: {  	[sflag:s20] =	ssyncset.done $0x0  }
0x89: {  	s28 =	simm.s32 @!p0 $0x2;
	s26 =	simm.s32 @!p0 $0x5000;
	[sflag:s20] =	ssyncadd.s32 $0xFFFFC800  }
0x8a: {  	[tilespmem:s26], [sflag:$0x2] =	stream.linear.gather @!p0 [spmem:s12], $0x800, $0x38;
	[tilespmem:$0x1C880] =	vst v63  }
0x8b: {  	s25 =	sadd.s32 $0x1, s25;
	_ =	swait.ge @!p0 [sflag:s28], $0x800  }
0x8c: {  	p1 =	sne.s32 s25, s19;
	[sflag:s28] =	ssyncset.done @!p0 $0x0  }
.Ltmp2:
0x8d: {  	s29 =	simm.s32 @!p0 $0x0;
	[sflag:s28] =	ssyncadd.s32 @!p0 $0xFFFFF800;
	(pc) =	sbr.rel @p1 .LBB2_1-.Ltmp2, $4  }
0x8e: {  	[hbm4b:s18+s29] =	stream.linear.scatter @!p0 [tilespmem:s26], [sflag:$0x2], $0x800, $0x38;
	[tilespmem:$0x1C880] =	vst v63  }
0x8f: {  	_ =	swait.ge @!p0 [sflag:s28], $0x800  }
0x90: {  	[sflag:s28] =	ssyncset.done @!p0 $0x0  }
0x91: {  	[sflag:s28] =	ssyncadd.s32 @!p0 $0xFFFFF800  }
0x92: {  	_ =	sfence.sel $0x180000  }
0x93: {  	[bflag:$0x0] =	sbarrier.arrive $0xFFFF  }
0x94: {  	p0 =	sne.s32 s0, $0x0;
	_ =	strace $0x9000004A  }
0x95: {  	s0 =	sadd.s32 @!p0 $0x100000, s1;
	[bflag:$0x2] =	sbarrier.arrive $0xFFFF  }
0x96: {  	[sflag:s0] =	ssyncadd.tile.s32 @!p0 $0x1;
	_ =	shalt  }
.Lfunc_end2:
_tile_overlayer_lowered:
.L_overlay_start_2:
0x97: {  	(tag) =	ssettag $0x2  }
0x98: {  	s0 =	rddreg [dreg:$0x0];
	s2 =	stileid.u32  }
0x99: {  	s1 =	rddreg [dreg:$0x1];
	p0 =	sne.s32 s2, $0x0  }
0x9a: {  	s3 =	rddreg [dreg:$0x2];
	[bflag:$0x3] =	sbarrier.arrive $0xFFFF;
	s2 =	simm.s32 @!p0 $0x1C02  }
0x9b: {  	[timem:s3], [sflag:s2] =	dma.local @!p0 [hbm:s0], s1  }
0x9c: {  	s0 =	simm.s32 @!p0 $0x2  }
0x9d: {  	_ =	swait.ge @!p0 [sflag:s0], s1  }
0x9e: {  	s1 =	ssub.s32 @!p0 $0x0, s1;
	[sflag:s0] =	ssyncset.done @!p0 $0x0  }
0x9f: {  	[sflag:s0] =	ssyncadd.s32 @!p0 s1  }
0xa0: {  	[bflag:$0x3] =	sbarrier.arrive $0xFFFF  }
0xa1: {  	_ =	shalt  }

// kernel: kernel.14.cloned.1.call-start
scs
__scs_entry_jumppad:
0x0: {  	(pc) =	sbr.rel $0x88, $3  }
0x1: {  	(tag) =	ssettag $0x0;
	lr =	simm.s32 $0x1  }
0x2: {  	[smem:$0x3F98] =	sst lr;
	_ =	strace $0xD0000000  }
0x3: {  	_ = 	snop  }
0x4: {  	_ = 	snop  }
0x5: {  	_ = 	snop  }
0x6: {  	_ = 	snop  }
0x7: {  	_ = 	snop  }
__scs_overlays_trampoline_lowered:
0x8: {  	[smem:$0x3FA7] =	sst s0  }
0x9: {  	[smem:$0x3FA8] =	sst s1  }
0xa: {  	[smem:$0x3FA9] =	sst s2  }
0xb: {  	[smem:$0x3FAA] =	sst s3  }
0xc: {  	[smem:$0x3FAB] =	sst s4  }
0xd: {  	[smem:$0x3FAC] =	sst s5  }
0xe: {  	[smem:$0x3FAD] =	sst s6  }
0xf: {  	[smem:$0x3FAE] =	sst s7  }
0x10: {  	[smem:$0x3FAF] =	sst s8  }
0x11: {  	[smem:$0x3FB0] =	sst s9;
	s0 =	simm.s32 @!p0 $0x0  }
0x12: {  	s1 =	sld [smem:$0x3F96];
	s0 =	simm.s32 @p0 $0x1  }
0x13: {  	[smem:$0x3FB1] =	sst s0;
	s0 =	simm.s32 @!p1 $0x0  }
0x14: {  	s2 =	sld [smem:$0x3F95];
	s0 =	simm.s32 @p1 $0x1  }
0x15: {  	[smem:$0x3FB2] =	sst s0;
	s0 =	simm.s32 @!p2 $0x0  }
0x16: {  	s3 =	sld [smem:$0x3FDB];
	s0 =	simm.s32 @p2 $0x1  }
0x17: {  	s4 =	simm.s32 $0x1BF5;
	[smem:$0x3FB4] =	sst s0  }
0x18: {  	s0 =	sld [smem:$0x3F97];
	_ =	swait.ge [sflag:s4], $0x0  }
0x19: {  	s7 =	sld [smem:$0x3F98]  }
0x1a: {  	s8 =	sadd.s32 $0xFFFFE003, lr  }
0x1b: {  	s9 =	sadd.s32 $0xFFFFFEF7, lr;
	s5 =	simm.s32 $0xFFFFFFFF;
	p2 =	slt.u32 s8, $0xFFFFF086  }
0x1c: {  	p1 =	slt.u32 s9, $0xF7A;
	s5 =	simm.s32 @!p2 $0x0  }
0x1d: {  	s5 =	simm.s32 @p1 $0x1;
	p0 =	seq.s32 s7, s2  }
0x1e: {  	s7 =	smul.u32 @!p0 $0xF7A, s2;
	p2 =	seq.s32 @!p0 s5, $0x0  }
0x1f: {  	s9 =	smul.u32 $0xF7A, s1;
	s8 =	simm.s32 @!p0 $0x1BF5;
	p2 =	por !p2, p0  }
0x20: {  	[sflag:s8] =	ssyncset.s32 @!p0 $0xFFFFF086;
	s6 =	sadd.s32 @!p0 s3, s7;
	s7 =	simm.s32 @!p0 $0x108  }
0x21: {  	s3 =	sadd.s32 s3, s9;
	s6 =	sadd.s32 @!p0 $0x88, s6;
	s7 =	simm.s32 @p2 $0x1082  }
0x22: {  	[simem:s7], [sflag:s8] =	dma.local @!p0 [hbm:s6], $0xF7A  }
0x23: {  	s9 =	sor.u32 $0xD0000000, s2;
	s6 =	simm.s32 $0x108;
	_ =	swait.ge @!p0 [sflag:s8], $0x0  }
0x24: {  	s3 =	sadd.s32 $0x88, s3;
	s6 =	simm.s32 @!p1 $0x1082;
	[sflag:s4] =	ssyncset.s32 $0xFFFFF086  }
0x25: {  	[simem:s6], [sflag:s4] =	dma.local [hbm:s3], $0xF7A  }
0x26: {  	[smem:$0x3F98] =	sst s1;
	(tag) =	ssettag s2;
	_ =	strace s9  }
0x27: {  	s1 =	sld [smem:$0x3FA8]  }
0x28: {  	s2 =	sld [smem:$0x3FA9]  }
0x29: {  	s4 =	sld [smem:$0x3FAB]  }
0x2a: {  	p0 =	seq.s32 s5, $0x0;
	s5 =	sld [smem:$0x3FAC]  }
0x2b: {  	s6 =	sld [smem:$0x3FAD]  }
0x2c: {  	s7 =	sld [smem:$0x3FAE]  }
0x2d: {  	s3 =	simm.s32 $0x108;
	s8 =	sld [smem:$0x3FAF]  }
0x2e: {  	s3 =	simm.s32 @!p0 $0x1082;
	s9 =	sld [smem:$0x3FB0]  }
0x2f: {  	lr =	sadd.s32 s0, s3;
	s0 =	sld [smem:$0x3FA7]  }
0x30: {  	s3 =	sld [smem:$0x3FAA]  }
0x31: {  	[smem:$0x3FB3] =	sst s10  }
0x32: {  	s10 =	sld [smem:$0x3FB1];
	_ =	sdelay $0x3  }
0x33: {  	p0 =	seq.s32 s10, $0x1;
	s10 =	sld [smem:$0x3FB3];
	_ =	sdelay $0x3  }
0x34: {  	[smem:$0x3FB3] =	sst s10  }
0x35: {  	s10 =	sld [smem:$0x3FB2];
	_ =	sdelay $0x3  }
0x36: {  	p1 =	seq.s32 s10, $0x1;
	s10 =	sld [smem:$0x3FB3];
	_ =	sdelay $0x3  }
0x37: {  	[smem:$0x3FB3] =	sst s10  }
0x38: {  	s10 =	sld [smem:$0x3FB4]  }
0x39: {  	_ = 	snop;
	(pc) =	sbr.ind lr, $3  }
0x3a: {  	_ = 	snop  }
0x3b: {  	_ = 	snop  }
0x3c: {  	p2 =	seq.s32 s10, $0x1;
	s10 =	sld [smem:$0x3FB3]  }
0x3d: {  	_ =	shalt  }
0x3e: {  	_ =	shalt  }
0x3f: {  	_ =	shalt  }
0x40: {  	_ =	shalt  }
0x41: {  	_ =	shalt  }
0x42: {  	_ =	shalt  }
0x43: {  	_ =	shalt  }
0x44: {  	_ =	shalt  }
0x45: {  	_ =	shalt  }
0x46: {  	_ =	shalt  }
0x47: {  	_ =	shalt  }
0x48: {  	_ =	shalt  }
0x49: {  	_ =	shalt  }
0x4a: {  	_ =	shalt  }
0x4b: {  	_ =	shalt  }
0x4c: {  	_ =	shalt  }
0x4d: {  	_ =	shalt  }
0x4e: {  	_ =	shalt  }
0x4f: {  	_ =	shalt  }
0x50: {  	_ =	shalt  }
0x51: {  	_ =	shalt  }
0x52: {  	_ =	shalt  }
0x53: {  	_ =	shalt  }
0x54: {  	_ =	shalt  }
0x55: {  	_ =	shalt  }
0x56: {  	_ =	shalt  }
0x57: {  	_ =	shalt  }
0x58: {  	_ =	shalt  }
0x59: {  	_ =	shalt  }
0x5a: {  	_ =	shalt  }
0x5b: {  	_ =	shalt  }
0x5c: {  	_ =	shalt  }
0x5d: {  	_ =	shalt  }
0x5e: {  	_ =	shalt  }
0x5f: {  	_ =	shalt  }
0x60: {  	_ =	shalt  }
0x61: {  	_ =	shalt  }
0x62: {  	_ =	shalt  }
0x63: {  	_ =	shalt  }
0x64: {  	_ =	shalt  }
0x65: {  	_ =	shalt  }
0x66: {  	_ =	shalt  }
0x67: {  	_ =	shalt  }
0x68: {  	_ =	shalt  }
0x69: {  	_ =	shalt  }
0x6a: {  	_ =	shalt  }
0x6b: {  	_ =	shalt  }
0x6c: {  	_ =	shalt  }
0x6d: {  	_ =	shalt  }
0x6e: {  	_ =	shalt  }
0x6f: {  	_ =	shalt  }
0x70: {  	_ =	shalt  }
0x71: {  	_ =	shalt  }
0x72: {  	_ =	shalt  }
0x73: {  	_ =	shalt  }
0x74: {  	_ =	shalt  }
0x75: {  	_ =	shalt  }
0x76: {  	_ =	shalt  }
0x77: {  	_ =	shalt  }
0x78: {  	_ =	shalt  }
0x79: {  	_ =	shalt  }
0x7a: {  	_ =	shalt  }
0x7b: {  	_ =	shalt  }
0x7c: {  	_ =	shalt  }
0x7d: {  	_ =	shalt  }
0x7e: {  	_ =	shalt  }
0x7f: {  	_ =	shalt  }
0x80: {  	_ =	shalt  }
0x81: {  	_ =	shalt  }
0x82: {  	_ =	shalt  }
0x83: {  	_ =	shalt  }
0x84: {  	_ =	shalt  }
0x85: {  	_ =	shalt  }
0x86: {  	_ =	shalt  }
0x87: {  	_ =	shalt  }
.Lfunc_end0:
.L_simem_size_0:
called_computation.2_lowered:
.L_overlay_start_0:
0x88: {  	s2 =	sld [smem:$0x3FD9]  }
0x89: {  	s3 =	sld [smem:$0x3FFE];
	_ =	sdelay $0x1  }
0x8a: {  	s1 =	srdreg.scid  }
0x8b: {  	s0 =	sand.u32 $0x1, s1  }
0x8c: {  	s16 =	sshll.u32 s0, $0xA;
	s2 =	sadd.s32 s3, s2  }
0x8d: {  	s2 =	sadd.s32 s2, s16  }
0x8e: {  	[smem:$0x3FBF] =	sst s2  }
0x8f: {  	_ = 	snop  }
0x90: {  	(tm) =	ssettm $0x1  }
0x91: {  	s17 =	sld [smem:$0x3FFB];
	_ =	sdelay $0x3  }
0x92: {  	_ =	strace s17  }
0x93: {  	s2 =	sld [smem:$0x3FFC];
	_ =	sdelay $0x3  }
0x94: {  	_ =	strace s2  }
0x95: {  	s2 =	sld [smem:$0x3FFD];
	_ =	sdelay $0x3  }
0x96: {  	_ =	strace s2  }
0x97: {  	_ =	strace $0x8FFFFFFF  }
0x98: {  	s18 =	sld [smem:$0x3FDB];
	_ =	sdelay $0x1  }
0x99: {  	s19 =	simm.s32 $_scs_section_size  }
0x9a: {  	s4 =	simm.s32 $_size__tile_overlayer_lowered;
	s5 =	simm.s32 $_tile_overlayer_lowered  }
0x9b: {  	s22 =	simm.s32 $0x1BFF;
	s21 =	sshll.u32 s5, $0x1;
	s2 =	sadd.s32 s19, s18  }
0x9c: {  	s6 =	simm.s32 $0x0;
	s20 =	sshll.u32 s4, $0x1;
	s4 =	sadd.s32 s21, s2  }
0x9d: {  	[timem:s6], [sflag:s22] =	dma.local [hbm:s4], s20  }
0x9e: {  	_ =	swait.ge [sflag:s22], s20  }
0x9f: {  	s3 =	ssub.s32 $0x0, s20;
	[sflag:s22] =	ssyncset.done $0x0  }
0xa0: {  	[sflag:s22] =	ssyncadd.s32 s3;
	_ =	sdelay $0x1  }
0xa1: {  	s23 =	simm.s32 $0x1B8B  }
0xa2: {  	_ =	swait.ge [sflag:s23], $0x1  }
0xa3: {  	[sflag:s23] =	ssyncset.done $0x0  }
0xa4: {  	s25 =	simm.s32 $0x1B8E;
	s24 =	sld [smem:$0x3FFE];
	[sflag:s23] =	ssyncadd.s32 $0xFFFFFFFF  }
0xa5: {  	s26 =	simm.s32 $execute0_lowered;
	[smem:$0x3FD2] =	sst s25  }
0xa6: {  	s4 =	sshll.u32 s26, $0x1;
	_ =	strace $0x8000004C;
	[dreg:$0x1] =	wrdreg $0xFFFFFFFF  }
0xa7: {  	s28 =	simm.s32 $_size_execute0_lowered;
	s2 =	sadd.s32 s2, s4;
	[dreg:$0x0] =	wrdreg $0x0  }
0xa8: {  	s4 =	sshll.u32 s28, $0x1;
	[dreg:$0x2] =	wrdreg s2  }
0xa9: {  	[dreg:$0x3] =	wrdreg s4  }
0xaa: {  	[dreg:$0x4] =	wrdreg $0xC0  }
0xab: {  	_ =	task [dreg:s6], $0x5FFFF  }
0xac: {  	[dreg:$0x1] =	wrdreg $0xFFFFFFFF  }
0xad: {  	[dreg:$0x0] =	wrdreg $0x60  }
0xae: {  	[dreg:$0x2] =	wrdreg s24  }
0xaf: {  	[dreg:$0x3] =	wrdreg $0x90000  }
0xb0: {  	[dreg:$0x4] =	wrdreg $0x9  }
0xb1: {  	_ =	task.clear_ibuf [dreg:s6], $0x5FFFF;
	_ =	strace $0x9000004C  }
0xb2: {  	s29 =	simm.s32 $0x9;
	_ =	strace $0x8000004E  }
0xb3: {  	_ =	swait.ge [sflag:s29], $0x1  }
0xb4: {  	[sflag:s29] =	ssyncadd.s32 $0xFFFFFFFF  }
0xb5: {  	_ =	strace $0x9000004E  }
0xb6: {  	_ =	sfence  }
0xb7: {  	s30 =	sld [smem:$0x0];
	_ =	sdelay $0x2  }
0xb8: {  	s31 =	sshll.u32 s1, $0xD;
	s1 =	sshrl.u32 s1, $0x2  }
0xb9: {  	s3 =	sand.u32 $0x4000, s31;
	s1 =	sadd.s32 s1, s30  }
0xba: {  	s0 =	sor.u32 s3, s0;
	s1 =	sshll.u32 s1, $0x11  }
0xbb: {  	s0 =	sor.u32 s1, s0  }
0xbc: {  	s0 =	sadd.s32 $0x8F2B, s0  }
0xbd: {  	[sflag:s0] =	ssyncadd.remote.s32 $0x1  }
0xbe: {  	_ =	sfence.sel $0xFFFF  }
0xbf: {  	[dreg:$0x0] =	wrdreg $0xFFFFFFFF;
	(pc) =	sbr.abs _section_cstart, $3  }
0xc0: {  	[dreg:$0x1] =	wrdreg $0xFFFFFFFF  }
0xc1: {  	_ =	task.clear_ibuf [dreg:s6], $0x2FFFF;
	_ =	strace $0x9FFFFFFF  }
0xc2: {  	(tm) =	ssettm $0x7FFFFFFF  }
0xc3: {  	_ =	shalt  }
tec
execute0_lowered:
.L_overlay_start_1:
0x0: {  	(tag) =	ssettag $0x1  }
0x1: {  	s5 =	rddreg [dreg:$0x0]  }
0x2: {  	s1 =	srdreg.scid;
	s0 =	stileid.u32  }
0x3: {  	s2 =	rddreg [dreg:$0x1];
	s3 =	simm.s32 $0x0;
	s21 =	simm.s32 $0x2800  }
0x4: {  	s22 =	simm.s32 $0x5000;
	s23 =	simm.s32 $0x80;
	s24 =	simm.s32 $0x1  }
0x5: {  	s25 =	simm.s32 $0x0;
	s9 =	sand.u32 $0x1, s1;
	s1 =	rddreg [dreg:$0x2]  }
0x6: {  	s4 =	sshll.u32 s0, $0x1;
	[smem:$0x7FF] =	sst s3;
	s8 =	smul.u32 $0x4E000, s0  }
0x7: {  	s13 =	smul.u32 $0x13800, s0;
	s18 =	sadd.s32 $0x66200, s5;
	s12 =	sadd.s32 $0x138000, s2  }
0x8: {  	p0 =	sne.s32 s0, $0xF;
	s4 =	sor.u32 s9, s4;
	s20 =	smul.u32 $0x138800, s9  }
0x9: {  	_ =	strace $0x8000004D;
	s7 =	ssub.s32 $0x2, s9;
	s4 =	smul.u32 $0x500, s4  }
0xa: {  	s10 =	sshrl.u32 s7, $0x1;
	s31 =	sshrl.u32 s8, $0x2;
	s14 =	sadd.s32 $0x4000, s13  }
0xb: {  	s15 =	sadd.s32 $0x8000, s13;
	s16 =	sadd.s32 $0xC000, s13;
	s17 =	sadd.s32 $0x10000, s13  }
0xc: {  	s19 =	ssub.s32 s7, s10;
	s7 =	sadd.s32 s31, s2;
	s8 =	sadd.s32 s14, s2  }
0xd: {  	s9 =	sadd.s32 s15, s2;
	s10 =	sadd.s32 s16, s2;
	s11 =	sadd.s32 s17, s2  }
0xe: {  	s13 =	sadd.s32 s13, s20;
	s14 =	sadd.s32 s20, s14;
	s15 =	sadd.s32 s20, s15  }
0xf: {  	s16 =	sadd.s32 s20, s16;
	s17 =	sadd.s32 s20, s17;
	s20 =	sshrl.u32 s20, $0x3  }
0x10: {  	s6 =	sadd.s32 s4, s5;
	s4 =	sadd.s32 $0x3F000, s5;
	s13 =	sshrl.u32 s13, $0x3  }
0x11: {  	s14 =	sshrl.u32 s14, $0x3;
	s15 =	sshrl.u32 s15, $0x3;
	s16 =	sshrl.u32 s16, $0x3  }
0x12: {  	s17 =	sshrl.u32 s17, $0x3;
	s19 =	smax.u32 s19, $0x1;
	s5 =	sadd.s32 $0x3E00, s6  }
0x13: {  	s13 =	sadd.s32 s18, s13;
	s14 =	sadd.s32 s18, s14;
	s15 =	sadd.s32 s18, s15  }
0x14: {  	s16 =	sadd.s32 s18, s16;
	s17 =	sadd.s32 s18, s17;
	s18 =	sadd.s32 s18, s20  }
0x15: {  	v0 =	vimm.f32 $0.0e+00;
	s6 =	sadd.s32 $0xDE00, s6;
	s20 =	simm.s32 $0x2;
	s18 =	sadd.s32 $0x27000, s18  }
.LBB2_1:
0x16: {  	[tilespmem:s3], [sflag:$0x2] =	stream.linear.gather [hbm4b:s5+s3], $0x2800, $0x38;
	[tilespmem:$0x1C880] =	vst v63  }
0x17: {  	_ =	swait.ge [sflag:s20], $0x2800  }
0x18: {  	[sflag:s20] =	ssyncset.done $0x0  }
0x19: {  	[sflag:s20] =	ssyncadd.s32 $0xFFFFD800  }
0x1a: {  	[tilespmem:s21], [sflag:$0x2] =	stream.linear.gather [hbm4b:s6+s3], $0x2800, $0x38;
	[tilespmem:$0x1C880] =	vst v63  }
0x1b: {  	_ =	swait.ge [sflag:s20], $0x2800  }
0x1c: {  	[sflag:s20] =	ssyncset.done $0x0  }
0x1d: {  	s26 =	simm.s32 $0x0;
	s28 =	simm.s32 $0x200;
	[sflag:s20] =	ssyncadd.s32 $0xFFFFD800  }
.LBB2_2:
0x1e: {  	p1 =	sne.s32 s28, $0xFE00;
	[tilespmem:s26+$0x5070] =	vst v0  }
0x1f: {  	[tilespmem:s26+$0x5000] =	vst v0  }
0x20: {  	[tilespmem:s26+$0x5010] =	vst v0  }
.Ltmp0:
0x21: {  	[tilespmem:s26+$0x5020] =	vst v0;
	(pc) =	sbr.rel @p1 .LBB2_2-.Ltmp0, $4  }
0x22: {  	[tilespmem:s26+$0x5030] =	vst v0  }
0x23: {  	[tilespmem:s26+$0x5040] =	vst v0  }
0x24: {  	[tilespmem:s26+$0x5050] =	vst v0  }
0x25: {  	[tilespmem:s26+$0x5060] =	vst v0;
	s26 =	sshra.s32 s28, $0x2;
	s28 =	sadd.s32 $0x200, s28  }
0x26: {  	[tilespmem:s26+$0x5070] =	vst v0  }
0x27: {  	[tilespmem:s26+$0x5000] =	vst v0  }
0x28: {  	[tilespmem:s26+$0x5010] =	vst v0  }
0x29: {  	[tilespmem:s26+$0x5020] =	vst v0  }
0x2a: {  	[tilespmem:s26+$0x5030] =	vst v0  }
0x2b: {  	[tilespmem:s26+$0x5040] =	vst v0  }
0x2c: {  	[tilespmem:s26+$0x5050] =	vst v0  }
0x2d: {  	[tilespmem:s26+$0x5060] =	vst v0  }
0x2e: {  	[spmem:s7] =	stream.linear.scatter [tilespmem:s22], [sflag:$0x2], $0x4000, $0x38;
	[tilespmem:$0x1C880] =	vst v63  }
0x2f: {  	_ =	swait.ge [sflag:s20], $0x4000  }
0x30: {  	[sflag:s20] =	ssyncset.done $0x0  }
0x31: {  	[sflag:s20] =	ssyncadd.s32 $0xFFFFC000  }
0x32: {  	[spmem:s8] =	stream.linear.scatter [tilespmem:s22], [sflag:$0x2], $0x4000, $0x38;
	[tilespmem:$0x1C880] =	vst v63  }
0x33: {  	_ =	swait.ge [sflag:s20], $0x4000  }
0x34: {  	[sflag:s20] =	ssyncset.done $0x0  }
0x35: {  	[sflag:s20] =	ssyncadd.s32 $0xFFFFC000  }
0x36: {  	[spmem:s9] =	stream.linear.scatter [tilespmem:s22], [sflag:$0x2], $0x4000, $0x38;
	[tilespmem:$0x1C880] =	vst v63  }
0x37: {  	_ =	swait.ge [sflag:s20], $0x4000  }
0x38: {  	[sflag:s20] =	ssyncset.done $0x0  }
0x39: {  	[sflag:s20] =	ssyncadd.s32 $0xFFFFC000  }
0x3a: {  	[spmem:s10] =	stream.linear.scatter [tilespmem:s22], [sflag:$0x2], $0x4000, $0x38;
	[tilespmem:$0x1C880] =	vst v63  }
0x3b: {  	_ =	swait.ge [sflag:s20], $0x4000  }
0x3c: {  	[sflag:s20] =	ssyncset.done $0x0  }
0x3d: {  	[sflag:s20] =	ssyncadd.s32 $0xFFFFC000  }
0x3e: {  	[spmem:s11] =	stream.linear.scatter [tilespmem:s22], [sflag:$0x2], $0x3800, $0x38;
	[tilespmem:$0x1C880] =	vst v63  }
0x3f: {  	_ =	swait.ge [sflag:s20], $0x3800  }
0x40: {  	[sflag:s20] =	ssyncset.done $0x0  }
0x41: {  	s26 =	simm.s32 @!p0 $0x5000;
	[sflag:s20] =	ssyncadd.s32 $0xFFFFC800  }
0x42: {  	[spmem:s12] =	stream.linear.scatter @!p0 [tilespmem:s26], [sflag:$0x2], $0x800, $0x38;
	[tilespmem:$0x1C880] =	vst v63  }
0x43: {  	s26 =	simm.s32 @!p0 $0x2  }
0x44: {  	_ =	swait.ge @!p0 [sflag:s26], $0x800  }
0x45: {  	[sflag:s26] =	ssyncset.done @!p0 $0x0  }
0x46: {  	[sflag:s26] =	ssyncadd.s32 @!p0 $0xFFFFF800  }
0x47: {  	s30 =	simm.s32 $0x0;
	[bflag:$0x0] =	sbarrier.arrive $0xFFFF  }
0x48: {  	[tilespmem:s22], [sflag:$0x1] =	stream.indirect.gather [hbm4b:s4+s23], $0x80, s30, s23, $0xb8;
	[tilespmem:$0x1C880] =	vst v63  }
0x49: {  	_ =	swait.ge [sflag:s24], $0x4000  }
0x4a: {  	[sflag:s24] =	ssyncset.done $0x0  }
0x4b: {  	s31 =	simm.s32 $0x2800;
	[sflag:s24] =	ssyncadd.s32 $0xFFFFC000  }
0x4c: {  	[spmem:s2] =	stream.indirect.scatter.add.f32 [tilespmem:s22], [sflag:$0x2], $0x80, s31, s23, $0xb8;
	[tilespmem:$0x1C880] =	vst v63  }
0x4d: {  	_ =	swait.ge [sflag:s20], $0x4000  }
0x4e: {  	s28 =	simm.s32 $0x400;
	s26 =	simm.s32 $0x200;
	[sflag:s20] =	ssyncset.done $0x0  }
.LBB2_4:
0x4f: {  	s29 =	sshra.s32 s26, $0x2  }
0x50: {  	[sflag:s20] =	ssyncadd.s32 $0xFFFFC000;
	s26 =	smov.u32 s28;
	s30 =	sadd.s32 $0x200, s28  }
0x51: {  	[tilespmem:s22], [sflag:$0x1] =	stream.indirect.gather [hbm4b:s4+s23], $0x80, s29, s23, $0xb8;
	[tilespmem:$0x1C880] =	vst v63  }
0x52: {  	p1 =	sne.s32 s28, $0x9E00;
	_ =	swait.ge [sflag:s24], $0x4000  }
.Ltmp1:
0x53: {  	[sflag:s24] =	ssyncset.done $0x0;
	(pc) =	sbr.rel @p1 .LBB2_4-.Ltmp1, $4  }
0x54: {  	s28 =	sadd.s32 $0x2800, s29;
	[sflag:s24] =	ssyncadd.s32 $0xFFFFC000  }
0x55: {  	[spmem:s2] =	stream.indirect.scatter.add.f32 [tilespmem:s22], [sflag:$0x2], $0x80, s28, s23, $0xb8;
	[tilespmem:$0x1C880] =	vst v63  }
0x56: {  	_ =	swait.ge [sflag:s20], $0x4000  }
0x57: {  	s28 =	smov.u32 s30;
	[sflag:s20] =	ssyncset.done $0x0  }
0x58: {  	s26 =	sshra.s32 s26, $0x2;
	[sflag:s20] =	ssyncadd.s32 $0xFFFFC000  }
0x59: {  	[tilespmem:s22], [sflag:$0x1] =	stream.indirect.gather [hbm4b:s4+s23], $0x80, s26, s23, $0xb8;
	[tilespmem:$0x1C880] =	vst v63  }
0x5a: {  	_ =	swait.ge [sflag:s24], $0x4000  }
0x5b: {  	[sflag:s24] =	ssyncset.done $0x0  }
0x5c: {  	s26 =	sadd.s32 $0x2800, s26;
	[sflag:s24] =	ssyncadd.s32 $0xFFFFC000  }
0x5d: {  	[spmem:s2] =	stream.indirect.scatter.add.f32 [tilespmem:s22], [sflag:$0x2], $0x80, s26, s23, $0xb8;
	[tilespmem:$0x1C880] =	vst v63  }
0x5e: {  	_ =	swait.ge [sflag:s20], $0x4000  }
0x5f: {  	[sflag:s20] =	ssyncset.done $0x0  }
0x60: {  	[sflag:s20] =	ssyncadd.s32 $0xFFFFC000  }
0x61: {  	[bflag:$0x0] =	sbarrier.arrive $0xFFFF  }
0x62: {  	[tilespmem:s22], [sflag:$0x2] =	stream.linear.gather [spmem:s7], $0x4000, $0x38;
	[tilespmem:$0x1C880] =	vst v63  }
0x63: {  	_ =	swait.ge [sflag:s20], $0x4000  }
0x64: {  	[sflag:s20] =	ssyncset.done $0x0  }
0x65: {  	[sflag:s20] =	ssyncadd.s32 $0xFFFFC000  }
0x66: {  	[hbm4b:s13+s3] =	stream.linear.scatter [tilespmem:s22], [sflag:$0x2], $0x4000, $0x38;
	[tilespmem:$0x1C880] =	vst v63  }
0x67: {  	_ =	swait.ge [sflag:s20], $0x4000  }
0x68: {  	[sflag:s20] =	ssyncset.done $0x0  }
0x69: {  	[sflag:s20] =	ssyncadd.s32 $0xFFFFC000  }
0x6a: {  	[tilespmem:s22], [sflag:$0x2] =	stream.linear.gather [spmem:s8], $0x4000, $0x38;
	[tilespmem:$0x1C880] =	vst v63  }
0x6b: {  	_ =	swait.ge [sflag:s20], $0x4000  }
0x6c: {  	[sflag:s20] =	ssyncset.done $0x0  }
0x6d: {  	[sflag:s20] =	ssyncadd.s32 $0xFFFFC000  }
0x6e: {  	[hbm4b:s14+s3] =	stream.linear.scatter [tilespmem:s22], [sflag:$0x2], $0x4000, $0x38;
	[tilespmem:$0x1C880] =	vst v63  }
0x6f: {  	_ =	swait.ge [sflag:s20], $0x4000  }
0x70: {  	[sflag:s20] =	ssyncset.done $0x0  }
0x71: {  	[sflag:s20] =	ssyncadd.s32 $0xFFFFC000  }
0x72: {  	[tilespmem:s22], [sflag:$0x2] =	stream.linear.gather [spmem:s9], $0x4000, $0x38;
	[tilespmem:$0x1C880] =	vst v63  }
0x73: {  	_ =	swait.ge [sflag:s20], $0x4000  }
0x74: {  	[sflag:s20] =	ssyncset.done $0x0  }
0x75: {  	[sflag:s20] =	ssyncadd.s32 $0xFFFFC000  }
0x76: {  	[hbm4b:s15+s3] =	stream.linear.scatter [tilespmem:s22], [sflag:$0x2], $0x4000, $0x38;
	[tilespmem:$0x1C880] =	vst v63  }
0x77: {  	_ =	swait.ge [sflag:s20], $0x4000  }
0x78: {  	[sflag:s20] =	ssyncset.done $0x0  }
0x79: {  	[sflag:s20] =	ssyncadd.s32 $0xFFFFC000  }
0x7a: {  	[tilespmem:s22], [sflag:$0x2] =	stream.linear.gather [spmem:s10], $0x4000, $0x38;
	[tilespmem:$0x1C880] =	vst v63  }
0x7b: {  	_ =	swait.ge [sflag:s20], $0x4000  }
0x7c: {  	[sflag:s20] =	ssyncset.done $0x0  }
0x7d: {  	[sflag:s20] =	ssyncadd.s32 $0xFFFFC000  }
0x7e: {  	[hbm4b:s16+s3] =	stream.linear.scatter [tilespmem:s22], [sflag:$0x2], $0x4000, $0x38;
	[tilespmem:$0x1C880] =	vst v63  }
0x7f: {  	_ =	swait.ge [sflag:s20], $0x4000  }
0x80: {  	[sflag:s20] =	ssyncset.done $0x0  }
0x81: {  	[sflag:s20] =	ssyncadd.s32 $0xFFFFC000  }
0x82: {  	[tilespmem:s22], [sflag:$0x2] =	stream.linear.gather [spmem:s11], $0x3800, $0x38;
	[tilespmem:$0x1C880] =	vst v63  }
0x83: {  	_ =	swait.ge [sflag:s20], $0x3800  }
0x84: {  	[sflag:s20] =	ssyncset.done $0x0  }
0x85: {  	[sflag:s20] =	ssyncadd.s32 $0xFFFFC800  }
0x86: {  	[hbm4b:s17+s3] =	stream.linear.scatter [tilespmem:s22], [sflag:$0x2], $0x3800, $0x38;
	[tilespmem:$0x1C880] =	vst v63  }
0x87: {  	_ =	swait.ge [sflag:s20], $0x3800  }
0x88: {  	[sflag:s20] =	ssyncset.done $0x0  }
0x89: {  	s28 =	simm.s32 @!p0 $0x2;
	s26 =	simm.s32 @!p0 $0x5000;
	[sflag:s20] =	ssyncadd.s32 $0xFFFFC800  }
0x8a: {  	[tilespmem:s26], [sflag:$0x2] =	stream.linear.gather @!p0 [spmem:s12], $0x800, $0x38;
	[tilespmem:$0x1C880] =	vst v63  }
0x8b: {  	s25 =	sadd.s32 $0x1, s25;
	_ =	swait.ge @!p0 [sflag:s28], $0x800  }
0x8c: {  	p1 =	sne.s32 s25, s19;
	[sflag:s28] =	ssyncset.done @!p0 $0x0  }
.Ltmp2:
0x8d: {  	s29 =	simm.s32 @!p0 $0x0;
	[sflag:s28] =	ssyncadd.s32 @!p0 $0xFFFFF800;
	(pc) =	sbr.rel @p1 .LBB2_1-.Ltmp2, $4  }
0x8e: {  	[hbm4b:s18+s29] =	stream.linear.scatter @!p0 [tilespmem:s26], [sflag:$0x2], $0x800, $0x38;
	[tilespmem:$0x1C880] =	vst v63  }
0x8f: {  	_ =	swait.ge @!p0 [sflag:s28], $0x800  }
0x90: {  	[sflag:s28] =	ssyncset.done @!p0 $0x0  }
0x91: {  	[sflag:s28] =	ssyncadd.s32 @!p0 $0xFFFFF800  }
0x92: {  	_ =	sfence.sel $0x180000  }
0x93: {  	[bflag:$0x0] =	sbarrier.arrive $0xFFFF  }
0x94: {  	p0 =	sne.s32 s0, $0x0;
	_ =	strace $0x9000004D  }
0x95: {  	s0 =	sadd.s32 @!p0 $0x100000, s1;
	[bflag:$0x2] =	sbarrier.arrive $0xFFFF  }
0x96: {  	[sflag:s0] =	ssyncadd.tile.s32 @!p0 $0x1;
	_ =	shalt  }
.Lfunc_end2:
_tile_overlayer_lowered:
.L_overlay_start_2:
0x97: {  	(tag) =	ssettag $0x2  }
0x98: {  	s0 =	rddreg [dreg:$0x0];
	s2 =	stileid.u32  }
0x99: {  	s1 =	rddreg [dreg:$0x1];
	p0 =	sne.s32 s2, $0x0  }
0x9a: {  	s3 =	rddreg [dreg:$0x2];
	[bflag:$0x3] =	sbarrier.arrive $0xFFFF;
	s2 =	simm.s32 @!p0 $0x1C02  }
0x9b: {  	[timem:s3], [sflag:s2] =	dma.local @!p0 [hbm:s0], s1  }
0x9c: {  	s0 =	simm.s32 @!p0 $0x2  }
0x9d: {  	_ =	swait.ge @!p0 [sflag:s0], s1  }
0x9e: {  	s1 =	ssub.s32 @!p0 $0x0, s1;
	[sflag:s0] =	ssyncset.done @!p0 $0x0  }
0x9f: {  	[sflag:s0] =	ssyncadd.s32 @!p0 s1  }
0xa0: {  	[bflag:$0x3] =	sbarrier.arrive $0xFFFF  }
0xa1: {  	_ =	shalt  }

// kernel: kernel.8.cloned.1.call-start
scs
__scs_entry_jumppad:
0x0: {  	(pc) =	sbr.rel $0x88, $3  }
0x1: {  	(tag) =	ssettag $0x0;
	lr =	simm.s32 $0x1  }
0x2: {  	[smem:$0x3F98] =	sst lr;
	_ =	strace $0xD0000000  }
0x3: {  	_ = 	snop  }
0x4: {  	_ = 	snop  }
0x5: {  	_ = 	snop  }
0x6: {  	_ = 	snop  }
0x7: {  	_ = 	snop  }
__scs_overlays_trampoline_lowered:
0x8: {  	[smem:$0x3FA7] =	sst s0  }
0x9: {  	[smem:$0x3FA8] =	sst s1  }
0xa: {  	[smem:$0x3FA9] =	sst s2  }
0xb: {  	[smem:$0x3FAA] =	sst s3  }
0xc: {  	[smem:$0x3FAB] =	sst s4  }
0xd: {  	[smem:$0x3FAC] =	sst s5  }
0xe: {  	[smem:$0x3FAD] =	sst s6  }
0xf: {  	[smem:$0x3FAE] =	sst s7  }
0x10: {  	[smem:$0x3FAF] =	sst s8  }
0x11: {  	[smem:$0x3FB0] =	sst s9;
	s0 =	simm.s32 @!p0 $0x0  }
0x12: {  	s1 =	sld [smem:$0x3F96];
	s0 =	simm.s32 @p0 $0x1  }
0x13: {  	[smem:$0x3FB1] =	sst s0;
	s0 =	simm.s32 @!p1 $0x0  }
0x14: {  	s2 =	sld [smem:$0x3F95];
	s0 =	simm.s32 @p1 $0x1  }
0x15: {  	[smem:$0x3FB2] =	sst s0;
	s0 =	simm.s32 @!p2 $0x0  }
0x16: {  	s3 =	sld [smem:$0x3FDB];
	s0 =	simm.s32 @p2 $0x1  }
0x17: {  	s4 =	simm.s32 $0x1BF5;
	[smem:$0x3FB4] =	sst s0  }
0x18: {  	s0 =	sld [smem:$0x3F97];
	_ =	swait.ge [sflag:s4], $0x0  }
0x19: {  	s7 =	sld [smem:$0x3F98]  }
0x1a: {  	s8 =	sadd.s32 $0xFFFFE003, lr  }
0x1b: {  	s9 =	sadd.s32 $0xFFFFFEF7, lr;
	s5 =	simm.s32 $0xFFFFFFFF;
	p2 =	slt.u32 s8, $0xFFFFF086  }
0x1c: {  	p1 =	slt.u32 s9, $0xF7A;
	s5 =	simm.s32 @!p2 $0x0  }
0x1d: {  	s5 =	simm.s32 @p1 $0x1;
	p0 =	seq.s32 s7, s2  }
0x1e: {  	s7 =	smul.u32 @!p0 $0xF7A, s2;
	p2 =	seq.s32 @!p0 s5, $0x0  }
0x1f: {  	s9 =	smul.u32 $0xF7A, s1;
	s8 =	simm.s32 @!p0 $0x1BF5;
	p2 =	por !p2, p0  }
0x20: {  	[sflag:s8] =	ssyncset.s32 @!p0 $0xFFFFF086;
	s6 =	sadd.s32 @!p0 s3, s7;
	s7 =	simm.s32 @!p0 $0x108  }
0x21: {  	s3 =	sadd.s32 s3, s9;
	s6 =	sadd.s32 @!p0 $0x88, s6;
	s7 =	simm.s32 @p2 $0x1082  }
0x22: {  	[simem:s7], [sflag:s8] =	dma.local @!p0 [hbm:s6], $0xF7A  }
0x23: {  	s9 =	sor.u32 $0xD0000000, s2;
	s6 =	simm.s32 $0x108;
	_ =	swait.ge @!p0 [sflag:s8], $0x0  }
0x24: {  	s3 =	sadd.s32 $0x88, s3;
	s6 =	simm.s32 @!p1 $0x1082;
	[sflag:s4] =	ssyncset.s32 $0xFFFFF086  }
0x25: {  	[simem:s6], [sflag:s4] =	dma.local [hbm:s3], $0xF7A  }
0x26: {  	[smem:$0x3F98] =	sst s1;
	(tag) =	ssettag s2;
	_ =	strace s9  }
0x27: {  	s1 =	sld [smem:$0x3FA8]  }
0x28: {  	s2 =	sld [smem:$0x3FA9]  }
0x29: {  	s4 =	sld [smem:$0x3FAB]  }
0x2a: {  	p0 =	seq.s32 s5, $0x0;
	s5 =	sld [smem:$0x3FAC]  }
0x2b: {  	s6 =	sld [smem:$0x3FAD]  }
0x2c: {  	s7 =	sld [smem:$0x3FAE]  }
0x2d: {  	s3 =	simm.s32 $0x108;
	s8 =	sld [smem:$0x3FAF]  }
0x2e: {  	s3 =	simm.s32 @!p0 $0x1082;
	s9 =	sld [smem:$0x3FB0]  }
0x2f: {  	lr =	sadd.s32 s0, s3;
	s0 =	sld [smem:$0x3FA7]  }
0x30: {  	s3 =	sld [smem:$0x3FAA]  }
0x31: {  	[smem:$0x3FB3] =	sst s10  }
0x32: {  	s10 =	sld [smem:$0x3FB1];
	_ =	sdelay $0x3  }
0x33: {  	p0 =	seq.s32 s10, $0x1;
	s10 =	sld [smem:$0x3FB3];
	_ =	sdelay $0x3  }
0x34: {  	[smem:$0x3FB3] =	sst s10  }
0x35: {  	s10 =	sld [smem:$0x3FB2];
	_ =	sdelay $0x3  }
0x36: {  	p1 =	seq.s32 s10, $0x1;
	s10 =	sld [smem:$0x3FB3];
	_ =	sdelay $0x3  }
0x37: {  	[smem:$0x3FB3] =	sst s10  }
0x38: {  	s10 =	sld [smem:$0x3FB4]  }
0x39: {  	_ = 	snop;
	(pc) =	sbr.ind lr, $3  }
0x3a: {  	_ = 	snop  }
0x3b: {  	_ = 	snop  }
0x3c: {  	p2 =	seq.s32 s10, $0x1;
	s10 =	sld [smem:$0x3FB3]  }
0x3d: {  	_ =	shalt  }
0x3e: {  	_ =	shalt  }
0x3f: {  	_ =	shalt  }
0x40: {  	_ =	shalt  }
0x41: {  	_ =	shalt  }
0x42: {  	_ =	shalt  }
0x43: {  	_ =	shalt  }
0x44: {  	_ =	shalt  }
0x45: {  	_ =	shalt  }
0x46: {  	_ =	shalt  }
0x47: {  	_ =	shalt  }
0x48: {  	_ =	shalt  }
0x49: {  	_ =	shalt  }
0x4a: {  	_ =	shalt  }
0x4b: {  	_ =	shalt  }
0x4c: {  	_ =	shalt  }
0x4d: {  	_ =	shalt  }
0x4e: {  	_ =	shalt  }
0x4f: {  	_ =	shalt  }
0x50: {  	_ =	shalt  }
0x51: {  	_ =	shalt  }
0x52: {  	_ =	shalt  }
0x53: {  	_ =	shalt  }
0x54: {  	_ =	shalt  }
0x55: {  	_ =	shalt  }
0x56: {  	_ =	shalt  }
0x57: {  	_ =	shalt  }
0x58: {  	_ =	shalt  }
0x59: {  	_ =	shalt  }
0x5a: {  	_ =	shalt  }
0x5b: {  	_ =	shalt  }
0x5c: {  	_ =	shalt  }
0x5d: {  	_ =	shalt  }
0x5e: {  	_ =	shalt  }
0x5f: {  	_ =	shalt  }
0x60: {  	_ =	shalt  }
0x61: {  	_ =	shalt  }
0x62: {  	_ =	shalt  }
0x63: {  	_ =	shalt  }
0x64: {  	_ =	shalt  }
0x65: {  	_ =	shalt  }
0x66: {  	_ =	shalt  }
0x67: {  	_ =	shalt  }
0x68: {  	_ =	shalt  }
0x69: {  	_ =	shalt  }
0x6a: {  	_ =	shalt  }
0x6b: {  	_ =	shalt  }
0x6c: {  	_ =	shalt  }
0x6d: {  	_ =	shalt  }
0x6e: {  	_ =	shalt  }
0x6f: {  	_ =	shalt  }
0x70: {  	_ =	shalt  }
0x71: {  	_ =	shalt  }
0x72: {  	_ =	shalt  }
0x73: {  	_ =	shalt  }
0x74: {  	_ =	shalt  }
0x75: {  	_ =	shalt  }
0x76: {  	_ =	shalt  }
0x77: {  	_ =	shalt  }
0x78: {  	_ =	shalt  }
0x79: {  	_ =	shalt  }
0x7a: {  	_ =	shalt  }
0x7b: {  	_ =	shalt  }
0x7c: {  	_ =	shalt  }
0x7d: {  	_ =	shalt  }
0x7e: {  	_ =	shalt  }
0x7f: {  	_ =	shalt  }
0x80: {  	_ =	shalt  }
0x81: {  	_ =	shalt  }
0x82: {  	_ =	shalt  }
0x83: {  	_ =	shalt  }
0x84: {  	_ =	shalt  }
0x85: {  	_ =	shalt  }
0x86: {  	_ =	shalt  }
0x87: {  	_ =	shalt  }
.Lfunc_end0:
.L_simem_size_0:
called_computation_lowered:
.L_overlay_start_0:
0x88: {  	s2 =	sld [smem:$0x3FD9]  }
0x89: {  	s3 =	sld [smem:$0x3FFE];
	_ =	sdelay $0x1  }
0x8a: {  	s1 =	srdreg.scid  }
0x8b: {  	s0 =	sand.u32 $0x1, s1  }
0x8c: {  	s16 =	sshll.u32 s0, $0xA;
	s2 =	sadd.s32 s3, s2  }
0x8d: {  	s2 =	sadd.s32 s2, s16  }
0x8e: {  	[smem:$0x3FBF] =	sst s2  }
0x8f: {  	_ = 	snop  }
0x90: {  	(tm) =	ssettm $0x1  }
0x91: {  	s17 =	sld [smem:$0x3FFB];
	_ =	sdelay $0x3  }
0x92: {  	_ =	strace s17  }
0x93: {  	s2 =	sld [smem:$0x3FFC];
	_ =	sdelay $0x3  }
0x94: {  	_ =	strace s2  }
0x95: {  	s2 =	sld [smem:$0x3FFD];
	_ =	sdelay $0x3  }
0x96: {  	_ =	strace s2  }
0x97: {  	_ =	strace $0x8FFFFFFF  }
0x98: {  	s18 =	sld [smem:$0x3FDB];
	_ =	sdelay $0x1  }
0x99: {  	s19 =	simm.s32 $_scs_section_size  }
0x9a: {  	s4 =	simm.s32 $_size__tile_overlayer_lowered;
	s5 =	simm.s32 $_tile_overlayer_lowered  }
0x9b: {  	s22 =	simm.s32 $0x1BFF;
	s21 =	sshll.u32 s5, $0x1;
	s2 =	sadd.s32 s19, s18  }
0x9c: {  	s6 =	simm.s32 $0x0;
	s20 =	sshll.u32 s4, $0x1;
	s4 =	sadd.s32 s21, s2  }
0x9d: {  	[timem:s6], [sflag:s22] =	dma.local [hbm:s4], s20  }
0x9e: {  	_ =	swait.ge [sflag:s22], s20  }
0x9f: {  	s3 =	ssub.s32 $0x0, s20;
	[sflag:s22] =	ssyncset.done $0x0  }
0xa0: {  	[sflag:s22] =	ssyncadd.s32 s3;
	_ =	sdelay $0x1  }
0xa1: {  	s23 =	simm.s32 $0x1B8B  }
0xa2: {  	_ =	swait.ge [sflag:s23], $0x1  }
0xa3: {  	[sflag:s23] =	ssyncset.done $0x0  }
0xa4: {  	s25 =	simm.s32 $0x1B8E;
	s24 =	sld [smem:$0x3FFE];
	[sflag:s23] =	ssyncadd.s32 $0xFFFFFFFF  }
0xa5: {  	s26 =	simm.s32 $execute0_lowered;
	[smem:$0x3FD2] =	sst s25  }
0xa6: {  	s4 =	sshll.u32 s26, $0x1;
	_ =	strace $0x80000046;
	[dreg:$0x1] =	wrdreg $0xFFFFFFFF  }
0xa7: {  	s28 =	simm.s32 $_size_execute0_lowered;
	s2 =	sadd.s32 s2, s4;
	[dreg:$0x0] =	wrdreg $0x0  }
0xa8: {  	s4 =	sshll.u32 s28, $0x1;
	[dreg:$0x2] =	wrdreg s2  }
0xa9: {  	[dreg:$0x3] =	wrdreg s4  }
0xaa: {  	[dreg:$0x4] =	wrdreg $0xC0  }
0xab: {  	_ =	task [dreg:s6], $0x5FFFF  }
0xac: {  	[dreg:$0x1] =	wrdreg $0xFFFFFFFF  }
0xad: {  	[dreg:$0x0] =	wrdreg $0x60  }
0xae: {  	[dreg:$0x2] =	wrdreg s24  }
0xaf: {  	[dreg:$0x3] =	wrdreg $0x2B000  }
0xb0: {  	[dreg:$0x4] =	wrdreg $0x9  }
0xb1: {  	_ =	task.clear_ibuf [dreg:s6], $0x5FFFF;
	_ =	strace $0x90000046  }
0xb2: {  	s29 =	simm.s32 $0x9;
	_ =	strace $0x80000048  }
0xb3: {  	_ =	swait.ge [sflag:s29], $0x1  }
0xb4: {  	[sflag:s29] =	ssyncadd.s32 $0xFFFFFFFF  }
0xb5: {  	_ =	strace $0x90000048  }
0xb6: {  	_ =	sfence  }
0xb7: {  	s30 =	sld [smem:$0x0];
	_ =	sdelay $0x2  }
0xb8: {  	s31 =	sshll.u32 s1, $0xD;
	s1 =	sshrl.u32 s1, $0x2  }
0xb9: {  	s3 =	sand.u32 $0x4000, s31;
	s1 =	sadd.s32 s1, s30  }
0xba: {  	s0 =	sor.u32 s3, s0;
	s1 =	sshll.u32 s1, $0x11  }
0xbb: {  	s0 =	sor.u32 s1, s0  }
0xbc: {  	s0 =	sadd.s32 $0x8F2B, s0  }
0xbd: {  	[sflag:s0] =	ssyncadd.remote.s32 $0x1  }
0xbe: {  	_ =	sfence.sel $0xFFFF  }
0xbf: {  	[dreg:$0x0] =	wrdreg $0xFFFFFFFF;
	(pc) =	sbr.abs _section_cstart, $3  }
0xc0: {  	[dreg:$0x1] =	wrdreg $0xFFFFFFFF  }
0xc1: {  	_ =	task.clear_ibuf [dreg:s6], $0x2FFFF;
	_ =	strace $0x9FFFFFFF  }
0xc2: {  	(tm) =	ssettm $0x7FFFFFFF  }
0xc3: {  	_ =	shalt  }
tec
execute0_lowered:
.L_overlay_start_1:
0x0: {  	(tag) =	ssettag $0x1  }
0x1: {  	s4 =	rddreg [dreg:$0x0]  }
0x2: {  	s2 =	rddreg [dreg:$0x1]  }
0x3: {  	s0 =	rddreg [dreg:$0x2]  }
0x4: {  	s3 =	simm.s32 $0x0;
	s5 =	srdreg.scid;
	s1 =	stileid.u32  }
0x5: {  	s10 =	simm.s32 $0x80;
	s11 =	simm.s32 $0x2800;
	s12 =	simm.s32 $0x100  }
0x6: {  	s13 =	simm.s32 $0x0;
	s5 =	sand.u32 $0x1, s5;
	s7 =	smul.u32 $0x500, s1  }
0x7: {  	s6 =	sshll.u32 s1, $0x1;
	[smem:$0x7FF] =	sst s3;
	s29 =	smul.u32 $0xA00, s1  }
0x8: {  	s6 =	sor.u32 s5, s6;
	s8 =	sshll.u32 s5, $0x7;
	_ =	strace $0x80000047  }
0x9: {  	s5 =	ssub.s32 $0x2, s5;
	s6 =	smul.u32 $0x500, s6;
	s7 =	sor.u32 s8, s7  }
0xa: {  	s30 =	sshrl.u32 s5, $0x1;
	s31 =	sshrl.u32 s29, $0x2;
	s8 =	simm.s32 $0x1  }
0xb: {  	s7 =	sshrl.u32 s7, $0x3;
	s9 =	ssub.s32 s5, s30;
	s6 =	sadd.s32 s6, s4  }
0xc: {  	s5 =	sadd.s32 s31, s2;
	s7 =	sadd.s32 s7, s4;
	s4 =	sadd.s32 $0xDE00, s6  }
0xd: {  	v0 =	vimm.f32 $1.000000000e+00;
	v1 =	vimm.f32 $0.0e+00;
	s6 =	sadd.s32 $0x17E00, s7;
	s7 =	smax.u32 s9, $0x1;
	s9 =	simm.s32 $0x2880  }
.LBB2_1:
0xe: {  	[tilespmem:s3], [sflag:$0x1] =	stream.linear.gather [hbm4b:s4+s3], $0x2800, $0x38;
	[tilespmem:$0x2D80] =	vst v63  }
0xf: {  	_ =	swait.ge [sflag:s8], $0x2800  }
0x10: {  	[sflag:s8] =	ssyncset.done $0x0  }
0x11: {  	[sflag:s8] =	ssyncadd.s32 $0xFFFFD800  }
0x12: {  	[tilespmem:$0x2800] =	vst v0  }
0x13: {  	[tilespmem:$0x2810] =	vst v0  }
0x14: {  	[tilespmem:$0x2820] =	vst v0  }
0x15: {  	[tilespmem:$0x2830] =	vst v0  }
0x16: {  	[tilespmem:$0x2840] =	vst v0  }
0x17: {  	[tilespmem:$0x2850] =	vst v0  }
0x18: {  	[tilespmem:$0x2860] =	vst v0  }
0x19: {  	[tilespmem:$0x2870] =	vst v0  }
0x1a: {  	[tilespmem:$0x2880] =	vst v1  }
0x1b: {  	[tilespmem:$0x2890] =	vst v1  }
0x1c: {  	[tilespmem:$0x28A0] =	vst v1  }
0x1d: {  	[tilespmem:$0x28B0] =	vst v1  }
0x1e: {  	[tilespmem:$0x28C0] =	vst v1  }
0x1f: {  	[tilespmem:$0x28D0] =	vst v1  }
0x20: {  	[tilespmem:$0x28E0] =	vst v1  }
0x21: {  	[tilespmem:$0x28F0] =	vst v1  }
0x22: {  	[tilespmem:$0x2900] =	vst v1  }
0x23: {  	[tilespmem:$0x2910] =	vst v1  }
0x24: {  	[tilespmem:$0x2920] =	vst v1  }
0x25: {  	[tilespmem:$0x2930] =	vst v1  }
0x26: {  	[tilespmem:$0x2940] =	vst v1  }
0x27: {  	[tilespmem:$0x2950] =	vst v1  }
0x28: {  	[tilespmem:$0x2960] =	vst v1  }
0x29: {  	[tilespmem:$0x2970] =	vst v1  }
0x2a: {  	[tilespmem:$0x2980] =	vst v1  }
0x2b: {  	[tilespmem:$0x2990] =	vst v1  }
0x2c: {  	[tilespmem:$0x29A0] =	vst v1  }
0x2d: {  	[tilespmem:$0x29B0] =	vst v1  }
0x2e: {  	[tilespmem:$0x29C0] =	vst v1  }
0x2f: {  	[tilespmem:$0x29D0] =	vst v1  }
0x30: {  	[tilespmem:$0x29E0] =	vst v1  }
0x31: {  	[tilespmem:$0x29F0] =	vst v1  }
0x32: {  	[tilespmem:$0x2A00] =	vst v1  }
0x33: {  	[tilespmem:$0x2A10] =	vst v1  }
0x34: {  	[tilespmem:$0x2A20] =	vst v1  }
0x35: {  	[tilespmem:$0x2A30] =	vst v1  }
0x36: {  	[tilespmem:$0x2A40] =	vst v1  }
0x37: {  	[tilespmem:$0x2A50] =	vst v1  }
0x38: {  	[tilespmem:$0x2A60] =	vst v1  }
0x39: {  	[tilespmem:$0x2A70] =	vst v1  }
0x3a: {  	[tilespmem:$0x2A80] =	vst v1  }
0x3b: {  	[tilespmem:$0x2A90] =	vst v1  }
0x3c: {  	[tilespmem:$0x2AA0] =	vst v1  }
0x3d: {  	[tilespmem:$0x2AB0] =	vst v1  }
0x3e: {  	[tilespmem:$0x2AC0] =	vst v1  }
0x3f: {  	[tilespmem:$0x2AD0] =	vst v1  }
0x40: {  	[tilespmem:$0x2AE0] =	vst v1  }
0x41: {  	[tilespmem:$0x2AF0] =	vst v1  }
0x42: {  	[spmem:s5] =	stream.linear.scatter [tilespmem:s9], [sflag:$0x1], $0x280, $0x38;
	[tilespmem:$0x2D80] =	vst v63  }
0x43: {  	_ =	swait.ge [sflag:s8], $0x280  }
0x44: {  	[sflag:s8] =	ssyncset.done $0x0  }
0x45: {  	[sflag:s8] =	ssyncadd.s32 $0xFFFFFD80  }
0x46: {  	s14 =	simm.s32 $0x0;
	[bflag:$0x0] =	sbarrier.arrive $0xFFFF  }
0x47: {  	[spmem:s2] =	stream.indirect.scatter.add.f32 [tilespmem:s11], [sflag:$0x1], $0x1, s14, s10, $0xb8;
	[tilespmem:$0x2D80] =	vst v63  }
0x48: {  	_ =	swait.ge [sflag:s8], $0x80  }
0x49: {  	s14 =	simm.s32 $0x200;
	[sflag:s8] =	ssyncset.done $0x0  }
.LBB2_2:
0x4a: {  	s15 =	sshra.s32 s14, $0x2;
	[sflag:s8] =	ssyncadd.s32 $0xFFFFFF80;
	p0 =	sne.s32 s14, $0x9E00  }
0x4b: {  	[spmem:s2] =	stream.indirect.scatter.add.f32 [tilespmem:s11], [sflag:$0x1], $0x1, s15, s10, $0xb8;
	[tilespmem:$0x2D80] =	vst v63  }
.Ltmp0:
0x4c: {  	_ = 	snop;
	(pc) =	sbr.rel @p0 .LBB2_2-.Ltmp0, $4  }
0x4d: {  	_ = 	snop  }
0x4e: {  	s14 =	sadd.s32 $0x200, s14  }
0x4f: {  	_ =	swait.ge [sflag:s8], $0x80  }
0x50: {  	[sflag:s8] =	ssyncset.done $0x0  }
0x51: {  	[sflag:s8] =	ssyncadd.s32 $0xFFFFFF80  }
0x52: {  	[bflag:$0x0] =	sbarrier.arrive $0xFFFF  }
0x53: {  	[tilespmem:s9], [sflag:$0x1] =	stream.linear.gather [spmem:s5], $0x280, $0x38;
	[tilespmem:$0x2D80] =	vst v63  }
0x54: {  	s13 =	sadd.s32 $0x1, s13;
	_ =	swait.ge [sflag:s8], $0x280  }
0x55: {  	p0 =	sne.s32 s13, s7;
	[sflag:s8] =	ssyncset.done $0x0  }
.Ltmp1:
0x56: {  	[sflag:s8] =	ssyncadd.s32 $0xFFFFFD80;
	(pc) =	sbr.rel @p0 .LBB2_1-.Ltmp1, $4  }
0x57: {  	[hbm4b:s6+s10] =	stream.strided.scatter [tilespmem:s9], [sflag:$0x1], $0x280, s12, s10, $0x38;
	[tilespmem:$0x2D80] =	vst v63  }
0x58: {  	_ =	swait.ge [sflag:s8], $0x280  }
0x59: {  	[sflag:s8] =	ssyncset.done $0x0  }
0x5a: {  	[sflag:s8] =	ssyncadd.s32 $0xFFFFFD80  }
0x5b: {  	_ =	sfence.sel $0x180000  }
0x5c: {  	[bflag:$0x0] =	sbarrier.arrive $0xFFFF  }
0x5d: {  	p0 =	sne.s32 s1, $0x0;
	_ =	strace $0x90000047  }
0x5e: {  	s0 =	sadd.s32 @!p0 $0x100000, s0;
	[bflag:$0x2] =	sbarrier.arrive $0xFFFF  }
0x5f: {  	[sflag:s0] =	ssyncadd.tile.s32 @!p0 $0x1;
	_ =	shalt  }
.Lfunc_end2:
_tile_overlayer_lowered:
.L_overlay_start_2:
0x60: {  	(tag) =	ssettag $0x2  }
0x61: {  	s0 =	rddreg [dreg:$0x0];
	s2 =	stileid.u32  }
0x62: {  	s1 =	rddreg [dreg:$0x1];
	p0 =	sne.s32 s2, $0x0  }
0x63: {  	s3 =	rddreg [dreg:$0x2];
	[bflag:$0x3] =	sbarrier.arrive $0xFFFF;
	s2 =	simm.s32 @!p0 $0x1C01  }
0x64: {  	[timem:s3], [sflag:s2] =	dma.local @!p0 [hbm:s0], s1  }
0x65: {  	s0 =	simm.s32 @!p0 $0x1  }
0x66: {  	_ =	swait.ge @!p0 [sflag:s0], s1  }
0x67: {  	s1 =	ssub.s32 @!p0 $0x0, s1;
	[sflag:s0] =	ssyncset.done @!p0 $0x0  }
0x68: {  	[sflag:s0] =	ssyncadd.s32 @!p0 s1  }
0x69: {  	[bflag:$0x3] =	sbarrier.arrive $0xFFFF  }
0x6a: {  	_ =	shalt  }

</sc_bundles>
